<compile_context>
chip_gen: v7x
topology: tpu7x:2x2x1
jax: 0.10.2.dev20260603
libtpu: 0.0.44.dev20260713+nightly
codegen_flags: <defaults>
</compile_context>

<pallas_src>
import jax
import jax.numpy as jnp
from jax import lax
from jax.experimental import pallas as pl
from jax.experimental.pallas import tpu as pltpu
from jax.experimental.pallas import tpu_sc as plsc

_NH = 32
_S = 8192
_D = 128
_Q = 16
_CH = 448
_NBUF = 2
_CHUNKS = [(i * _CH, _CH) for i in range(_S // _CH)] + [((_S // _CH) * _CH, _S % _CH)]
_NC = len(_CHUNKS)



def _sc_body(pos_ref, vs_ref, vc_ref, vo_ref, buf, srows, idx, sem_g, sem_s):
    h = lax.axis_index("s") * 2 + lax.axis_index("c")
    base = h * _S

    def task(i):
        off, n = _CHUNKS[i]
        off = base + off
        return vc_ref.at[pl.ds(off, n)], vo_ref.at[pl.ds(off, n)], n

    gath = [None] * _NBUF
    scat = [None] * _NBUF
    for i in range(_NBUF - 1):
        s, _, n = task(i)
        gath[i] = pltpu.async_copy(s, buf.at[i, pl.ds(0, n)], sem_g)
    for i in range(_NC):
        b = i % _NBUF
        j = i + _NBUF - 1
        if j < _NC:
            bj = j % _NBUF
            if scat[bj] is not None:
                scat[bj].wait()
                scat[bj] = None
            s, _, n = task(j)
            gath[bj] = pltpu.async_copy(s, buf.at[bj, pl.ds(0, n)], sem_g)
        gath[b].wait()
        _, d, n = task(i)
        scat[b] = pltpu.async_copy(buf.at[b, pl.ds(0, n)], d, sem_s)
    for b in range(_NBUF):
        bb = (_NC + b) % _NBUF
        if scat[bb] is not None:
            scat[bb].wait()
    pltpu.sync_copy(pos_ref, idx)
    idx[...] = idx[...] + base
    pltpu.sync_copy(vs_ref.at[pl.ds(h * _Q, _Q)], srows)
    pltpu.async_copy(srows, vo_ref.at[idx], sem_g).wait()


def _sc_value_update(value_states, cache_position, value_cache):
    vs2 = value_states.reshape(_NH * _Q, _D)
    vc2 = value_cache.reshape(_NH * _S, _D)
    fn = pl.kernel(
        _sc_body,
        out_type=jax.ShapeDtypeStruct((_NH * _S, _D), jnp.float32),
        mesh=plsc.VectorSubcoreMesh(core_axis_name="c", subcore_axis_name="s"),
        scratch_types=[
            pltpu.VMEM((_NBUF, _CH, _D), jnp.float32),
            pltpu.VMEM((_Q, _D), jnp.float32),
            pltpu.VMEM((_Q,), jnp.int32),
            pltpu.SemaphoreType.DMA,
            pltpu.SemaphoreType.DMA,
        ],
    )
    vo = fn(cache_position, vs2, vc2)
    return vo.reshape(value_cache.shape)



def _tc_body(pos_ref, ks_ref, kc_ref, ko_ref):
    ko_ref[...] = kc_ref[...]
    for j in range(_Q):
        p = pos_ref[j]

        @pl.when(jnp.logical_and(p >= 0, p < _S))
        def _():
            ko_ref[0, 0, pl.ds(p, 1), :] = ks_ref[0, 0, pl.ds(j, 1), :]


def _tc_key_update(key_states, cache_position, key_cache):
    cache_spec = pl.BlockSpec((1, 1, _S, _D), lambda h: (0, h, 0, 0))
    states_spec = pl.BlockSpec((1, 1, _Q, _D), lambda h: (0, h, 0, 0))
    return pl.pallas_call(
        _tc_body,
        grid=(_NH,),
        out_shape=jax.ShapeDtypeStruct(key_cache.shape, key_cache.dtype),
        in_specs=[
            pl.BlockSpec(memory_space=pltpu.SMEM),
            states_spec,
            cache_spec,
        ],
        out_specs=cache_spec,
        compiler_params=pltpu.CompilerParams(
            dimension_semantics=("arbitrary",),
        ),
    )(cache_position, key_states, key_cache)


def kernel(key_states, value_states, cache_position, key_cache, value_cache):
    vo = _sc_value_update(value_states, cache_position, value_cache)
    ko = _tc_key_update(key_states, cache_position, key_cache)
    return (ko, vo)

# --- scband reference (transcript-rebuilt; emitter-appended) ---
"""Pipeline reference for scband-static-cache-module-66039417143357 (READ-ONLY COPY).

The authoritative reference and input builder live on the scoring server;
editing this copy changes nothing except your own understanding.
"""

import jax, jax.numpy as jnp
import numpy as np

MAX_CACHE_LEN = 8192
NUM_HEADS = 32
HEAD_DIM = 128
Q_LEN = 16


def setup_inputs(seed: int = 0) -> dict:
    key = jax.random.key(seed)
    k1, k2 = jax.random.split(key)
    key_states = jax.random.normal(k1, (1, NUM_HEADS, Q_LEN, HEAD_DIM), dtype=jnp.float32)
    value_states = jax.random.normal(k2, (1, NUM_HEADS, Q_LEN, HEAD_DIM), dtype=jnp.float32)
    cache_position = jnp.arange(Q_LEN, dtype=jnp.int32)
    # Pre-allocated static KV cache buffers (registered buffers in the torch module)
    key_cache = jnp.zeros((1, NUM_HEADS, MAX_CACHE_LEN, HEAD_DIM), dtype=jnp.float32)
    value_cache = jnp.zeros((1, NUM_HEADS, MAX_CACHE_LEN, HEAD_DIM), dtype=jnp.float32)
    return {
        "key_states": key_states,
        "value_states": value_states,
        "cache_position": cache_position,
        "key_cache": key_cache,
        "value_cache": value_cache,
    }


def reference(key_states, value_states, cache_position, key_cache, value_cache):
    # StaticCache.update: scatter-overwrite new key/value states into the
    # pre-allocated cache at cache_position along the sequence axis, then
    # return the full (cloned) cache tensors.
    k = key_cache.at[:, :, cache_position, :].set(key_states)
    v = value_cache.at[:, :, cache_position, :].set(value_states)
    return (k, v)

if __name__ == "__main__":
    import jax
    _d = setup_inputs()
    print(jax.jit(kernel)(*tuple(_d.values())))

</pallas_src>

<mosaic_0001>
#map = affine_map<(d0, d1) -> (0)>
#map1 = affine_map<(d0, d1) -> (0, 0)>
module attributes {stable_mosaic.version = 14 : i64} {
  func.func @_sc_body(%arg0: i32, %arg1: i32, %arg2: memref<16xi32, #tpu.memory_space<hbm>>, %arg3: memref<512x128xf32, #tpu.memory_space<hbm>>, %arg4: memref<262144x128xf32, #tpu.memory_space<hbm>>, %arg5: memref<262144x128xf32, #tpu.memory_space<hbm>>, %arg6: memref<2x448x128xf32, #tpu.memory_space<vmem>>, %arg7: memref<16x128xf32, #tpu.memory_space<vmem>>, %arg8: memref<16xi32, #tpu.memory_space<vmem>>, %arg9: memref<!tpu.dma_semaphore, #tpu.memory_space<semaphore_mem>>, %arg10: memref<!tpu.dma_semaphore, #tpu.memory_space<semaphore_mem>>) attributes {dimension_semantics = [#tpu.dimension_semantics<core_parallel>, #tpu.dimension_semantics<subcore_parallel>], iteration_bounds = array<i64: 2, 16>, scalar_prefetch = 0 : i64, scratch_operands = 5 : i64, tpu.core_type = #tpu.core_type<sc_vector_subcore>, window_params = [{transform_indices = #map}, {transform_indices = #map1}, {transform_indices = #map1}, {transform_indices = #map1}]} {
    %mul3A = arith.constant 2 : i32
    %mul3A_0 = arith.muli %arg1, %mul3A : i32
    %add3A = arith.addi %mul3A_0, %arg0 : i32
    %mul3A_1 = arith.constant 8192 : i32
    %mul3A_2 = arith.muli %add3A, %mul3A_1 : i32
    %add3A_3 = arith.constant 0 : i32
    %add3A_4 = arith.addi %mul3A_2, %add3A_3 : i32
    %dma_start3A = arith.constant 0 : i32
    %dma_start3A_5 = arith.constant 0 : i32
    %dma_start3A_6 = arith.constant 0 : i32
    %dma_start3A_7 = tpu.memref_slice %arg6[%dma_start3A, %dma_start3A_5, %dma_start3A_6] : memref<2x448x128xf32, #tpu.memory_space<vmem>> -> memref<1x448x128xf32, #tpu.memory_space<vmem>>
    %dma_start3A_8 = tpu.memref_squeeze %dma_start3A_7 : memref<1x448x128xf32, #tpu.memory_space<vmem>> -> memref<448x128xf32, #tpu.memory_space<vmem>>
    %dma_start3A_9 = arith.constant 0 : i32
    %dma_start3A_10 = tpu.memref_slice %arg4[%add3A_4, %dma_start3A_9] : memref<262144x128xf32, #tpu.memory_space<hbm>> -> memref<448x128xf32, #tpu.memory_space<hbm>>
    %dma_start3A_11 = arith.constant 0 : i32
    %dma_start3A_12 = arith.constant 0 : i32
    %dma_start3A_13 = tpu.memref_slice %arg6[%dma_start3A, %dma_start3A_11, %dma_start3A_12] : memref<2x448x128xf32, #tpu.memory_space<vmem>> -> memref<1x448x128xf32, #tpu.memory_space<vmem>>
    %dma_start3A_14 = tpu.memref_squeeze %dma_start3A_13 : memref<1x448x128xf32, #tpu.memory_space<vmem>> -> memref<448x128xf32, #tpu.memory_space<vmem>>
    %dma_start3A_15 = arith.constant 0 : i32
    %dma_start3A_16 = tpu.memref_slice %arg4[%add3A_4, %dma_start3A_15] : memref<262144x128xf32, #tpu.memory_space<hbm>> -> memref<448x128xf32, #tpu.memory_space<hbm>>
    tpu.enqueue_dma source(%dma_start3A_16 : memref<448x128xf32, #tpu.memory_space<hbm>>) target(%dma_start3A_14 : memref<448x128xf32, #tpu.memory_space<vmem>>) target_semaphore(%arg9 : memref<!tpu.dma_semaphore, #tpu.memory_space<semaphore_mem>>)
    %add3A_17 = arith.constant 448 : i32
    %add3A_18 = arith.addi %mul3A_2, %add3A_17 : i32
    %dma_start3A_19 = arith.constant 1 : i32
    %dma_start3A_20 = arith.constant 0 : i32
    %dma_start3A_21 = arith.constant 0 : i32
    %dma_start3A_22 = tpu.memref_slice %arg6[%dma_start3A_19, %dma_start3A_20, %dma_start3A_21] : memref<2x448x128xf32, #tpu.memory_space<vmem>> -> memref<1x448x128xf32, #tpu.memory_space<vmem>>
    %dma_start3A_23 = tpu.memref_squeeze %dma_start3A_22 : memref<1x448x128xf32, #tpu.memory_space<vmem>> -> memref<448x128xf32, #tpu.memory_space<vmem>>
    %dma_start3A_24 = arith.constant 0 : i32
    %dma_start3A_25 = tpu.memref_slice %arg4[%add3A_18, %dma_start3A_24] : memref<262144x128xf32, #tpu.memory_space<hbm>> -> memref<448x128xf32, #tpu.memory_space<hbm>>
    %dma_start3A_26 = arith.constant 0 : i32
    %dma_start3A_27 = arith.constant 0 : i32
    %dma_start3A_28 = tpu.memref_slice %arg6[%dma_start3A_19, %dma_start3A_26, %dma_start3A_27] : memref<2x448x128xf32, #tpu.memory_space<vmem>> -> memref<1x448x128xf32, #tpu.memory_space<vmem>>
    %dma_start3A_29 = tpu.memref_squeeze %dma_start3A_28 : memref<1x448x128xf32, #tpu.memory_space<vmem>> -> memref<448x128xf32, #tpu.memory_space<vmem>>
    %dma_start3A_30 = arith.constant 0 : i32
    %dma_start3A_31 = tpu.memref_slice %arg4[%add3A_18, %dma_start3A_30] : memref<262144x128xf32, #tpu.memory_space<hbm>> -> memref<448x128xf32, #tpu.memory_space<hbm>>
    tpu.enqueue_dma source(%dma_start3A_31 : memref<448x128xf32, #tpu.memory_space<hbm>>) target(%dma_start3A_29 : memref<448x128xf32, #tpu.memory_space<vmem>>) target_semaphore(%arg9 : memref<!tpu.dma_semaphore, #tpu.memory_space<semaphore_mem>>)
    %dma_wait3A = arith.constant 0 : i32
    %dma_wait3A_32 = arith.constant 0 : i32
    %dma_wait3A_33 = arith.constant 0 : i32
    %dma_wait3A_34 = tpu.memref_slice %arg6[%dma_wait3A, %dma_wait3A_32, %dma_wait3A_33] : memref<2x448x128xf32, #tpu.memory_space<vmem>> -> memref<1x448x128xf32, #tpu.memory_space<vmem>>
    %dma_wait3A_35 = tpu.memref_squeeze %dma_wait3A_34 : memref<1x448x128xf32, #tpu.memory_space<vmem>> -> memref<448x128xf32, #tpu.memory_space<vmem>>
    %dma_wait3A_36 = arith.constant 0 : i32
    %dma_wait3A_37 = tpu.memref_slice %arg4[%add3A_4, %dma_wait3A_36] : memref<262144x128xf32, #tpu.memory_space<hbm>> -> memref<448x128xf32, #tpu.memory_space<hbm>>
    %dma_wait3A_38 = arith.constant 0 : i32
    %dma_wait3A_39 = arith.constant 0 : i32
    %dma_wait3A_40 = tpu.memref_slice %arg6[%dma_wait3A, %dma_wait3A_38, %dma_wait3A_39] : memref<2x448x128xf32, #tpu.memory_space<vmem>> -> memref<1x448x128xf32, #tpu.memory_space<vmem>>
    %dma_wait3A_41 = tpu.memref_squeeze %dma_wait3A_40 : memref<1x448x128xf32, #tpu.memory_space<vmem>> -> memref<448x128xf32, #tpu.memory_space<vmem>>
    %dma_wait3A_42 = arith.constant 0 : i32
    %dma_wait3A_43 = tpu.memref_slice %arg4[%add3A_4, %dma_wait3A_42] : memref<262144x128xf32, #tpu.memory_space<hbm>> -> memref<448x128xf32, #tpu.memory_space<hbm>>
    tpu.wait_dma2 semaphore(%arg9 : memref<!tpu.dma_semaphore, #tpu.memory_space<semaphore_mem>>) src(%dma_wait3A_43 : memref<448x128xf32, #tpu.memory_space<hbm>>) dst(%dma_wait3A_41 : memref<448x128xf32, #tpu.memory_space<vmem>>)
    %add3A_44 = arith.constant 0 : i32
    %add3A_45 = arith.addi %mul3A_2, %add3A_44 : i32
    %dma_start3A_46 = arith.constant 0 : i32
    %dma_start3A_47 = arith.constant 0 : i32
    %dma_start3A_48 = arith.constant 0 : i32
    %dma_start3A_49 = tpu.memref_slice %arg6[%dma_start3A_46, %dma_start3A_47, %dma_start3A_48] : memref<2x448x128xf32, #tpu.memory_space<vmem>> -> memref<1x448x128xf32, #tpu.memory_space<vmem>>
    %dma_start3A_50 = tpu.memref_squeeze %dma_start3A_49 : memref<1x448x128xf32, #tpu.memory_space<vmem>> -> memref<448x128xf32, #tpu.memory_space<vmem>>
    %dma_start3A_51 = arith.constant 0 : i32
    %dma_start3A_52 = tpu.memref_slice %arg5[%add3A_45, %dma_start3A_51] : memref<262144x128xf32, #tpu.memory_space<hbm>> -> memref<448x128xf32, #tpu.memory_space<hbm>>
    %dma_start3A_53 = arith.constant 0 : i32
    %dma_start3A_54 = tpu.memref_slice %arg5[%add3A_45, %dma_start3A_53] : memref<262144x128xf32, #tpu.memory_space<hbm>> -> memref<448x128xf32, #tpu.memory_space<hbm>>
    %dma_start3A_55 = arith.constant 0 : i32
    %dma_start3A_56 = arith.constant 0 : i32
    %dma_start3A_57 = tpu.memref_slice %arg6[%dma_start3A_46, %dma_start3A_55, %dma_start3A_56] : memref<2x448x128xf32, #tpu.memory_space<vmem>> -> memref<1x448x128xf32, #tpu.memory_space<vmem>>
    %dma_start3A_58 = tpu.memref_squeeze %dma_start3A_57 : memref<1x448x128xf32, #tpu.memory_space<vmem>> -> memref<448x128xf32, #tpu.memory_space<vmem>>
    tpu.enqueue_dma source(%dma_start3A_58 : memref<448x128xf32, #tpu.memory_space<vmem>>) target(%dma_start3A_54 : memref<448x128xf32, #tpu.memory_space<hbm>>) target_semaphore(%arg10 : memref<!tpu.dma_semaphore, #tpu.memory_space<semaphore_mem>>)
    %dma_wait3A_59 = arith.constant 0 : i32
    %dma_wait3A_60 = arith.constant 0 : i32
    %dma_wait3A_61 = arith.constant 0 : i32
    %dma_wait3A_62 = tpu.memref_slice %arg6[%dma_wait3A_59, %dma_wait3A_60, %dma_wait3A_61] : memref<2x448x128xf32, #tpu.memory_space<vmem>> -> memref<1x448x128xf32, #tpu.memory_space<vmem>>
    %dma_wait3A_63 = tpu.memref_squeeze %dma_wait3A_62 : memref<1x448x128xf32, #tpu.memory_space<vmem>> -> memref<448x128xf32, #tpu.memory_space<vmem>>
    %dma_wait3A_64 = arith.constant 0 : i32
    %dma_wait3A_65 = tpu.memref_slice %arg5[%add3A_45, %dma_wait3A_64] : memref<262144x128xf32, #tpu.memory_space<hbm>> -> memref<448x128xf32, #tpu.memory_space<hbm>>
    %dma_wait3A_66 = arith.constant 0 : i32
    %dma_wait3A_67 = tpu.memref_slice %arg5[%add3A_45, %dma_wait3A_66] : memref<262144x128xf32, #tpu.memory_space<hbm>> -> memref<448x128xf32, #tpu.memory_space<hbm>>
    %dma_wait3A_68 = arith.constant 0 : i32
    %dma_wait3A_69 = arith.constant 0 : i32
    %dma_wait3A_70 = tpu.memref_slice %arg6[%dma_wait3A_59, %dma_wait3A_68, %dma_wait3A_69] : memref<2x448x128xf32, #tpu.memory_space<vmem>> -> memref<1x448x128xf32, #tpu.memory_space<vmem>>
    %dma_wait3A_71 = tpu.memref_squeeze %dma_wait3A_70 : memref<1x448x128xf32, #tpu.memory_space<vmem>> -> memref<448x128xf32, #tpu.memory_space<vmem>>
    tpu.wait_dma2 semaphore(%arg10 : memref<!tpu.dma_semaphore, #tpu.memory_space<semaphore_mem>>) src(%dma_wait3A_71 : memref<448x128xf32, #tpu.memory_space<vmem>>) dst(%dma_wait3A_67 : memref<448x128xf32, #tpu.memory_space<hbm>>)
    %add3A_72 = arith.constant 896 : i32
    %add3A_73 = arith.addi %mul3A_2, %add3A_72 : i32
    %dma_start3A_74 = arith.constant 0 : i32
    %dma_start3A_75 = arith.constant 0 : i32
    %dma_start3A_76 = arith.constant 0 : i32
    %dma_start3A_77 = tpu.memref_slice %arg6[%dma_start3A_74, %dma_start3A_75, %dma_start3A_76] : memref<2x448x128xf32, #tpu.memory_space<vmem>> -> memref<1x448x128xf32, #tpu.memory_space<vmem>>
    %dma_start3A_78 = tpu.memref_squeeze %dma_start3A_77 : memref<1x448x128xf32, #tpu.memory_space<vmem>> -> memref<448x128xf32, #tpu.memory_space<vmem>>
    %dma_start3A_79 = arith.constant 0 : i32
    %dma_start3A_80 = tpu.memref_slice %arg4[%add3A_73, %dma_start3A_79] : memref<262144x128xf32, #tpu.memory_space<hbm>> -> memref<448x128xf32, #tpu.memory_space<hbm>>
    %dma_start3A_81 = arith.constant 0 : i32
    %dma_start3A_82 = arith.constant 0 : i32
    %dma_start3A_83 = tpu.memref_slice %arg6[%dma_start3A_74, %dma_start3A_81, %dma_start3A_82] : memref<2x448x128xf32, #tpu.memory_space<vmem>> -> memref<1x448x128xf32, #tpu.memory_space<vmem>>
    %dma_start3A_84 = tpu.memref_squeeze %dma_start3A_83 : memref<1x448x128xf32, #tpu.memory_space<vmem>> -> memref<448x128xf32, #tpu.memory_space<vmem>>
    %dma_start3A_85 = arith.constant 0 : i32
    %dma_start3A_86 = tpu.memref_slice %arg4[%add3A_73, %dma_start3A_85] : memref<262144x128xf32, #tpu.memory_space<hbm>> -> memref<448x128xf32, #tpu.memory_space<hbm>>
    tpu.enqueue_dma source(%dma_start3A_86 : memref<448x128xf32, #tpu.memory_space<hbm>>) target(%dma_start3A_84 : memref<448x128xf32, #tpu.memory_space<vmem>>) target_semaphore(%arg9 : memref<!tpu.dma_semaphore, #tpu.memory_space<semaphore_mem>>)
    %dma_wait3A_87 = arith.constant 1 : i32
    %dma_wait3A_88 = arith.constant 0 : i32
    %dma_wait3A_89 = arith.constant 0 : i32
    %dma_wait3A_90 = tpu.memref_slice %arg6[%dma_wait3A_87, %dma_wait3A_88, %dma_wait3A_89] : memref<2x448x128xf32, #tpu.memory_space<vmem>> -> memref<1x448x128xf32, #tpu.memory_space<vmem>>
    %dma_wait3A_91 = tpu.memref_squeeze %dma_wait3A_90 : memref<1x448x128xf32, #tpu.memory_space<vmem>> -> memref<448x128xf32, #tpu.memory_space<vmem>>
    %dma_wait3A_92 = arith.constant 0 : i32
    %dma_wait3A_93 = tpu.memref_slice %arg4[%add3A_18, %dma_wait3A_92] : memref<262144x128xf32, #tpu.memory_space<hbm>> -> memref<448x128xf32, #tpu.memory_space<hbm>>
    %dma_wait3A_94 = arith.constant 0 : i32
    %dma_wait3A_95 = arith.constant 0 : i32
    %dma_wait3A_96 = tpu.memref_slice %arg6[%dma_wait3A_87, %dma_wait3A_94, %dma_wait3A_95] : memref<2x448x128xf32, #tpu.memory_space<vmem>> -> memref<1x448x128xf32, #tpu.memory_space<vmem>>
    %dma_wait3A_97 = tpu.memref_squeeze %dma_wait3A_96 : memref<1x448x128xf32, #tpu.memory_space<vmem>> -> memref<448x128xf32, #tpu.memory_space<vmem>>
    %dma_wait3A_98 = arith.constant 0 : i32
    %dma_wait3A_99 = tpu.memref_slice %arg4[%add3A_18, %dma_wait3A_98] : memref<262144x128xf32, #tpu.memory_space<hbm>> -> memref<448x128xf32, #tpu.memory_space<hbm>>
    tpu.wait_dma2 semaphore(%arg9 : memref<!tpu.dma_semaphore, #tpu.memory_space<semaphore_mem>>) src(%dma_wait3A_99 : memref<448x128xf32, #tpu.memory_space<hbm>>) dst(%dma_wait3A_97 : memref<448x128xf32, #tpu.memory_space<vmem>>)
    %add3A_100 = arith.constant 448 : i32
    %add3A_101 = arith.addi %mul3A_2, %add3A_100 : i32
    %dma_start3A_102 = arith.constant 1 : i32
    %dma_start3A_103 = arith.constant 0 : i32
    %dma_start3A_104 = arith.constant 0 : i32
    %dma_start3A_105 = tpu.memref_slice %arg6[%dma_start3A_102, %dma_start3A_103, %dma_start3A_104] : memref<2x448x128xf32, #tpu.memory_space<vmem>> -> memref<1x448x128xf32, #tpu.memory_space<vmem>>
    %dma_start3A_106 = tpu.memref_squeeze %dma_start3A_105 : memref<1x448x128xf32, #tpu.memory_space<vmem>> -> memref<448x128xf32, #tpu.memory_space<vmem>>
    %dma_start3A_107 = arith.constant 0 : i32
    %dma_start3A_108 = tpu.memref_slice %arg5[%add3A_101, %dma_start3A_107] : memref<262144x128xf32, #tpu.memory_space<hbm>> -> memref<448x128xf32, #tpu.memory_space<hbm>>
    %dma_start3A_109 = arith.constant 0 : i32
    %dma_start3A_110 = tpu.memref_slice %arg5[%add3A_101, %dma_start3A_109] : memref<262144x128xf32, #tpu.memory_space<hbm>> -> memref<448x128xf32, #tpu.memory_space<hbm>>
    %dma_start3A_111 = arith.constant 0 : i32
    %dma_start3A_112 = arith.constant 0 : i32
    %dma_start3A_113 = tpu.memref_slice %arg6[%dma_start3A_102, %dma_start3A_111, %dma_start3A_112] : memref<2x448x128xf32, #tpu.memory_space<vmem>> -> memref<1x448x128xf32, #tpu.memory_space<vmem>>
    %dma_start3A_114 = tpu.memref_squeeze %dma_start3A_113 : memref<1x448x128xf32, #tpu.memory_space<vmem>> -> memref<448x128xf32, #tpu.memory_space<vmem>>
    tpu.enqueue_dma source(%dma_start3A_114 : memref<448x128xf32, #tpu.memory_space<vmem>>) target(%dma_start3A_110 : memref<448x128xf32, #tpu.memory_space<hbm>>) target_semaphore(%arg10 : memref<!tpu.dma_semaphore, #tpu.memory_space<semaphore_mem>>)
    %dma_wait3A_115 = arith.constant 1 : i32
    %dma_wait3A_116 = arith.constant 0 : i32
    %dma_wait3A_117 = arith.constant 0 : i32
    %dma_wait3A_118 = tpu.memref_slice %arg6[%dma_wait3A_115, %dma_wait3A_116, %dma_wait3A_117] : memref<2x448x128xf32, #tpu.memory_space<vmem>> -> memref<1x448x128xf32, #tpu.memory_space<vmem>>
    %dma_wait3A_119 = tpu.memref_squeeze %dma_wait3A_118 : memref<1x448x128xf32, #tpu.memory_space<vmem>> -> memref<448x128xf32, #tpu.memory_space<vmem>>
    %dma_wait3A_120 = arith.constant 0 : i32
    %dma_wait3A_121 = tpu.memref_slice %arg5[%add3A_101, %dma_wait3A_120] : memref<262144x128xf32, #tpu.memory_space<hbm>> -> memref<448x128xf32, #tpu.memory_space<hbm>>
    %dma_wait3A_122 = arith.constant 0 : i32
    %dma_wait3A_123 = tpu.memref_slice %arg5[%add3A_101, %dma_wait3A_122] : memref<262144x128xf32, #tpu.memory_space<hbm>> -> memref<448x128xf32, #tpu.memory_space<hbm>>
    %dma_wait3A_124 = arith.constant 0 : i32
    %dma_wait3A_125 = arith.constant 0 : i32
    %dma_wait3A_126 = tpu.memref_slice %arg6[%dma_wait3A_115, %dma_wait3A_124, %dma_wait3A_125] : memref<2x448x128xf32, #tpu.memory_space<vmem>> -> memref<1x448x128xf32, #tpu.memory_space<vmem>>
    %dma_wait3A_127 = tpu.memref_squeeze %dma_wait3A_126 : memref<1x448x128xf32, #tpu.memory_space<vmem>> -> memref<448x128xf32, #tpu.memory_space<vmem>>
    tpu.wait_dma2 semaphore(%arg10 : memref<!tpu.dma_semaphore, #tpu.memory_space<semaphore_mem>>) src(%dma_wait3A_127 : memref<448x128xf32, #tpu.memory_space<vmem>>) dst(%dma_wait3A_123 : memref<448x128xf32, #tpu.memory_space<hbm>>)
    %add3A_128 = arith.constant 1344 : i32
    %add3A_129 = arith.addi %mul3A_2, %add3A_128 : i32
    %dma_start3A_130 = arith.constant 1 : i32
    %dma_start3A_131 = arith.constant 0 : i32
    %dma_start3A_132 = arith.constant 0 : i32
    %dma_start3A_133 = tpu.memref_slice %arg6[%dma_start3A_130, %dma_start3A_131, %dma_start3A_132] : memref<2x448x128xf32, #tpu.memory_space<vmem>> -> memref<1x448x128xf32, #tpu.memory_space<vmem>>
    %dma_start3A_134 = tpu.memref_squeeze %dma_start3A_133 : memref<1x448x128xf32, #tpu.memory_space<vmem>> -> memref<448x128xf32, #tpu.memory_space<vmem>>
    %dma_start3A_135 = arith.constant 0 : i32
    %dma_start3A_136 = tpu.memref_slice %arg4[%add3A_129, %dma_start3A_135] : memref<262144x128xf32, #tpu.memory_space<hbm>> -> memref<448x128xf32, #tpu.memory_space<hbm>>
    %dma_start3A_137 = arith.constant 0 : i32
    %dma_start3A_138 = arith.constant 0 : i32
    %dma_start3A_139 = tpu.memref_slice %arg6[%dma_start3A_130, %dma_start3A_137, %dma_start3A_138] : memref<2x448x128xf32, #tpu.memory_space<vmem>> -> memref<1x448x128xf32, #tpu.memory_space<vmem>>
    %dma_start3A_140 = tpu.memref_squeeze %dma_start3A_139 : memref<1x448x128xf32, #tpu.memory_space<vmem>> -> memref<448x128xf32, #tpu.memory_space<vmem>>
    %dma_start3A_141 = arith.constant 0 : i32
    %dma_start3A_142 = tpu.memref_slice %arg4[%add3A_129, %dma_start3A_141] : memref<262144x128xf32, #tpu.memory_space<hbm>> -> memref<448x128xf32, #tpu.memory_space<hbm>>
    tpu.enqueue_dma source(%dma_start3A_142 : memref<448x128xf32, #tpu.memory_space<hbm>>) target(%dma_start3A_140 : memref<448x128xf32, #tpu.memory_space<vmem>>) target_semaphore(%arg9 : memref<!tpu.dma_semaphore, #tpu.memory_space<semaphore_mem>>)
    %dma_wait3A_143 = arith.constant 0 : i32
    %dma_wait3A_144 = arith.constant 0 : i32
    %dma_wait3A_145 = arith.constant 0 : i32
    %dma_wait3A_146 = tpu.memref_slice %arg6[%dma_wait3A_143, %dma_wait3A_144, %dma_wait3A_145] : memref<2x448x128xf32, #tpu.memory_space<vmem>> -> memref<1x448x128xf32, #tpu.memory_space<vmem>>
    %dma_wait3A_147 = tpu.memref_squeeze %dma_wait3A_146 : memref<1x448x128xf32, #tpu.memory_space<vmem>> -> memref<448x128xf32, #tpu.memory_space<vmem>>
    %dma_wait3A_148 = arith.constant 0 : i32
    %dma_wait3A_149 = tpu.memref_slice %arg4[%add3A_73, %dma_wait3A_148] : memref<262144x128xf32, #tpu.memory_space<hbm>> -> memref<448x128xf32, #tpu.memory_space<hbm>>
    %dma_wait3A_150 = arith.constant 0 : i32
    %dma_wait3A_151 = arith.constant 0 : i32
    %dma_wait3A_152 = tpu.memref_slice %arg6[%dma_wait3A_143, %dma_wait3A_150, %dma_wait3A_151] : memref<2x448x128xf32, #tpu.memory_space<vmem>> -> memref<1x448x128xf32, #tpu.memory_space<vmem>>
    %dma_wait3A_153 = tpu.memref_squeeze %dma_wait3A_152 : memref<1x448x128xf32, #tpu.memory_space<vmem>> -> memref<448x128xf32, #tpu.memory_space<vmem>>
    %dma_wait3A_154 = arith.constant 0 : i32
    %dma_wait3A_155 = tpu.memref_slice %arg4[%add3A_73, %dma_wait3A_154] : memref<262144x128xf32, #tpu.memory_space<hbm>> -> memref<448x128xf32, #tpu.memory_space<hbm>>
    tpu.wait_dma2 semaphore(%arg9 : memref<!tpu.dma_semaphore, #tpu.memory_space<semaphore_mem>>) src(%dma_wait3A_155 : memref<448x128xf32, #tpu.memory_space<hbm>>) dst(%dma_wait3A_153 : memref<448x128xf32, #tpu.memory_space<vmem>>)
    %add3A_156 = arith.constant 896 : i32
    %add3A_157 = arith.addi %mul3A_2, %add3A_156 : i32
    %dma_start3A_158 = arith.constant 0 : i32
    %dma_start3A_159 = arith.constant 0 : i32
    %dma_start3A_160 = arith.constant 0 : i32
    %dma_start3A_161 = tpu.memref_slice %arg6[%dma_start3A_158, %dma_start3A_159, %dma_start3A_160] : memref<2x448x128xf32, #tpu.memory_space<vmem>> -> memref<1x448x128xf32, #tpu.memory_space<vmem>>
    %dma_start3A_162 = tpu.memref_squeeze %dma_start3A_161 : memref<1x448x128xf32, #tpu.memory_space<vmem>> -> memref<448x128xf32, #tpu.memory_space<vmem>>
    %dma_start3A_163 = arith.constant 0 : i32
    %dma_start3A_164 = tpu.memref_slice %arg5[%add3A_157, %dma_start3A_163] : memref<262144x128xf32, #tpu.memory_space<hbm>> -> memref<448x128xf32, #tpu.memory_space<hbm>>
    %dma_start3A_165 = arith.constant 0 : i32
    %dma_start3A_166 = tpu.memref_slice %arg5[%add3A_157, %dma_start3A_165] : memref<262144x128xf32, #tpu.memory_space<hbm>> -> memref<448x128xf32, #tpu.memory_space<hbm>>
    %dma_start3A_167 = arith.constant 0 : i32
    %dma_start3A_168 = arith.constant 0 : i32
    %dma_start3A_169 = tpu.memref_slice %arg6[%dma_start3A_158, %dma_start3A_167, %dma_start3A_168] : memref<2x448x128xf32, #tpu.memory_space<vmem>> -> memref<1x448x128xf32, #tpu.memory_space<vmem>>
    %dma_start3A_170 = tpu.memref_squeeze %dma_start3A_169 : memref<1x448x128xf32, #tpu.memory_space<vmem>> -> memref<448x128xf32, #tpu.memory_space<vmem>>
    tpu.enqueue_dma source(%dma_start3A_170 : memref<448x128xf32, #tpu.memory_space<vmem>>) target(%dma_start3A_166 : memref<448x128xf32, #tpu.memory_space<hbm>>) target_semaphore(%arg10 : memref<!tpu.dma_semaphore, #tpu.memory_space<semaphore_mem>>)
    %dma_wait3A_171 = arith.constant 0 : i32
    %dma_wait3A_172 = arith.constant 0 : i32
    %dma_wait3A_173 = arith.constant 0 : i32
    %dma_wait3A_174 = tpu.memref_slice %arg6[%dma_wait3A_171, %dma_wait3A_172, %dma_wait3A_173] : memref<2x448x128xf32, #tpu.memory_space<vmem>> -> memref<1x448x128xf32, #tpu.memory_space<vmem>>
    %dma_wait3A_175 = tpu.memref_squeeze %dma_wait3A_174 : memref<1x448x128xf32, #tpu.memory_space<vmem>> -> memref<448x128xf32, #tpu.memory_space<vmem>>
    %dma_wait3A_176 = arith.constant 0 : i32
    %dma_wait3A_177 = tpu.memref_slice %arg5[%add3A_157, %dma_wait3A_176] : memref<262144x128xf32, #tpu.memory_space<hbm>> -> memref<448x128xf32, #tpu.memory_space<hbm>>
    %dma_wait3A_178 = arith.constant 0 : i32
    %dma_wait3A_179 = tpu.memref_slice %arg5[%add3A_157, %dma_wait3A_178] : memref<262144x128xf32, #tpu.memory_space<hbm>> -> memref<448x128xf32, #tpu.memory_space<hbm>>
    %dma_wait3A_180 = arith.constant 0 : i32
    %dma_wait3A_181 = arith.constant 0 : i32
    %dma_wait3A_182 = tpu.memref_slice %arg6[%dma_wait3A_171, %dma_wait3A_180, %dma_wait3A_181] : memref<2x448x128xf32, #tpu.memory_space<vmem>> -> memref<1x448x128xf32, #tpu.memory_space<vmem>>
    %dma_wait3A_183 = tpu.memref_squeeze %dma_wait3A_182 : memref<1x448x128xf32, #tpu.memory_space<vmem>> -> memref<448x128xf32, #tpu.memory_space<vmem>>
    tpu.wait_dma2 semaphore(%arg10 : memref<!tpu.dma_semaphore, #tpu.memory_space<semaphore_mem>>) src(%dma_wait3A_183 : memref<448x128xf32, #tpu.memory_space<vmem>>) dst(%dma_wait3A_179 : memref<448x128xf32, #tpu.memory_space<hbm>>)
    %add3A_184 = arith.constant 1792 : i32
    %add3A_185 = arith.addi %mul3A_2, %add3A_184 : i32
    %dma_start3A_186 = arith.constant 0 : i32
    %dma_start3A_187 = arith.constant 0 : i32
    %dma_start3A_188 = arith.constant 0 : i32
    %dma_start3A_189 = tpu.memref_slice %arg6[%dma_start3A_186, %dma_start3A_187, %dma_start3A_188] : memref<2x448x128xf32, #tpu.memory_space<vmem>> -> memref<1x448x128xf32, #tpu.memory_space<vmem>>
    %dma_start3A_190 = tpu.memref_squeeze %dma_start3A_189 : memref<1x448x128xf32, #tpu.memory_space<vmem>> -> memref<448x128xf32, #tpu.memory_space<vmem>>
    %dma_start3A_191 = arith.constant 0 : i32
    %dma_start3A_192 = tpu.memref_slice %arg4[%add3A_185, %dma_start3A_191] : memref<262144x128xf32, #tpu.memory_space<hbm>> -> memref<448x128xf32, #tpu.memory_space<hbm>>
    %dma_start3A_193 = arith.constant 0 : i32
    %dma_start3A_194 = arith.constant 0 : i32
    %dma_start3A_195 = tpu.memref_slice %arg6[%dma_start3A_186, %dma_start3A_193, %dma_start3A_194] : memref<2x448x128xf32, #tpu.memory_space<vmem>> -> memref<1x448x128xf32, #tpu.memory_space<vmem>>
    %dma_start3A_196 = tpu.memref_squeeze %dma_start3A_195 : memref<1x448x128xf32, #tpu.memory_space<vmem>> -> memref<448x128xf32, #tpu.memory_space<vmem>>
    %dma_start3A_197 = arith.constant 0 : i32
    %dma_start3A_198 = tpu.memref_slice %arg4[%add3A_185, %dma_start3A_197] : memref<262144x128xf32, #tpu.memory_space<hbm>> -> memref<448x128xf32, #tpu.memory_space<hbm>>
    tpu.enqueue_dma source(%dma_start3A_198 : memref<448x128xf32, #tpu.memory_space<hbm>>) target(%dma_start3A_196 : memref<448x128xf32, #tpu.memory_space<vmem>>) target_semaphore(%arg9 : memref<!tpu.dma_semaphore, #tpu.memory_space<semaphore_mem>>)
    %dma_wait3A_199 = arith.constant 1 : i32
    %dma_wait3A_200 = arith.constant 0 : i32
    %dma_wait3A_201 = arith.constant 0 : i32
    %dma_wait3A_202 = tpu.memref_slice %arg6[%dma_wait3A_199, %dma_wait3A_200, %dma_wait3A_201] : memref<2x448x128xf32, #tpu.memory_space<vmem>> -> memref<1x448x128xf32, #tpu.memory_space<vmem>>
    %dma_wait3A_203 = tpu.memref_squeeze %dma_wait3A_202 : memref<1x448x128xf32, #tpu.memory_space<vmem>> -> memref<448x128xf32, #tpu.memory_space<vmem>>
    %dma_wait3A_204 = arith.constant 0 : i32
    %dma_wait3A_205 = tpu.memref_slice %arg4[%add3A_129, %dma_wait3A_204] : memref<262144x128xf32, #tpu.memory_space<hbm>> -> memref<448x128xf32, #tpu.memory_space<hbm>>
    %dma_wait3A_206 = arith.constant 0 : i32
    %dma_wait3A_207 = arith.constant 0 : i32
    %dma_wait3A_208 = tpu.memref_slice %arg6[%dma_wait3A_199, %dma_wait3A_206, %dma_wait3A_207] : memref<2x448x128xf32, #tpu.memory_space<vmem>> -> memref<1x448x128xf32, #tpu.memory_space<vmem>>
    %dma_wait3A_209 = tpu.memref_squeeze %dma_wait3A_208 : memref<1x448x128xf32, #tpu.memory_space<vmem>> -> memref<448x128xf32, #tpu.memory_space<vmem>>
    %dma_wait3A_210 = arith.constant 0 : i32
    %dma_wait3A_211 = tpu.memref_slice %arg4[%add3A_129, %dma_wait3A_210] : memref<262144x128xf32, #tpu.memory_space<hbm>> -> memref<448x128xf32, #tpu.memory_space<hbm>>
    tpu.wait_dma2 semaphore(%arg9 : memref<!tpu.dma_semaphore, #tpu.memory_space<semaphore_mem>>) src(%dma_wait3A_211 : memref<448x128xf32, #tpu.memory_space<hbm>>) dst(%dma_wait3A_209 : memref<448x128xf32, #tpu.memory_space<vmem>>)
    %add3A_212 = arith.constant 1344 : i32
    %add3A_213 = arith.addi %mul3A_2, %add3A_212 : i32
    %dma_start3A_214 = arith.constant 1 : i32
    %dma_start3A_215 = arith.constant 0 : i32
    %dma_start3A_216 = arith.constant 0 : i32
    %dma_start3A_217 = tpu.memref_slice %arg6[%dma_start3A_214, %dma_start3A_215, %dma_start3A_216] : memref<2x448x128xf32, #tpu.memory_space<vmem>> -> memref<1x448x128xf32, #tpu.memory_space<vmem>>
    %dma_start3A_218 = tpu.memref_squeeze %dma_start3A_217 : memref<1x448x128xf32, #tpu.memory_space<vmem>> -> memref<448x128xf32, #tpu.memory_space<vmem>>
    %dma_start3A_219 = arith.constant 0 : i32
    %dma_start3A_220 = tpu.memref_slice %arg5[%add3A_213, %dma_start3A_219] : memref<262144x128xf32, #tpu.memory_space<hbm>> -> memref<448x128xf32, #tpu.memory_space<hbm>>
    %dma_start3A_221 = arith.constant 0 : i32
    %dma_start3A_222 = tpu.memref_slice %arg5[%add3A_213, %dma_start3A_221] : memref<262144x128xf32, #tpu.memory_space<hbm>> -> memref<448x128xf32, #tpu.memory_space<hbm>>
    %dma_start3A_223 = arith.constant 0 : i32
    %dma_start3A_224 = arith.constant 0 : i32
    %dma_start3A_225 = tpu.memref_slice %arg6[%dma_start3A_214, %dma_start3A_223, %dma_start3A_224] : memref<2x448x128xf32, #tpu.memory_space<vmem>> -> memref<1x448x128xf32, #tpu.memory_space<vmem>>
    %dma_start3A_226 = tpu.memref_squeeze %dma_start3A_225 : memref<1x448x128xf32, #tpu.memory_space<vmem>> -> memref<448x128xf32, #tpu.memory_space<vmem>>
    tpu.enqueue_dma source(%dma_start3A_226 : memref<448x128xf32, #tpu.memory_space<vmem>>) target(%dma_start3A_222 : memref<448x128xf32, #tpu.memory_space<hbm>>) target_semaphore(%arg10 : memref<!tpu.dma_semaphore, #tpu.memory_space<semaphore_mem>>)
    %dma_wait3A_227 = arith.constant 1 : i32
    %dma_wait3A_228 = arith.constant 0 : i32
    %dma_wait3A_229 = arith.constant 0 : i32
    %dma_wait3A_230 = tpu.memref_slice %arg6[%dma_wait3A_227, %dma_wait3A_228, %dma_wait3A_229] : memref<2x448x128xf32, #tpu.memory_space<vmem>> -> memref<1x448x128xf32, #tpu.memory_space<vmem>>
    %dma_wait3A_231 = tpu.memref_squeeze %dma_wait3A_230 : memref<1x448x128xf32, #tpu.memory_space<vmem>> -> memref<448x128xf32, #tpu.memory_space<vmem>>
    %dma_wait3A_232 = arith.constant 0 : i32
    %dma_wait3A_233 = tpu.memref_slice %arg5[%add3A_213, %dma_wait3A_232] : memref<262144x128xf32, #tpu.memory_space<hbm>> -> memref<448x128xf32, #tpu.memory_space<hbm>>
    %dma_wait3A_234 = arith.constant 0 : i32
    %dma_wait3A_235 = tpu.memref_slice %arg5[%add3A_213, %dma_wait3A_234] : memref<262144x128xf32, #tpu.memory_space<hbm>> -> memref<448x128xf32, #tpu.memory_space<hbm>>
    %dma_wait3A_236 = arith.constant 0 : i32
    %dma_wait3A_237 = arith.constant 0 : i32
    %dma_wait3A_238 = tpu.memref_slice %arg6[%dma_wait3A_227, %dma_wait3A_236, %dma_wait3A_237] : memref<2x448x128xf32, #tpu.memory_space<vmem>> -> memref<1x448x128xf32, #tpu.memory_space<vmem>>
    %dma_wait3A_239 = tpu.memref_squeeze %dma_wait3A_238 : memref<1x448x128xf32, #tpu.memory_space<vmem>> -> memref<448x128xf32, #tpu.memory_space<vmem>>
    tpu.wait_dma2 semaphore(%arg10 : memref<!tpu.dma_semaphore, #tpu.memory_space<semaphore_mem>>) src(%dma_wait3A_239 : memref<448x128xf32, #tpu.memory_space<vmem>>) dst(%dma_wait3A_235 : memref<448x128xf32, #tpu.memory_space<hbm>>)
    %add3A_240 = arith.constant 2240 : i32
    %add3A_241 = arith.addi %mul3A_2, %add3A_240 : i32
    %dma_start3A_242 = arith.constant 1 : i32
    %dma_start3A_243 = arith.constant 0 : i32
    %dma_start3A_244 = arith.constant 0 : i32
    %dma_start3A_245 = tpu.memref_slice %arg6[%dma_start3A_242, %dma_start3A_243, %dma_start3A_244] : memref<2x448x128xf32, #tpu.memory_space<vmem>> -> memref<1x448x128xf32, #tpu.memory_space<vmem>>
    %dma_start3A_246 = tpu.memref_squeeze %dma_start3A_245 : memref<1x448x128xf32, #tpu.memory_space<vmem>> -> memref<448x128xf32, #tpu.memory_space<vmem>>
    %dma_start3A_247 = arith.constant 0 : i32
    %dma_start3A_248 = tpu.memref_slice %arg4[%add3A_241, %dma_start3A_247] : memref<262144x128xf32, #tpu.memory_space<hbm>> -> memref<448x128xf32, #tpu.memory_space<hbm>>
    %dma_start3A_249 = arith.constant 0 : i32
    %dma_start3A_250 = arith.constant 0 : i32
    %dma_start3A_251 = tpu.memref_slice %arg6[%dma_start3A_242, %dma_start3A_249, %dma_start3A_250] : memref<2x448x128xf32, #tpu.memory_space<vmem>> -> memref<1x448x128xf32, #tpu.memory_space<vmem>>
    %dma_start3A_252 = tpu.memref_squeeze %dma_start3A_251 : memref<1x448x128xf32, #tpu.memory_space<vmem>> -> memref<448x128xf32, #tpu.memory_space<vmem>>
    %dma_start3A_253 = arith.constant 0 : i32
    %dma_start3A_254 = tpu.memref_slice %arg4[%add3A_241, %dma_start3A_253] : memref<262144x128xf32, #tpu.memory_space<hbm>> -> memref<448x128xf32, #tpu.memory_space<hbm>>
    tpu.enqueue_dma source(%dma_start3A_254 : memref<448x128xf32, #tpu.memory_space<hbm>>) target(%dma_start3A_252 : memref<448x128xf32, #tpu.memory_space<vmem>>) target_semaphore(%arg9 : memref<!tpu.dma_semaphore, #tpu.memory_space<semaphore_mem>>)
    %dma_wait3A_255 = arith.constant 0 : i32
    %dma_wait3A_256 = arith.constant 0 : i32
    %dma_wait3A_257 = arith.constant 0 : i32
    %dma_wait3A_258 = tpu.memref_slice %arg6[%dma_wait3A_255, %dma_wait3A_256, %dma_wait3A_257] : memref<2x448x128xf32, #tpu.memory_space<vmem>> -> memref<1x448x128xf32, #tpu.memory_space<vmem>>
    %dma_wait3A_259 = tpu.memref_squeeze %dma_wait3A_258 : memref<1x448x128xf32, #tpu.memory_space<vmem>> -> memref<448x128xf32, #tpu.memory_space<vmem>>
    %dma_wait3A_260 = arith.constant 0 : i32
    %dma_wait3A_261 = tpu.memref_slice %arg4[%add3A_185, %dma_wait3A_260] : memref<262144x128xf32, #tpu.memory_space<hbm>> -> memref<448x128xf32, #tpu.memory_space<hbm>>
    %dma_wait3A_262 = arith.constant 0 : i32
    %dma_wait3A_263 = arith.constant 0 : i32
    %dma_wait3A_264 = tpu.memref_slice %arg6[%dma_wait3A_255, %dma_wait3A_262, %dma_wait3A_263] : memref<2x448x128xf32, #tpu.memory_space<vmem>> -> memref<1x448x128xf32, #tpu.memory_space<vmem>>
    %dma_wait3A_265 = tpu.memref_squeeze %dma_wait3A_264 : memref<1x448x128xf32, #tpu.memory_space<vmem>> -> memref<448x128xf32, #tpu.memory_space<vmem>>
    %dma_wait3A_266 = arith.constant 0 : i32
    %dma_wait3A_267 = tpu.memref_slice %arg4[%add3A_185, %dma_wait3A_266] : memref<262144x128xf32, #tpu.memory_space<hbm>> -> memref<448x128xf32, #tpu.memory_space<hbm>>
    tpu.wait_dma2 semaphore(%arg9 : memref<!tpu.dma_semaphore, #tpu.memory_space<semaphore_mem>>) src(%dma_wait3A_267 : memref<448x128xf32, #tpu.memory_space<hbm>>) dst(%dma_wait3A_265 : memref<448x128xf32, #tpu.memory_space<vmem>>)
    %add3A_268 = arith.constant 1792 : i32
    %add3A_269 = arith.addi %mul3A_2, %add3A_268 : i32
    %dma_start3A_270 = arith.constant 0 : i32
    %dma_start3A_271 = arith.constant 0 : i32
    %dma_start3A_272 = arith.constant 0 : i32
    %dma_start3A_273 = tpu.memref_slice %arg6[%dma_start3A_270, %dma_start3A_271, %dma_start3A_272] : memref<2x448x128xf32, #tpu.memory_space<vmem>> -> memref<1x448x128xf32, #tpu.memory_space<vmem>>
    %dma_start3A_274 = tpu.memref_squeeze %dma_start3A_273 : memref<1x448x128xf32, #tpu.memory_space<vmem>> -> memref<448x128xf32, #tpu.memory_space<vmem>>
    %dma_start3A_275 = arith.constant 0 : i32
    %dma_start3A_276 = tpu.memref_slice %arg5[%add3A_269, %dma_start3A_275] : memref<262144x128xf32, #tpu.memory_space<hbm>> -> memref<448x128xf32, #tpu.memory_space<hbm>>
    %dma_start3A_277 = arith.constant 0 : i32
    %dma_start3A_278 = tpu.memref_slice %arg5[%add3A_269, %dma_start3A_277] : memref<262144x128xf32, #tpu.memory_space<hbm>> -> memref<448x128xf32, #tpu.memory_space<hbm>>
    %dma_start3A_279 = arith.constant 0 : i32
    %dma_start3A_280 = arith.constant 0 : i32
    %dma_start3A_281 = tpu.memref_slice %arg6[%dma_start3A_270, %dma_start3A_279, %dma_start3A_280] : memref<2x448x128xf32, #tpu.memory_space<vmem>> -> memref<1x448x128xf32, #tpu.memory_space<vmem>>
    %dma_start3A_282 = tpu.memref_squeeze %dma_start3A_281 : memref<1x448x128xf32, #tpu.memory_space<vmem>> -> memref<448x128xf32, #tpu.memory_space<vmem>>
    tpu.enqueue_dma source(%dma_start3A_282 : memref<448x128xf32, #tpu.memory_space<vmem>>) target(%dma_start3A_278 : memref<448x128xf32, #tpu.memory_space<hbm>>) target_semaphore(%arg10 : memref<!tpu.dma_semaphore, #tpu.memory_space<semaphore_mem>>)
    %dma_wait3A_283 = arith.constant 0 : i32
    %dma_wait3A_284 = arith.constant 0 : i32
    %dma_wait3A_285 = arith.constant 0 : i32
    %dma_wait3A_286 = tpu.memref_slice %arg6[%dma_wait3A_283, %dma_wait3A_284, %dma_wait3A_285] : memref<2x448x128xf32, #tpu.memory_space<vmem>> -> memref<1x448x128xf32, #tpu.memory_space<vmem>>
    %dma_wait3A_287 = tpu.memref_squeeze %dma_wait3A_286 : memref<1x448x128xf32, #tpu.memory_space<vmem>> -> memref<448x128xf32, #tpu.memory_space<vmem>>
    %dma_wait3A_288 = arith.constant 0 : i32
    %dma_wait3A_289 = tpu.memref_slice %arg5[%add3A_269, %dma_wait3A_288] : memref<262144x128xf32, #tpu.memory_space<hbm>> -> memref<448x128xf32, #tpu.memory_space<hbm>>
    %dma_wait3A_290 = arith.constant 0 : i32
    %dma_wait3A_291 = tpu.memref_slice %arg5[%add3A_269, %dma_wait3A_290] : memref<262144x128xf32, #tpu.memory_space<hbm>> -> memref<448x128xf32, #tpu.memory_space<hbm>>
    %dma_wait3A_292 = arith.constant 0 : i32
    %dma_wait3A_293 = arith.constant 0 : i32
    %dma_wait3A_294 = tpu.memref_slice %arg6[%dma_wait3A_283, %dma_wait3A_292, %dma_wait3A_293] : memref<2x448x128xf32, #tpu.memory_space<vmem>> -> memref<1x448x128xf32, #tpu.memory_space<vmem>>
    %dma_wait3A_295 = tpu.memref_squeeze %dma_wait3A_294 : memref<1x448x128xf32, #tpu.memory_space<vmem>> -> memref<448x128xf32, #tpu.memory_space<vmem>>
    tpu.wait_dma2 semaphore(%arg10 : memref<!tpu.dma_semaphore, #tpu.memory_space<semaphore_mem>>) src(%dma_wait3A_295 : memref<448x128xf32, #tpu.memory_space<vmem>>) dst(%dma_wait3A_291 : memref<448x128xf32, #tpu.memory_space<hbm>>)
    %add3A_296 = arith.constant 2688 : i32
    %add3A_297 = arith.addi %mul3A_2, %add3A_296 : i32
    %dma_start3A_298 = arith.constant 0 : i32
    %dma_start3A_299 = arith.constant 0 : i32
    %dma_start3A_300 = arith.constant 0 : i32
    %dma_start3A_301 = tpu.memref_slice %arg6[%dma_start3A_298, %dma_start3A_299, %dma_start3A_300] : memref<2x448x128xf32, #tpu.memory_space<vmem>> -> memref<1x448x128xf32, #tpu.memory_space<vmem>>
    %dma_start3A_302 = tpu.memref_squeeze %dma_start3A_301 : memref<1x448x128xf32, #tpu.memory_space<vmem>> -> memref<448x128xf32, #tpu.memory_space<vmem>>
    %dma_start3A_303 = arith.constant 0 : i32
    %dma_start3A_304 = tpu.memref_slice %arg4[%add3A_297, %dma_start3A_303] : memref<262144x128xf32, #tpu.memory_space<hbm>> -> memref<448x128xf32, #tpu.memory_space<hbm>>
    %dma_start3A_305 = arith.constant 0 : i32
    %dma_start3A_306 = arith.constant 0 : i32
    %dma_start3A_307 = tpu.memref_slice %arg6[%dma_start3A_298, %dma_start3A_305, %dma_start3A_306] : memref<2x448x128xf32, #tpu.memory_space<vmem>> -> memref<1x448x128xf32, #tpu.memory_space<vmem>>
    %dma_start3A_308 = tpu.memref_squeeze %dma_start3A_307 : memref<1x448x128xf32, #tpu.memory_space<vmem>> -> memref<448x128xf32, #tpu.memory_space<vmem>>
    %dma_start3A_309 = arith.constant 0 : i32
    %dma_start3A_310 = tpu.memref_slice %arg4[%add3A_297, %dma_start3A_309] : memref<262144x128xf32, #tpu.memory_space<hbm>> -> memref<448x128xf32, #tpu.memory_space<hbm>>
    tpu.enqueue_dma source(%dma_start3A_310 : memref<448x128xf32, #tpu.memory_space<hbm>>) target(%dma_start3A_308 : memref<448x128xf32, #tpu.memory_space<vmem>>) target_semaphore(%arg9 : memref<!tpu.dma_semaphore, #tpu.memory_space<semaphore_mem>>)
    %dma_wait3A_311 = arith.constant 1 : i32
    %dma_wait3A_312 = arith.constant 0 : i32
    %dma_wait3A_313 = arith.constant 0 : i32
    %dma_wait3A_314 = tpu.memref_slice %arg6[%dma_wait3A_311, %dma_wait3A_312, %dma_wait3A_313] : memref<2x448x128xf32, #tpu.memory_space<vmem>> -> memref<1x448x128xf32, #tpu.memory_space<vmem>>
    %dma_wait3A_315 = tpu.memref_squeeze %dma_wait3A_314 : memref<1x448x128xf32, #tpu.memory_space<vmem>> -> memref<448x128xf32, #tpu.memory_space<vmem>>
    %dma_wait3A_316 = arith.constant 0 : i32
    %dma_wait3A_317 = tpu.memref_slice %arg4[%add3A_241, %dma_wait3A_316] : memref<262144x128xf32, #tpu.memory_space<hbm>> -> memref<448x128xf32, #tpu.memory_space<hbm>>
    %dma_wait3A_318 = arith.constant 0 : i32
    %dma_wait3A_319 = arith.constant 0 : i32
    %dma_wait3A_320 = tpu.memref_slice %arg6[%dma_wait3A_311, %dma_wait3A_318, %dma_wait3A_319] : memref<2x448x128xf32, #tpu.memory_space<vmem>> -> memref<1x448x128xf32, #tpu.memory_space<vmem>>
    %dma_wait3A_321 = tpu.memref_squeeze %dma_wait3A_320 : memref<1x448x128xf32, #tpu.memory_space<vmem>> -> memref<448x128xf32, #tpu.memory_space<vmem>>
    %dma_wait3A_322 = arith.constant 0 : i32
    %dma_wait3A_323 = tpu.memref_slice %arg4[%add3A_241, %dma_wait3A_322] : memref<262144x128xf32, #tpu.memory_space<hbm>> -> memref<448x128xf32, #tpu.memory_space<hbm>>
    tpu.wait_dma2 semaphore(%arg9 : memref<!tpu.dma_semaphore, #tpu.memory_space<semaphore_mem>>) src(%dma_wait3A_323 : memref<448x128xf32, #tpu.memory_space<hbm>>) dst(%dma_wait3A_321 : memref<448x128xf32, #tpu.memory_space<vmem>>)
    %add3A_324 = arith.constant 2240 : i32
    %add3A_325 = arith.addi %mul3A_2, %add3A_324 : i32
    %dma_start3A_326 = arith.constant 1 : i32
    %dma_start3A_327 = arith.constant 0 : i32
    %dma_start3A_328 = arith.constant 0 : i32
    %dma_start3A_329 = tpu.memref_slice %arg6[%dma_start3A_326, %dma_start3A_327, %dma_start3A_328] : memref<2x448x128xf32, #tpu.memory_space<vmem>> -> memref<1x448x128xf32, #tpu.memory_space<vmem>>
    %dma_start3A_330 = tpu.memref_squeeze %dma_start3A_329 : memref<1x448x128xf32, #tpu.memory_space<vmem>> -> memref<448x128xf32, #tpu.memory_space<vmem>>
    %dma_start3A_331 = arith.constant 0 : i32
    %dma_start3A_332 = tpu.memref_slice %arg5[%add3A_325, %dma_start3A_331] : memref<262144x128xf32, #tpu.memory_space<hbm>> -> memref<448x128xf32, #tpu.memory_space<hbm>>
    %dma_start3A_333 = arith.constant 0 : i32
    %dma_start3A_334 = tpu.memref_slice %arg5[%add3A_325, %dma_start3A_333] : memref<262144x128xf32, #tpu.memory_space<hbm>> -> memref<448x128xf32, #tpu.memory_space<hbm>>
    %dma_start3A_335 = arith.constant 0 : i32
    %dma_start3A_336 = arith.constant 0 : i32
    %dma_start3A_337 = tpu.memref_slice %arg6[%dma_start3A_326, %dma_start3A_335, %dma_start3A_336] : memref<2x448x128xf32, #tpu.memory_space<vmem>> -> memref<1x448x128xf32, #tpu.memory_space<vmem>>
    %dma_start3A_338 = tpu.memref_squeeze %dma_start3A_337 : memref<1x448x128xf32, #tpu.memory_space<vmem>> -> memref<448x128xf32, #tpu.memory_space<vmem>>
    tpu.enqueue_dma source(%dma_start3A_338 : memref<448x128xf32, #tpu.memory_space<vmem>>) target(%dma_start3A_334 : memref<448x128xf32, #tpu.memory_space<hbm>>) target_semaphore(%arg10 : memref<!tpu.dma_semaphore, #tpu.memory_space<semaphore_mem>>)
    %dma_wait3A_339 = arith.constant 1 : i32
    %dma_wait3A_340 = arith.constant 0 : i32
    %dma_wait3A_341 = arith.constant 0 : i32
    %dma_wait3A_342 = tpu.memref_slice %arg6[%dma_wait3A_339, %dma_wait3A_340, %dma_wait3A_341] : memref<2x448x128xf32, #tpu.memory_space<vmem>> -> memref<1x448x128xf32, #tpu.memory_space<vmem>>
    %dma_wait3A_343 = tpu.memref_squeeze %dma_wait3A_342 : memref<1x448x128xf32, #tpu.memory_space<vmem>> -> memref<448x128xf32, #tpu.memory_space<vmem>>
    %dma_wait3A_344 = arith.constant 0 : i32
    %dma_wait3A_345 = tpu.memref_slice %arg5[%add3A_325, %dma_wait3A_344] : memref<262144x128xf32, #tpu.memory_space<hbm>> -> memref<448x128xf32, #tpu.memory_space<hbm>>
    %dma_wait3A_346 = arith.constant 0 : i32
    %dma_wait3A_347 = tpu.memref_slice %arg5[%add3A_325, %dma_wait3A_346] : memref<262144x128xf32, #tpu.memory_space<hbm>> -> memref<448x128xf32, #tpu.memory_space<hbm>>
    %dma_wait3A_348 = arith.constant 0 : i32
    %dma_wait3A_349 = arith.constant 0 : i32
    %dma_wait3A_350 = tpu.memref_slice %arg6[%dma_wait3A_339, %dma_wait3A_348, %dma_wait3A_349] : memref<2x448x128xf32, #tpu.memory_space<vmem>> -> memref<1x448x128xf32, #tpu.memory_space<vmem>>
    %dma_wait3A_351 = tpu.memref_squeeze %dma_wait3A_350 : memref<1x448x128xf32, #tpu.memory_space<vmem>> -> memref<448x128xf32, #tpu.memory_space<vmem>>
    tpu.wait_dma2 semaphore(%arg10 : memref<!tpu.dma_semaphore, #tpu.memory_space<semaphore_mem>>) src(%dma_wait3A_351 : memref<448x128xf32, #tpu.memory_space<vmem>>) dst(%dma_wait3A_347 : memref<448x128xf32, #tpu.memory_space<hbm>>)
    %add3A_352 = arith.constant 3136 : i32
    %add3A_353 = arith.addi %mul3A_2, %add3A_352 : i32
    %dma_start3A_354 = arith.constant 1 : i32
    %dma_start3A_355 = arith.constant 0 : i32
    %dma_start3A_356 = arith.constant 0 : i32
    %dma_start3A_357 = tpu.memref_slice %arg6[%dma_start3A_354, %dma_start3A_355, %dma_start3A_356] : memref<2x448x128xf32, #tpu.memory_space<vmem>> -> memref<1x448x128xf32, #tpu.memory_space<vmem>>
    %dma_start3A_358 = tpu.memref_squeeze %dma_start3A_357 : memref<1x448x128xf32, #tpu.memory_space<vmem>> -> memref<448x128xf32, #tpu.memory_space<vmem>>
    %dma_start3A_359 = arith.constant 0 : i32
    %dma_start3A_360 = tpu.memref_slice %arg4[%add3A_353, %dma_start3A_359] : memref<262144x128xf32, #tpu.memory_space<hbm>> -> memref<448x128xf32, #tpu.memory_space<hbm>>
    %dma_start3A_361 = arith.constant 0 : i32
    %dma_start3A_362 = arith.constant 0 : i32
    %dma_start3A_363 = tpu.memref_slice %arg6[%dma_start3A_354, %dma_start3A_361, %dma_start3A_362] : memref<2x448x128xf32, #tpu.memory_space<vmem>> -> memref<1x448x128xf32, #tpu.memory_space<vmem>>
    %dma_start3A_364 = tpu.memref_squeeze %dma_start3A_363 : memref<1x448x128xf32, #tpu.memory_space<vmem>> -> memref<448x128xf32, #tpu.memory_space<vmem>>
    %dma_start3A_365 = arith.constant 0 : i32
    %dma_start3A_366 = tpu.memref_slice %arg4[%add3A_353, %dma_start3A_365] : memref<262144x128xf32, #tpu.memory_space<hbm>> -> memref<448x128xf32, #tpu.memory_space<hbm>>
    tpu.enqueue_dma source(%dma_start3A_366 : memref<448x128xf32, #tpu.memory_space<hbm>>) target(%dma_start3A_364 : memref<448x128xf32, #tpu.memory_space<vmem>>) target_semaphore(%arg9 : memref<!tpu.dma_semaphore, #tpu.memory_space<semaphore_mem>>)
    %dma_wait3A_367 = arith.constant 0 : i32
    %dma_wait3A_368 = arith.constant 0 : i32
    %dma_wait3A_369 = arith.constant 0 : i32
    %dma_wait3A_370 = tpu.memref_slice %arg6[%dma_wait3A_367, %dma_wait3A_368, %dma_wait3A_369] : memref<2x448x128xf32, #tpu.memory_space<vmem>> -> memref<1x448x128xf32, #tpu.memory_space<vmem>>
    %dma_wait3A_371 = tpu.memref_squeeze %dma_wait3A_370 : memref<1x448x128xf32, #tpu.memory_space<vmem>> -> memref<448x128xf32, #tpu.memory_space<vmem>>
    %dma_wait3A_372 = arith.constant 0 : i32
    %dma_wait3A_373 = tpu.memref_slice %arg4[%add3A_297, %dma_wait3A_372] : memref<262144x128xf32, #tpu.memory_space<hbm>> -> memref<448x128xf32, #tpu.memory_space<hbm>>
    %dma_wait3A_374 = arith.constant 0 : i32
    %dma_wait3A_375 = arith.constant 0 : i32
    %dma_wait3A_376 = tpu.memref_slice %arg6[%dma_wait3A_367, %dma_wait3A_374, %dma_wait3A_375] : memref<2x448x128xf32, #tpu.memory_space<vmem>> -> memref<1x448x128xf32, #tpu.memory_space<vmem>>
    %dma_wait3A_377 = tpu.memref_squeeze %dma_wait3A_376 : memref<1x448x128xf32, #tpu.memory_space<vmem>> -> memref<448x128xf32, #tpu.memory_space<vmem>>
    %dma_wait3A_378 = arith.constant 0 : i32
    %dma_wait3A_379 = tpu.memref_slice %arg4[%add3A_297, %dma_wait3A_378] : memref<262144x128xf32, #tpu.memory_space<hbm>> -> memref<448x128xf32, #tpu.memory_space<hbm>>
    tpu.wait_dma2 semaphore(%arg9 : memref<!tpu.dma_semaphore, #tpu.memory_space<semaphore_mem>>) src(%dma_wait3A_379 : memref<448x128xf32, #tpu.memory_space<hbm>>) dst(%dma_wait3A_377 : memref<448x128xf32, #tpu.memory_space<vmem>>)
    %add3A_380 = arith.constant 2688 : i32
    %add3A_381 = arith.addi %mul3A_2, %add3A_380 : i32
    %dma_start3A_382 = arith.constant 0 : i32
    %dma_start3A_383 = arith.constant 0 : i32
    %dma_start3A_384 = arith.constant 0 : i32
    %dma_start3A_385 = tpu.memref_slice %arg6[%dma_start3A_382, %dma_start3A_383, %dma_start3A_384] : memref<2x448x128xf32, #tpu.memory_space<vmem>> -> memref<1x448x128xf32, #tpu.memory_space<vmem>>
    %dma_start3A_386 = tpu.memref_squeeze %dma_start3A_385 : memref<1x448x128xf32, #tpu.memory_space<vmem>> -> memref<448x128xf32, #tpu.memory_space<vmem>>
    %dma_start3A_387 = arith.constant 0 : i32
    %dma_start3A_388 = tpu.memref_slice %arg5[%add3A_381, %dma_start3A_387] : memref<262144x128xf32, #tpu.memory_space<hbm>> -> memref<448x128xf32, #tpu.memory_space<hbm>>
    %dma_start3A_389 = arith.constant 0 : i32
    %dma_start3A_390 = tpu.memref_slice %arg5[%add3A_381, %dma_start3A_389] : memref<262144x128xf32, #tpu.memory_space<hbm>> -> memref<448x128xf32, #tpu.memory_space<hbm>>
    %dma_start3A_391 = arith.constant 0 : i32
    %dma_start3A_392 = arith.constant 0 : i32
    %dma_start3A_393 = tpu.memref_slice %arg6[%dma_start3A_382, %dma_start3A_391, %dma_start3A_392] : memref<2x448x128xf32, #tpu.memory_space<vmem>> -> memref<1x448x128xf32, #tpu.memory_space<vmem>>
    %dma_start3A_394 = tpu.memref_squeeze %dma_start3A_393 : memref<1x448x128xf32, #tpu.memory_space<vmem>> -> memref<448x128xf32, #tpu.memory_space<vmem>>
    tpu.enqueue_dma source(%dma_start3A_394 : memref<448x128xf32, #tpu.memory_space<vmem>>) target(%dma_start3A_390 : memref<448x128xf32, #tpu.memory_space<hbm>>) target_semaphore(%arg10 : memref<!tpu.dma_semaphore, #tpu.memory_space<semaphore_mem>>)
    %dma_wait3A_395 = arith.constant 0 : i32
    %dma_wait3A_396 = arith.constant 0 : i32
    %dma_wait3A_397 = arith.constant 0 : i32
    %dma_wait3A_398 = tpu.memref_slice %arg6[%dma_wait3A_395, %dma_wait3A_396, %dma_wait3A_397] : memref<2x448x128xf32, #tpu.memory_space<vmem>> -> memref<1x448x128xf32, #tpu.memory_space<vmem>>
    %dma_wait3A_399 = tpu.memref_squeeze %dma_wait3A_398 : memref<1x448x128xf32, #tpu.memory_space<vmem>> -> memref<448x128xf32, #tpu.memory_space<vmem>>
    %dma_wait3A_400 = arith.constant 0 : i32
    %dma_wait3A_401 = tpu.memref_slice %arg5[%add3A_381, %dma_wait3A_400] : memref<262144x128xf32, #tpu.memory_space<hbm>> -> memref<448x128xf32, #tpu.memory_space<hbm>>
    %dma_wait3A_402 = arith.constant 0 : i32
    %dma_wait3A_403 = tpu.memref_slice %arg5[%add3A_381, %dma_wait3A_402] : memref<262144x128xf32, #tpu.memory_space<hbm>> -> memref<448x128xf32, #tpu.memory_space<hbm>>
    %dma_wait3A_404 = arith.constant 0 : i32
    %dma_wait3A_405 = arith.constant 0 : i32
    %dma_wait3A_406 = tpu.memref_slice %arg6[%dma_wait3A_395, %dma_wait3A_404, %dma_wait3A_405] : memref<2x448x128xf32, #tpu.memory_space<vmem>> -> memref<1x448x128xf32, #tpu.memory_space<vmem>>
    %dma_wait3A_407 = tpu.memref_squeeze %dma_wait3A_406 : memref<1x448x128xf32, #tpu.memory_space<vmem>> -> memref<448x128xf32, #tpu.memory_space<vmem>>
    tpu.wait_dma2 semaphore(%arg10 : memref<!tpu.dma_semaphore, #tpu.memory_space<semaphore_mem>>) src(%dma_wait3A_407 : memref<448x128xf32, #tpu.memory_space<vmem>>) dst(%dma_wait3A_403 : memref<448x128xf32, #tpu.memory_space<hbm>>)
    %add3A_408 = arith.constant 3584 : i32
    %add3A_409 = arith.addi %mul3A_2, %add3A_408 : i32
    %dma_start3A_410 = arith.constant 0 : i32
    %dma_start3A_411 = arith.constant 0 : i32
    %dma_start3A_412 = arith.constant 0 : i32
    %dma_start3A_413 = tpu.memref_slice %arg6[%dma_start3A_410, %dma_start3A_411, %dma_start3A_412] : memref<2x448x128xf32, #tpu.memory_space<vmem>> -> memref<1x448x128xf32, #tpu.memory_space<vmem>>
    %dma_start3A_414 = tpu.memref_squeeze %dma_start3A_413 : memref<1x448x128xf32, #tpu.memory_space<vmem>> -> memref<448x128xf32, #tpu.memory_space<vmem>>
    %dma_start3A_415 = arith.constant 0 : i32
    %dma_start3A_416 = tpu.memref_slice %arg4[%add3A_409, %dma_start3A_415] : memref<262144x128xf32, #tpu.memory_space<hbm>> -> memref<448x128xf32, #tpu.memory_space<hbm>>
    %dma_start3A_417 = arith.constant 0 : i32
    %dma_start3A_418 = arith.constant 0 : i32
    %dma_start3A_419 = tpu.memref_slice %arg6[%dma_start3A_410, %dma_start3A_417, %dma_start3A_418] : memref<2x448x128xf32, #tpu.memory_space<vmem>> -> memref<1x448x128xf32, #tpu.memory_space<vmem>>
    %dma_start3A_420 = tpu.memref_squeeze %dma_start3A_419 : memref<1x448x128xf32, #tpu.memory_space<vmem>> -> memref<448x128xf32, #tpu.memory_space<vmem>>
    %dma_start3A_421 = arith.constant 0 : i32
    %dma_start3A_422 = tpu.memref_slice %arg4[%add3A_409, %dma_start3A_421] : memref<262144x128xf32, #tpu.memory_space<hbm>> -> memref<448x128xf32, #tpu.memory_space<hbm>>
    tpu.enqueue_dma source(%dma_start3A_422 : memref<448x128xf32, #tpu.memory_space<hbm>>) target(%dma_start3A_420 : memref<448x128xf32, #tpu.memory_space<vmem>>) target_semaphore(%arg9 : memref<!tpu.dma_semaphore, #tpu.memory_space<semaphore_mem>>)
    %dma_wait3A_423 = arith.constant 1 : i32
    %dma_wait3A_424 = arith.constant 0 : i32
    %dma_wait3A_425 = arith.constant 0 : i32
    %dma_wait3A_426 = tpu.memref_slice %arg6[%dma_wait3A_423, %dma_wait3A_424, %dma_wait3A_425] : memref<2x448x128xf32, #tpu.memory_space<vmem>> -> memref<1x448x128xf32, #tpu.memory_space<vmem>>
    %dma_wait3A_427 = tpu.memref_squeeze %dma_wait3A_426 : memref<1x448x128xf32, #tpu.memory_space<vmem>> -> memref<448x128xf32, #tpu.memory_space<vmem>>
    %dma_wait3A_428 = arith.constant 0 : i32
    %dma_wait3A_429 = tpu.memref_slice %arg4[%add3A_353, %dma_wait3A_428] : memref<262144x128xf32, #tpu.memory_space<hbm>> -> memref<448x128xf32, #tpu.memory_space<hbm>>
    %dma_wait3A_430 = arith.constant 0 : i32
    %dma_wait3A_431 = arith.constant 0 : i32
    %dma_wait3A_432 = tpu.memref_slice %arg6[%dma_wait3A_423, %dma_wait3A_430, %dma_wait3A_431] : memref<2x448x128xf32, #tpu.memory_space<vmem>> -> memref<1x448x128xf32, #tpu.memory_space<vmem>>
    %dma_wait3A_433 = tpu.memref_squeeze %dma_wait3A_432 : memref<1x448x128xf32, #tpu.memory_space<vmem>> -> memref<448x128xf32, #tpu.memory_space<vmem>>
    %dma_wait3A_434 = arith.constant 0 : i32
    %dma_wait3A_435 = tpu.memref_slice %arg4[%add3A_353, %dma_wait3A_434] : memref<262144x128xf32, #tpu.memory_space<hbm>> -> memref<448x128xf32, #tpu.memory_space<hbm>>
    tpu.wait_dma2 semaphore(%arg9 : memref<!tpu.dma_semaphore, #tpu.memory_space<semaphore_mem>>) src(%dma_wait3A_435 : memref<448x128xf32, #tpu.memory_space<hbm>>) dst(%dma_wait3A_433 : memref<448x128xf32, #tpu.memory_space<vmem>>)
    %add3A_436 = arith.constant 3136 : i32
    %add3A_437 = arith.addi %mul3A_2, %add3A_436 : i32
    %dma_start3A_438 = arith.constant 1 : i32
    %dma_start3A_439 = arith.constant 0 : i32
    %dma_start3A_440 = arith.constant 0 : i32
    %dma_start3A_441 = tpu.memref_slice %arg6[%dma_start3A_438, %dma_start3A_439, %dma_start3A_440] : memref<2x448x128xf32, #tpu.memory_space<vmem>> -> memref<1x448x128xf32, #tpu.memory_space<vmem>>
    %dma_start3A_442 = tpu.memref_squeeze %dma_start3A_441 : memref<1x448x128xf32, #tpu.memory_space<vmem>> -> memref<448x128xf32, #tpu.memory_space<vmem>>
    %dma_start3A_443 = arith.constant 0 : i32
    %dma_start3A_444 = tpu.memref_slice %arg5[%add3A_437, %dma_start3A_443] : memref<262144x128xf32, #tpu.memory_space<hbm>> -> memref<448x128xf32, #tpu.memory_space<hbm>>
    %dma_start3A_445 = arith.constant 0 : i32
    %dma_start3A_446 = tpu.memref_slice %arg5[%add3A_437, %dma_start3A_445] : memref<262144x128xf32, #tpu.memory_space<hbm>> -> memref<448x128xf32, #tpu.memory_space<hbm>>
    %dma_start3A_447 = arith.constant 0 : i32
    %dma_start3A_448 = arith.constant 0 : i32
    %dma_start3A_449 = tpu.memref_slice %arg6[%dma_start3A_438, %dma_start3A_447, %dma_start3A_448] : memref<2x448x128xf32, #tpu.memory_space<vmem>> -> memref<1x448x128xf32, #tpu.memory_space<vmem>>
    %dma_start3A_450 = tpu.memref_squeeze %dma_start3A_449 : memref<1x448x128xf32, #tpu.memory_space<vmem>> -> memref<448x128xf32, #tpu.memory_space<vmem>>
    tpu.enqueue_dma source(%dma_start3A_450 : memref<448x128xf32, #tpu.memory_space<vmem>>) target(%dma_start3A_446 : memref<448x128xf32, #tpu.memory_space<hbm>>) target_semaphore(%arg10 : memref<!tpu.dma_semaphore, #tpu.memory_space<semaphore_mem>>)
    %dma_wait3A_451 = arith.constant 1 : i32
    %dma_wait3A_452 = arith.constant 0 : i32
    %dma_wait3A_453 = arith.constant 0 : i32
    %dma_wait3A_454 = tpu.memref_slice %arg6[%dma_wait3A_451, %dma_wait3A_452, %dma_wait3A_453] : memref<2x448x128xf32, #tpu.memory_space<vmem>> -> memref<1x448x128xf32, #tpu.memory_space<vmem>>
    %dma_wait3A_455 = tpu.memref_squeeze %dma_wait3A_454 : memref<1x448x128xf32, #tpu.memory_space<vmem>> -> memref<448x128xf32, #tpu.memory_space<vmem>>
    %dma_wait3A_456 = arith.constant 0 : i32
    %dma_wait3A_457 = tpu.memref_slice %arg5[%add3A_437, %dma_wait3A_456] : memref<262144x128xf32, #tpu.memory_space<hbm>> -> memref<448x128xf32, #tpu.memory_space<hbm>>
    %dma_wait3A_458 = arith.constant 0 : i32
    %dma_wait3A_459 = tpu.memref_slice %arg5[%add3A_437, %dma_wait3A_458] : memref<262144x128xf32, #tpu.memory_space<hbm>> -> memref<448x128xf32, #tpu.memory_space<hbm>>
    %dma_wait3A_460 = arith.constant 0 : i32
    %dma_wait3A_461 = arith.constant 0 : i32
    %dma_wait3A_462 = tpu.memref_slice %arg6[%dma_wait3A_451, %dma_wait3A_460, %dma_wait3A_461] : memref<2x448x128xf32, #tpu.memory_space<vmem>> -> memref<1x448x128xf32, #tpu.memory_space<vmem>>
    %dma_wait3A_463 = tpu.memref_squeeze %dma_wait3A_462 : memref<1x448x128xf32, #tpu.memory_space<vmem>> -> memref<448x128xf32, #tpu.memory_space<vmem>>
    tpu.wait_dma2 semaphore(%arg10 : memref<!tpu.dma_semaphore, #tpu.memory_space<semaphore_mem>>) src(%dma_wait3A_463 : memref<448x128xf32, #tpu.memory_space<vmem>>) dst(%dma_wait3A_459 : memref<448x128xf32, #tpu.memory_space<hbm>>)
    %add3A_464 = arith.constant 4032 : i32
    %add3A_465 = arith.addi %mul3A_2, %add3A_464 : i32
    %dma_start3A_466 = arith.constant 1 : i32
    %dma_start3A_467 = arith.constant 0 : i32
    %dma_start3A_468 = arith.constant 0 : i32
    %dma_start3A_469 = tpu.memref_slice %arg6[%dma_start3A_466, %dma_start3A_467, %dma_start3A_468] : memref<2x448x128xf32, #tpu.memory_space<vmem>> -> memref<1x448x128xf32, #tpu.memory_space<vmem>>
    %dma_start3A_470 = tpu.memref_squeeze %dma_start3A_469 : memref<1x448x128xf32, #tpu.memory_space<vmem>> -> memref<448x128xf32, #tpu.memory_space<vmem>>
    %dma_start3A_471 = arith.constant 0 : i32
    %dma_start3A_472 = tpu.memref_slice %arg4[%add3A_465, %dma_start3A_471] : memref<262144x128xf32, #tpu.memory_space<hbm>> -> memref<448x128xf32, #tpu.memory_space<hbm>>
    %dma_start3A_473 = arith.constant 0 : i32
    %dma_start3A_474 = arith.constant 0 : i32
    %dma_start3A_475 = tpu.memref_slice %arg6[%dma_start3A_466, %dma_start3A_473, %dma_start3A_474] : memref<2x448x128xf32, #tpu.memory_space<vmem>> -> memref<1x448x128xf32, #tpu.memory_space<vmem>>
    %dma_start3A_476 = tpu.memref_squeeze %dma_start3A_475 : memref<1x448x128xf32, #tpu.memory_space<vmem>> -> memref<448x128xf32, #tpu.memory_space<vmem>>
    %dma_start3A_477 = arith.constant 0 : i32
    %dma_start3A_478 = tpu.memref_slice %arg4[%add3A_465, %dma_start3A_477] : memref<262144x128xf32, #tpu.memory_space<hbm>> -> memref<448x128xf32, #tpu.memory_space<hbm>>
    tpu.enqueue_dma source(%dma_start3A_478 : memref<448x128xf32, #tpu.memory_space<hbm>>) target(%dma_start3A_476 : memref<448x128xf32, #tpu.memory_space<vmem>>) target_semaphore(%arg9 : memref<!tpu.dma_semaphore, #tpu.memory_space<semaphore_mem>>)
    %dma_wait3A_479 = arith.constant 0 : i32
    %dma_wait3A_480 = arith.constant 0 : i32
    %dma_wait3A_481 = arith.constant 0 : i32
    %dma_wait3A_482 = tpu.memref_slice %arg6[%dma_wait3A_479, %dma_wait3A_480, %dma_wait3A_481] : memref<2x448x128xf32, #tpu.memory_space<vmem>> -> memref<1x448x128xf32, #tpu.memory_space<vmem>>
    %dma_wait3A_483 = tpu.memref_squeeze %dma_wait3A_482 : memref<1x448x128xf32, #tpu.memory_space<vmem>> -> memref<448x128xf32, #tpu.memory_space<vmem>>
    %dma_wait3A_484 = arith.constant 0 : i32
    %dma_wait3A_485 = tpu.memref_slice %arg4[%add3A_409, %dma_wait3A_484] : memref<262144x128xf32, #tpu.memory_space<hbm>> -> memref<448x128xf32, #tpu.memory_space<hbm>>
    %dma_wait3A_486 = arith.constant 0 : i32
    %dma_wait3A_487 = arith.constant 0 : i32
    %dma_wait3A_488 = tpu.memref_slice %arg6[%dma_wait3A_479, %dma_wait3A_486, %dma_wait3A_487] : memref<2x448x128xf32, #tpu.memory_space<vmem>> -> memref<1x448x128xf32, #tpu.memory_space<vmem>>
    %dma_wait3A_489 = tpu.memref_squeeze %dma_wait3A_488 : memref<1x448x128xf32, #tpu.memory_space<vmem>> -> memref<448x128xf32, #tpu.memory_space<vmem>>
    %dma_wait3A_490 = arith.constant 0 : i32
    %dma_wait3A_491 = tpu.memref_slice %arg4[%add3A_409, %dma_wait3A_490] : memref<262144x128xf32, #tpu.memory_space<hbm>> -> memref<448x128xf32, #tpu.memory_space<hbm>>
    tpu.wait_dma2 semaphore(%arg9 : memref<!tpu.dma_semaphore, #tpu.memory_space<semaphore_mem>>) src(%dma_wait3A_491 : memref<448x128xf32, #tpu.memory_space<hbm>>) dst(%dma_wait3A_489 : memref<448x128xf32, #tpu.memory_space<vmem>>)
    %add3A_492 = arith.constant 3584 : i32
    %add3A_493 = arith.addi %mul3A_2, %add3A_492 : i32
    %dma_start3A_494 = arith.constant 0 : i32
    %dma_start3A_495 = arith.constant 0 : i32
    %dma_start3A_496 = arith.constant 0 : i32
    %dma_start3A_497 = tpu.memref_slice %arg6[%dma_start3A_494, %dma_start3A_495, %dma_start3A_496] : memref<2x448x128xf32, #tpu.memory_space<vmem>> -> memref<1x448x128xf32, #tpu.memory_space<vmem>>
    %dma_start3A_498 = tpu.memref_squeeze %dma_start3A_497 : memref<1x448x128xf32, #tpu.memory_space<vmem>> -> memref<448x128xf32, #tpu.memory_space<vmem>>
    %dma_start3A_499 = arith.constant 0 : i32
    %dma_start3A_500 = tpu.memref_slice %arg5[%add3A_493, %dma_start3A_499] : memref<262144x128xf32, #tpu.memory_space<hbm>> -> memref<448x128xf32, #tpu.memory_space<hbm>>
    %dma_start3A_501 = arith.constant 0 : i32
    %dma_start3A_502 = tpu.memref_slice %arg5[%add3A_493, %dma_start3A_501] : memref<262144x128xf32, #tpu.memory_space<hbm>> -> memref<448x128xf32, #tpu.memory_space<hbm>>
    %dma_start3A_503 = arith.constant 0 : i32
    %dma_start3A_504 = arith.constant 0 : i32
    %dma_start3A_505 = tpu.memref_slice %arg6[%dma_start3A_494, %dma_start3A_503, %dma_start3A_504] : memref<2x448x128xf32, #tpu.memory_space<vmem>> -> memref<1x448x128xf32, #tpu.memory_space<vmem>>
    %dma_start3A_506 = tpu.memref_squeeze %dma_start3A_505 : memref<1x448x128xf32, #tpu.memory_space<vmem>> -> memref<448x128xf32, #tpu.memory_space<vmem>>
    tpu.enqueue_dma source(%dma_start3A_506 : memref<448x128xf32, #tpu.memory_space<vmem>>) target(%dma_start3A_502 : memref<448x128xf32, #tpu.memory_space<hbm>>) target_semaphore(%arg10 : memref<!tpu.dma_semaphore, #tpu.memory_space<semaphore_mem>>)
    %dma_wait3A_507 = arith.constant 0 : i32
    %dma_wait3A_508 = arith.constant 0 : i32
    %dma_wait3A_509 = arith.constant 0 : i32
    %dma_wait3A_510 = tpu.memref_slice %arg6[%dma_wait3A_507, %dma_wait3A_508, %dma_wait3A_509] : memref<2x448x128xf32, #tpu.memory_space<vmem>> -> memref<1x448x128xf32, #tpu.memory_space<vmem>>
    %dma_wait3A_511 = tpu.memref_squeeze %dma_wait3A_510 : memref<1x448x128xf32, #tpu.memory_space<vmem>> -> memref<448x128xf32, #tpu.memory_space<vmem>>
    %dma_wait3A_512 = arith.constant 0 : i32
    %dma_wait3A_513 = tpu.memref_slice %arg5[%add3A_493, %dma_wait3A_512] : memref<262144x128xf32, #tpu.memory_space<hbm>> -> memref<448x128xf32, #tpu.memory_space<hbm>>
    %dma_wait3A_514 = arith.constant 0 : i32
    %dma_wait3A_515 = tpu.memref_slice %arg5[%add3A_493, %dma_wait3A_514] : memref<262144x128xf32, #tpu.memory_space<hbm>> -> memref<448x128xf32, #tpu.memory_space<hbm>>
    %dma_wait3A_516 = arith.constant 0 : i32
    %dma_wait3A_517 = arith.constant 0 : i32
    %dma_wait3A_518 = tpu.memref_slice %arg6[%dma_wait3A_507, %dma_wait3A_516, %dma_wait3A_517] : memref<2x448x128xf32, #tpu.memory_space<vmem>> -> memref<1x448x128xf32, #tpu.memory_space<vmem>>
    %dma_wait3A_519 = tpu.memref_squeeze %dma_wait3A_518 : memref<1x448x128xf32, #tpu.memory_space<vmem>> -> memref<448x128xf32, #tpu.memory_space<vmem>>
    tpu.wait_dma2 semaphore(%arg10 : memref<!tpu.dma_semaphore, #tpu.memory_space<semaphore_mem>>) src(%dma_wait3A_519 : memref<448x128xf32, #tpu.memory_space<vmem>>) dst(%dma_wait3A_515 : memref<448x128xf32, #tpu.memory_space<hbm>>)
    %add3A_520 = arith.constant 4480 : i32
    %add3A_521 = arith.addi %mul3A_2, %add3A_520 : i32
    %dma_start3A_522 = arith.constant 0 : i32
    %dma_start3A_523 = arith.constant 0 : i32
    %dma_start3A_524 = arith.constant 0 : i32
    %dma_start3A_525 = tpu.memref_slice %arg6[%dma_start3A_522, %dma_start3A_523, %dma_start3A_524] : memref<2x448x128xf32, #tpu.memory_space<vmem>> -> memref<1x448x128xf32, #tpu.memory_space<vmem>>
    %dma_start3A_526 = tpu.memref_squeeze %dma_start3A_525 : memref<1x448x128xf32, #tpu.memory_space<vmem>> -> memref<448x128xf32, #tpu.memory_space<vmem>>
    %dma_start3A_527 = arith.constant 0 : i32
    %dma_start3A_528 = tpu.memref_slice %arg4[%add3A_521, %dma_start3A_527] : memref<262144x128xf32, #tpu.memory_space<hbm>> -> memref<448x128xf32, #tpu.memory_space<hbm>>
    %dma_start3A_529 = arith.constant 0 : i32
    %dma_start3A_530 = arith.constant 0 : i32
    %dma_start3A_531 = tpu.memref_slice %arg6[%dma_start3A_522, %dma_start3A_529, %dma_start3A_530] : memref<2x448x128xf32, #tpu.memory_space<vmem>> -> memref<1x448x128xf32, #tpu.memory_space<vmem>>
    %dma_start3A_532 = tpu.memref_squeeze %dma_start3A_531 : memref<1x448x128xf32, #tpu.memory_space<vmem>> -> memref<448x128xf32, #tpu.memory_space<vmem>>
    %dma_start3A_533 = arith.constant 0 : i32
    %dma_start3A_534 = tpu.memref_slice %arg4[%add3A_521, %dma_start3A_533] : memref<262144x128xf32, #tpu.memory_space<hbm>> -> memref<448x128xf32, #tpu.memory_space<hbm>>
    tpu.enqueue_dma source(%dma_start3A_534 : memref<448x128xf32, #tpu.memory_space<hbm>>) target(%dma_start3A_532 : memref<448x128xf32, #tpu.memory_space<vmem>>) target_semaphore(%arg9 : memref<!tpu.dma_semaphore, #tpu.memory_space<semaphore_mem>>)
    %dma_wait3A_535 = arith.constant 1 : i32
    %dma_wait3A_536 = arith.constant 0 : i32
    %dma_wait3A_537 = arith.constant 0 : i32
    %dma_wait3A_538 = tpu.memref_slice %arg6[%dma_wait3A_535, %dma_wait3A_536, %dma_wait3A_537] : memref<2x448x128xf32, #tpu.memory_space<vmem>> -> memref<1x448x128xf32, #tpu.memory_space<vmem>>
    %dma_wait3A_539 = tpu.memref_squeeze %dma_wait3A_538 : memref<1x448x128xf32, #tpu.memory_space<vmem>> -> memref<448x128xf32, #tpu.memory_space<vmem>>
    %dma_wait3A_540 = arith.constant 0 : i32
    %dma_wait3A_541 = tpu.memref_slice %arg4[%add3A_465, %dma_wait3A_540] : memref<262144x128xf32, #tpu.memory_space<hbm>> -> memref<448x128xf32, #tpu.memory_space<hbm>>
    %dma_wait3A_542 = arith.constant 0 : i32
    %dma_wait3A_543 = arith.constant 0 : i32
    %dma_wait3A_544 = tpu.memref_slice %arg6[%dma_wait3A_535, %dma_wait3A_542, %dma_wait3A_543] : memref<2x448x128xf32, #tpu.memory_space<vmem>> -> memref<1x448x128xf32, #tpu.memory_space<vmem>>
    %dma_wait3A_545 = tpu.memref_squeeze %dma_wait3A_544 : memref<1x448x128xf32, #tpu.memory_space<vmem>> -> memref<448x128xf32, #tpu.memory_space<vmem>>
    %dma_wait3A_546 = arith.constant 0 : i32
    %dma_wait3A_547 = tpu.memref_slice %arg4[%add3A_465, %dma_wait3A_546] : memref<262144x128xf32, #tpu.memory_space<hbm>> -> memref<448x128xf32, #tpu.memory_space<hbm>>
    tpu.wait_dma2 semaphore(%arg9 : memref<!tpu.dma_semaphore, #tpu.memory_space<semaphore_mem>>) src(%dma_wait3A_547 : memref<448x128xf32, #tpu.memory_space<hbm>>) dst(%dma_wait3A_545 : memref<448x128xf32, #tpu.memory_space<vmem>>)
    %add3A_548 = arith.constant 4032 : i32
    %add3A_549 = arith.addi %mul3A_2, %add3A_548 : i32
    %dma_start3A_550 = arith.constant 1 : i32
    %dma_start3A_551 = arith.constant 0 : i32
    %dma_start3A_552 = arith.constant 0 : i32
    %dma_start3A_553 = tpu.memref_slice %arg6[%dma_start3A_550, %dma_start3A_551, %dma_start3A_552] : memref<2x448x128xf32, #tpu.memory_space<vmem>> -> memref<1x448x128xf32, #tpu.memory_space<vmem>>
    %dma_start3A_554 = tpu.memref_squeeze %dma_start3A_553 : memref<1x448x128xf32, #tpu.memory_space<vmem>> -> memref<448x128xf32, #tpu.memory_space<vmem>>
    %dma_start3A_555 = arith.constant 0 : i32
    %dma_start3A_556 = tpu.memref_slice %arg5[%add3A_549, %dma_start3A_555] : memref<262144x128xf32, #tpu.memory_space<hbm>> -> memref<448x128xf32, #tpu.memory_space<hbm>>
    %dma_start3A_557 = arith.constant 0 : i32
    %dma_start3A_558 = tpu.memref_slice %arg5[%add3A_549, %dma_start3A_557] : memref<262144x128xf32, #tpu.memory_space<hbm>> -> memref<448x128xf32, #tpu.memory_space<hbm>>
    %dma_start3A_559 = arith.constant 0 : i32
    %dma_start3A_560 = arith.constant 0 : i32
    %dma_start3A_561 = tpu.memref_slice %arg6[%dma_start3A_550, %dma_start3A_559, %dma_start3A_560] : memref<2x448x128xf32, #tpu.memory_space<vmem>> -> memref<1x448x128xf32, #tpu.memory_space<vmem>>
    %dma_start3A_562 = tpu.memref_squeeze %dma_start3A_561 : memref<1x448x128xf32, #tpu.memory_space<vmem>> -> memref<448x128xf32, #tpu.memory_space<vmem>>
    tpu.enqueue_dma source(%dma_start3A_562 : memref<448x128xf32, #tpu.memory_space<vmem>>) target(%dma_start3A_558 : memref<448x128xf32, #tpu.memory_space<hbm>>) target_semaphore(%arg10 : memref<!tpu.dma_semaphore, #tpu.memory_space<semaphore_mem>>)
    %dma_wait3A_563 = arith.constant 1 : i32
    %dma_wait3A_564 = arith.constant 0 : i32
    %dma_wait3A_565 = arith.constant 0 : i32
    %dma_wait3A_566 = tpu.memref_slice %arg6[%dma_wait3A_563, %dma_wait3A_564, %dma_wait3A_565] : memref<2x448x128xf32, #tpu.memory_space<vmem>> -> memref<1x448x128xf32, #tpu.memory_space<vmem>>
    %dma_wait3A_567 = tpu.memref_squeeze %dma_wait3A_566 : memref<1x448x128xf32, #tpu.memory_space<vmem>> -> memref<448x128xf32, #tpu.memory_space<vmem>>
    %dma_wait3A_568 = arith.constant 0 : i32
    %dma_wait3A_569 = tpu.memref_slice %arg5[%add3A_549, %dma_wait3A_568] : memref<262144x128xf32, #tpu.memory_space<hbm>> -> memref<448x128xf32, #tpu.memory_space<hbm>>
    %dma_wait3A_570 = arith.constant 0 : i32
    %dma_wait3A_571 = tpu.memref_slice %arg5[%add3A_549, %dma_wait3A_570] : memref<262144x128xf32, #tpu.memory_space<hbm>> -> memref<448x128xf32, #tpu.memory_space<hbm>>
    %dma_wait3A_572 = arith.constant 0 : i32
    %dma_wait3A_573 = arith.constant 0 : i32
    %dma_wait3A_574 = tpu.memref_slice %arg6[%dma_wait3A_563, %dma_wait3A_572, %dma_wait3A_573] : memref<2x448x128xf32, #tpu.memory_space<vmem>> -> memref<1x448x128xf32, #tpu.memory_space<vmem>>
    %dma_wait3A_575 = tpu.memref_squeeze %dma_wait3A_574 : memref<1x448x128xf32, #tpu.memory_space<vmem>> -> memref<448x128xf32, #tpu.memory_space<vmem>>
    tpu.wait_dma2 semaphore(%arg10 : memref<!tpu.dma_semaphore, #tpu.memory_space<semaphore_mem>>) src(%dma_wait3A_575 : memref<448x128xf32, #tpu.memory_space<vmem>>) dst(%dma_wait3A_571 : memref<448x128xf32, #tpu.memory_space<hbm>>)
    %add3A_576 = arith.constant 4928 : i32
    %add3A_577 = arith.addi %mul3A_2, %add3A_576 : i32
    %dma_start3A_578 = arith.constant 1 : i32
    %dma_start3A_579 = arith.constant 0 : i32
    %dma_start3A_580 = arith.constant 0 : i32
    %dma_start3A_581 = tpu.memref_slice %arg6[%dma_start3A_578, %dma_start3A_579, %dma_start3A_580] : memref<2x448x128xf32, #tpu.memory_space<vmem>> -> memref<1x448x128xf32, #tpu.memory_space<vmem>>
    %dma_start3A_582 = tpu.memref_squeeze %dma_start3A_581 : memref<1x448x128xf32, #tpu.memory_space<vmem>> -> memref<448x128xf32, #tpu.memory_space<vmem>>
    %dma_start3A_583 = arith.constant 0 : i32
    %dma_start3A_584 = tpu.memref_slice %arg4[%add3A_577, %dma_start3A_583] : memref<262144x128xf32, #tpu.memory_space<hbm>> -> memref<448x128xf32, #tpu.memory_space<hbm>>
    %dma_start3A_585 = arith.constant 0 : i32
    %dma_start3A_586 = arith.constant 0 : i32
    %dma_start3A_587 = tpu.memref_slice %arg6[%dma_start3A_578, %dma_start3A_585, %dma_start3A_586] : memref<2x448x128xf32, #tpu.memory_space<vmem>> -> memref<1x448x128xf32, #tpu.memory_space<vmem>>
    %dma_start3A_588 = tpu.memref_squeeze %dma_start3A_587 : memref<1x448x128xf32, #tpu.memory_space<vmem>> -> memref<448x128xf32, #tpu.memory_space<vmem>>
    %dma_start3A_589 = arith.constant 0 : i32
    %dma_start3A_590 = tpu.memref_slice %arg4[%add3A_577, %dma_start3A_589] : memref<262144x128xf32, #tpu.memory_space<hbm>> -> memref<448x128xf32, #tpu.memory_space<hbm>>
    tpu.enqueue_dma source(%dma_start3A_590 : memref<448x128xf32, #tpu.memory_space<hbm>>) target(%dma_start3A_588 : memref<448x128xf32, #tpu.memory_space<vmem>>) target_semaphore(%arg9 : memref<!tpu.dma_semaphore, #tpu.memory_space<semaphore_mem>>)
    %dma_wait3A_591 = arith.constant 0 : i32
    %dma_wait3A_592 = arith.constant 0 : i32
    %dma_wait3A_593 = arith.constant 0 : i32
    %dma_wait3A_594 = tpu.memref_slice %arg6[%dma_wait3A_591, %dma_wait3A_592, %dma_wait3A_593] : memref<2x448x128xf32, #tpu.memory_space<vmem>> -> memref<1x448x128xf32, #tpu.memory_space<vmem>>
    %dma_wait3A_595 = tpu.memref_squeeze %dma_wait3A_594 : memref<1x448x128xf32, #tpu.memory_space<vmem>> -> memref<448x128xf32, #tpu.memory_space<vmem>>
    %dma_wait3A_596 = arith.constant 0 : i32
    %dma_wait3A_597 = tpu.memref_slice %arg4[%add3A_521, %dma_wait3A_596] : memref<262144x128xf32, #tpu.memory_space<hbm>> -> memref<448x128xf32, #tpu.memory_space<hbm>>
    %dma_wait3A_598 = arith.constant 0 : i32
    %dma_wait3A_599 = arith.constant 0 : i32
    %dma_wait3A_600 = tpu.memref_slice %arg6[%dma_wait3A_591, %dma_wait3A_598, %dma_wait3A_599] : memref<2x448x128xf32, #tpu.memory_space<vmem>> -> memref<1x448x128xf32, #tpu.memory_space<vmem>>
    %dma_wait3A_601 = tpu.memref_squeeze %dma_wait3A_600 : memref<1x448x128xf32, #tpu.memory_space<vmem>> -> memref<448x128xf32, #tpu.memory_space<vmem>>
    %dma_wait3A_602 = arith.constant 0 : i32
    %dma_wait3A_603 = tpu.memref_slice %arg4[%add3A_521, %dma_wait3A_602] : memref<262144x128xf32, #tpu.memory_space<hbm>> -> memref<448x128xf32, #tpu.memory_space<hbm>>
    tpu.wait_dma2 semaphore(%arg9 : memref<!tpu.dma_semaphore, #tpu.memory_space<semaphore_mem>>) src(%dma_wait3A_603 : memref<448x128xf32, #tpu.memory_space<hbm>>) dst(%dma_wait3A_601 : memref<448x128xf32, #tpu.memory_space<vmem>>)
    %add3A_604 = arith.constant 4480 : i32
    %add3A_605 = arith.addi %mul3A_2, %add3A_604 : i32
    %dma_start3A_606 = arith.constant 0 : i32
    %dma_start3A_607 = arith.constant 0 : i32
    %dma_start3A_608 = arith.constant 0 : i32
    %dma_start3A_609 = tpu.memref_slice %arg6[%dma_start3A_606, %dma_start3A_607, %dma_start3A_608] : memref<2x448x128xf32, #tpu.memory_space<vmem>> -> memref<1x448x128xf32, #tpu.memory_space<vmem>>
    %dma_start3A_610 = tpu.memref_squeeze %dma_start3A_609 : memref<1x448x128xf32, #tpu.memory_space<vmem>> -> memref<448x128xf32, #tpu.memory_space<vmem>>
    %dma_start3A_611 = arith.constant 0 : i32
    %dma_start3A_612 = tpu.memref_slice %arg5[%add3A_605, %dma_start3A_611] : memref<262144x128xf32, #tpu.memory_space<hbm>> -> memref<448x128xf32, #tpu.memory_space<hbm>>
    %dma_start3A_613 = arith.constant 0 : i32
    %dma_start3A_614 = tpu.memref_slice %arg5[%add3A_605, %dma_start3A_613] : memref<262144x128xf32, #tpu.memory_space<hbm>> -> memref<448x128xf32, #tpu.memory_space<hbm>>
    %dma_start3A_615 = arith.constant 0 : i32
    %dma_start3A_616 = arith.constant 0 : i32
    %dma_start3A_617 = tpu.memref_slice %arg6[%dma_start3A_606, %dma_start3A_615, %dma_start3A_616] : memref<2x448x128xf32, #tpu.memory_space<vmem>> -> memref<1x448x128xf32, #tpu.memory_space<vmem>>
    %dma_start3A_618 = tpu.memref_squeeze %dma_start3A_617 : memref<1x448x128xf32, #tpu.memory_space<vmem>> -> memref<448x128xf32, #tpu.memory_space<vmem>>
    tpu.enqueue_dma source(%dma_start3A_618 : memref<448x128xf32, #tpu.memory_space<vmem>>) target(%dma_start3A_614 : memref<448x128xf32, #tpu.memory_space<hbm>>) target_semaphore(%arg10 : memref<!tpu.dma_semaphore, #tpu.memory_space<semaphore_mem>>)
    %dma_wait3A_619 = arith.constant 0 : i32
    %dma_wait3A_620 = arith.constant 0 : i32
    %dma_wait3A_621 = arith.constant 0 : i32
    %dma_wait3A_622 = tpu.memref_slice %arg6[%dma_wait3A_619, %dma_wait3A_620, %dma_wait3A_621] : memref<2x448x128xf32, #tpu.memory_space<vmem>> -> memref<1x448x128xf32, #tpu.memory_space<vmem>>
    %dma_wait3A_623 = tpu.memref_squeeze %dma_wait3A_622 : memref<1x448x128xf32, #tpu.memory_space<vmem>> -> memref<448x128xf32, #tpu.memory_space<vmem>>
    %dma_wait3A_624 = arith.constant 0 : i32
    %dma_wait3A_625 = tpu.memref_slice %arg5[%add3A_605, %dma_wait3A_624] : memref<262144x128xf32, #tpu.memory_space<hbm>> -> memref<448x128xf32, #tpu.memory_space<hbm>>
    %dma_wait3A_626 = arith.constant 0 : i32
    %dma_wait3A_627 = tpu.memref_slice %arg5[%add3A_605, %dma_wait3A_626] : memref<262144x128xf32, #tpu.memory_space<hbm>> -> memref<448x128xf32, #tpu.memory_space<hbm>>
    %dma_wait3A_628 = arith.constant 0 : i32
    %dma_wait3A_629 = arith.constant 0 : i32
    %dma_wait3A_630 = tpu.memref_slice %arg6[%dma_wait3A_619, %dma_wait3A_628, %dma_wait3A_629] : memref<2x448x128xf32, #tpu.memory_space<vmem>> -> memref<1x448x128xf32, #tpu.memory_space<vmem>>
    %dma_wait3A_631 = tpu.memref_squeeze %dma_wait3A_630 : memref<1x448x128xf32, #tpu.memory_space<vmem>> -> memref<448x128xf32, #tpu.memory_space<vmem>>
    tpu.wait_dma2 semaphore(%arg10 : memref<!tpu.dma_semaphore, #tpu.memory_space<semaphore_mem>>) src(%dma_wait3A_631 : memref<448x128xf32, #tpu.memory_space<vmem>>) dst(%dma_wait3A_627 : memref<448x128xf32, #tpu.memory_space<hbm>>)
    %add3A_632 = arith.constant 5376 : i32
    %add3A_633 = arith.addi %mul3A_2, %add3A_632 : i32
    %dma_start3A_634 = arith.constant 0 : i32
    %dma_start3A_635 = arith.constant 0 : i32
    %dma_start3A_636 = arith.constant 0 : i32
    %dma_start3A_637 = tpu.memref_slice %arg6[%dma_start3A_634, %dma_start3A_635, %dma_start3A_636] : memref<2x448x128xf32, #tpu.memory_space<vmem>> -> memref<1x448x128xf32, #tpu.memory_space<vmem>>
    %dma_start3A_638 = tpu.memref_squeeze %dma_start3A_637 : memref<1x448x128xf32, #tpu.memory_space<vmem>> -> memref<448x128xf32, #tpu.memory_space<vmem>>
    %dma_start3A_639 = arith.constant 0 : i32
    %dma_start3A_640 = tpu.memref_slice %arg4[%add3A_633, %dma_start3A_639] : memref<262144x128xf32, #tpu.memory_space<hbm>> -> memref<448x128xf32, #tpu.memory_space<hbm>>
    %dma_start3A_641 = arith.constant 0 : i32
    %dma_start3A_642 = arith.constant 0 : i32
    %dma_start3A_643 = tpu.memref_slice %arg6[%dma_start3A_634, %dma_start3A_641, %dma_start3A_642] : memref<2x448x128xf32, #tpu.memory_space<vmem>> -> memref<1x448x128xf32, #tpu.memory_space<vmem>>
    %dma_start3A_644 = tpu.memref_squeeze %dma_start3A_643 : memref<1x448x128xf32, #tpu.memory_space<vmem>> -> memref<448x128xf32, #tpu.memory_space<vmem>>
    %dma_start3A_645 = arith.constant 0 : i32
    %dma_start3A_646 = tpu.memref_slice %arg4[%add3A_633, %dma_start3A_645] : memref<262144x128xf32, #tpu.memory_space<hbm>> -> memref<448x128xf32, #tpu.memory_space<hbm>>
    tpu.enqueue_dma source(%dma_start3A_646 : memref<448x128xf32, #tpu.memory_space<hbm>>) target(%dma_start3A_644 : memref<448x128xf32, #tpu.memory_space<vmem>>) target_semaphore(%arg9 : memref<!tpu.dma_semaphore, #tpu.memory_space<semaphore_mem>>)
    %dma_wait3A_647 = arith.constant 1 : i32
    %dma_wait3A_648 = arith.constant 0 : i32
    %dma_wait3A_649 = arith.constant 0 : i32
    %dma_wait3A_650 = tpu.memref_slice %arg6[%dma_wait3A_647, %dma_wait3A_648, %dma_wait3A_649] : memref<2x448x128xf32, #tpu.memory_space<vmem>> -> memref<1x448x128xf32, #tpu.memory_space<vmem>>
    %dma_wait3A_651 = tpu.memref_squeeze %dma_wait3A_650 : memref<1x448x128xf32, #tpu.memory_space<vmem>> -> memref<448x128xf32, #tpu.memory_space<vmem>>
    %dma_wait3A_652 = arith.constant 0 : i32
    %dma_wait3A_653 = tpu.memref_slice %arg4[%add3A_577, %dma_wait3A_652] : memref<262144x128xf32, #tpu.memory_space<hbm>> -> memref<448x128xf32, #tpu.memory_space<hbm>>
    %dma_wait3A_654 = arith.constant 0 : i32
    %dma_wait3A_655 = arith.constant 0 : i32
    %dma_wait3A_656 = tpu.memref_slice %arg6[%dma_wait3A_647, %dma_wait3A_654, %dma_wait3A_655] : memref<2x448x128xf32, #tpu.memory_space<vmem>> -> memref<1x448x128xf32, #tpu.memory_space<vmem>>
    %dma_wait3A_657 = tpu.memref_squeeze %dma_wait3A_656 : memref<1x448x128xf32, #tpu.memory_space<vmem>> -> memref<448x128xf32, #tpu.memory_space<vmem>>
    %dma_wait3A_658 = arith.constant 0 : i32
    %dma_wait3A_659 = tpu.memref_slice %arg4[%add3A_577, %dma_wait3A_658] : memref<262144x128xf32, #tpu.memory_space<hbm>> -> memref<448x128xf32, #tpu.memory_space<hbm>>
    tpu.wait_dma2 semaphore(%arg9 : memref<!tpu.dma_semaphore, #tpu.memory_space<semaphore_mem>>) src(%dma_wait3A_659 : memref<448x128xf32, #tpu.memory_space<hbm>>) dst(%dma_wait3A_657 : memref<448x128xf32, #tpu.memory_space<vmem>>)
    %add3A_660 = arith.constant 4928 : i32
    %add3A_661 = arith.addi %mul3A_2, %add3A_660 : i32
    %dma_start3A_662 = arith.constant 1 : i32
    %dma_start3A_663 = arith.constant 0 : i32
    %dma_start3A_664 = arith.constant 0 : i32
    %dma_start3A_665 = tpu.memref_slice %arg6[%dma_start3A_662, %dma_start3A_663, %dma_start3A_664] : memref<2x448x128xf32, #tpu.memory_space<vmem>> -> memref<1x448x128xf32, #tpu.memory_space<vmem>>
    %dma_start3A_666 = tpu.memref_squeeze %dma_start3A_665 : memref<1x448x128xf32, #tpu.memory_space<vmem>> -> memref<448x128xf32, #tpu.memory_space<vmem>>
    %dma_start3A_667 = arith.constant 0 : i32
    %dma_start3A_668 = tpu.memref_slice %arg5[%add3A_661, %dma_start3A_667] : memref<262144x128xf32, #tpu.memory_space<hbm>> -> memref<448x128xf32, #tpu.memory_space<hbm>>
    %dma_start3A_669 = arith.constant 0 : i32
    %dma_start3A_670 = tpu.memref_slice %arg5[%add3A_661, %dma_start3A_669] : memref<262144x128xf32, #tpu.memory_space<hbm>> -> memref<448x128xf32, #tpu.memory_space<hbm>>
    %dma_start3A_671 = arith.constant 0 : i32
    %dma_start3A_672 = arith.constant 0 : i32
    %dma_start3A_673 = tpu.memref_slice %arg6[%dma_start3A_662, %dma_start3A_671, %dma_start3A_672] : memref<2x448x128xf32, #tpu.memory_space<vmem>> -> memref<1x448x128xf32, #tpu.memory_space<vmem>>
    %dma_start3A_674 = tpu.memref_squeeze %dma_start3A_673 : memref<1x448x128xf32, #tpu.memory_space<vmem>> -> memref<448x128xf32, #tpu.memory_space<vmem>>
    tpu.enqueue_dma source(%dma_start3A_674 : memref<448x128xf32, #tpu.memory_space<vmem>>) target(%dma_start3A_670 : memref<448x128xf32, #tpu.memory_space<hbm>>) target_semaphore(%arg10 : memref<!tpu.dma_semaphore, #tpu.memory_space<semaphore_mem>>)
    %dma_wait3A_675 = arith.constant 1 : i32
    %dma_wait3A_676 = arith.constant 0 : i32
    %dma_wait3A_677 = arith.constant 0 : i32
    %dma_wait3A_678 = tpu.memref_slice %arg6[%dma_wait3A_675, %dma_wait3A_676, %dma_wait3A_677] : memref<2x448x128xf32, #tpu.memory_space<vmem>> -> memref<1x448x128xf32, #tpu.memory_space<vmem>>
    %dma_wait3A_679 = tpu.memref_squeeze %dma_wait3A_678 : memref<1x448x128xf32, #tpu.memory_space<vmem>> -> memref<448x128xf32, #tpu.memory_space<vmem>>
    %dma_wait3A_680 = arith.constant 0 : i32
    %dma_wait3A_681 = tpu.memref_slice %arg5[%add3A_661, %dma_wait3A_680] : memref<262144x128xf32, #tpu.memory_space<hbm>> -> memref<448x128xf32, #tpu.memory_space<hbm>>
    %dma_wait3A_682 = arith.constant 0 : i32
    %dma_wait3A_683 = tpu.memref_slice %arg5[%add3A_661, %dma_wait3A_682] : memref<262144x128xf32, #tpu.memory_space<hbm>> -> memref<448x128xf32, #tpu.memory_space<hbm>>
    %dma_wait3A_684 = arith.constant 0 : i32
    %dma_wait3A_685 = arith.constant 0 : i32
    %dma_wait3A_686 = tpu.memref_slice %arg6[%dma_wait3A_675, %dma_wait3A_684, %dma_wait3A_685] : memref<2x448x128xf32, #tpu.memory_space<vmem>> -> memref<1x448x128xf32, #tpu.memory_space<vmem>>
    %dma_wait3A_687 = tpu.memref_squeeze %dma_wait3A_686 : memref<1x448x128xf32, #tpu.memory_space<vmem>> -> memref<448x128xf32, #tpu.memory_space<vmem>>
    tpu.wait_dma2 semaphore(%arg10 : memref<!tpu.dma_semaphore, #tpu.memory_space<semaphore_mem>>) src(%dma_wait3A_687 : memref<448x128xf32, #tpu.memory_space<vmem>>) dst(%dma_wait3A_683 : memref<448x128xf32, #tpu.memory_space<hbm>>)
    %add3A_688 = arith.constant 5824 : i32
    %add3A_689 = arith.addi %mul3A_2, %add3A_688 : i32
    %dma_start3A_690 = arith.constant 1 : i32
    %dma_start3A_691 = arith.constant 0 : i32
    %dma_start3A_692 = arith.constant 0 : i32
    %dma_start3A_693 = tpu.memref_slice %arg6[%dma_start3A_690, %dma_start3A_691, %dma_start3A_692] : memref<2x448x128xf32, #tpu.memory_space<vmem>> -> memref<1x448x128xf32, #tpu.memory_space<vmem>>
    %dma_start3A_694 = tpu.memref_squeeze %dma_start3A_693 : memref<1x448x128xf32, #tpu.memory_space<vmem>> -> memref<448x128xf32, #tpu.memory_space<vmem>>
    %dma_start3A_695 = arith.constant 0 : i32
    %dma_start3A_696 = tpu.memref_slice %arg4[%add3A_689, %dma_start3A_695] : memref<262144x128xf32, #tpu.memory_space<hbm>> -> memref<448x128xf32, #tpu.memory_space<hbm>>
    %dma_start3A_697 = arith.constant 0 : i32
    %dma_start3A_698 = arith.constant 0 : i32
    %dma_start3A_699 = tpu.memref_slice %arg6[%dma_start3A_690, %dma_start3A_697, %dma_start3A_698] : memref<2x448x128xf32, #tpu.memory_space<vmem>> -> memref<1x448x128xf32, #tpu.memory_space<vmem>>
    %dma_start3A_700 = tpu.memref_squeeze %dma_start3A_699 : memref<1x448x128xf32, #tpu.memory_space<vmem>> -> memref<448x128xf32, #tpu.memory_space<vmem>>
    %dma_start3A_701 = arith.constant 0 : i32
    %dma_start3A_702 = tpu.memref_slice %arg4[%add3A_689, %dma_start3A_701] : memref<262144x128xf32, #tpu.memory_space<hbm>> -> memref<448x128xf32, #tpu.memory_space<hbm>>
    tpu.enqueue_dma source(%dma_start3A_702 : memref<448x128xf32, #tpu.memory_space<hbm>>) target(%dma_start3A_700 : memref<448x128xf32, #tpu.memory_space<vmem>>) target_semaphore(%arg9 : memref<!tpu.dma_semaphore, #tpu.memory_space<semaphore_mem>>)
    %dma_wait3A_703 = arith.constant 0 : i32
    %dma_wait3A_704 = arith.constant 0 : i32
    %dma_wait3A_705 = arith.constant 0 : i32
    %dma_wait3A_706 = tpu.memref_slice %arg6[%dma_wait3A_703, %dma_wait3A_704, %dma_wait3A_705] : memref<2x448x128xf32, #tpu.memory_space<vmem>> -> memref<1x448x128xf32, #tpu.memory_space<vmem>>
    %dma_wait3A_707 = tpu.memref_squeeze %dma_wait3A_706 : memref<1x448x128xf32, #tpu.memory_space<vmem>> -> memref<448x128xf32, #tpu.memory_space<vmem>>
    %dma_wait3A_708 = arith.constant 0 : i32
    %dma_wait3A_709 = tpu.memref_slice %arg4[%add3A_633, %dma_wait3A_708] : memref<262144x128xf32, #tpu.memory_space<hbm>> -> memref<448x128xf32, #tpu.memory_space<hbm>>
    %dma_wait3A_710 = arith.constant 0 : i32
    %dma_wait3A_711 = arith.constant 0 : i32
    %dma_wait3A_712 = tpu.memref_slice %arg6[%dma_wait3A_703, %dma_wait3A_710, %dma_wait3A_711] : memref<2x448x128xf32, #tpu.memory_space<vmem>> -> memref<1x448x128xf32, #tpu.memory_space<vmem>>
    %dma_wait3A_713 = tpu.memref_squeeze %dma_wait3A_712 : memref<1x448x128xf32, #tpu.memory_space<vmem>> -> memref<448x128xf32, #tpu.memory_space<vmem>>
    %dma_wait3A_714 = arith.constant 0 : i32
    %dma_wait3A_715 = tpu.memref_slice %arg4[%add3A_633, %dma_wait3A_714] : memref<262144x128xf32, #tpu.memory_space<hbm>> -> memref<448x128xf32, #tpu.memory_space<hbm>>
    tpu.wait_dma2 semaphore(%arg9 : memref<!tpu.dma_semaphore, #tpu.memory_space<semaphore_mem>>) src(%dma_wait3A_715 : memref<448x128xf32, #tpu.memory_space<hbm>>) dst(%dma_wait3A_713 : memref<448x128xf32, #tpu.memory_space<vmem>>)
    %add3A_716 = arith.constant 5376 : i32
    %add3A_717 = arith.addi %mul3A_2, %add3A_716 : i32
    %dma_start3A_718 = arith.constant 0 : i32
    %dma_start3A_719 = arith.constant 0 : i32
    %dma_start3A_720 = arith.constant 0 : i32
    %dma_start3A_721 = tpu.memref_slice %arg6[%dma_start3A_718, %dma_start3A_719, %dma_start3A_720] : memref<2x448x128xf32, #tpu.memory_space<vmem>> -> memref<1x448x128xf32, #tpu.memory_space<vmem>>
    %dma_start3A_722 = tpu.memref_squeeze %dma_start3A_721 : memref<1x448x128xf32, #tpu.memory_space<vmem>> -> memref<448x128xf32, #tpu.memory_space<vmem>>
    %dma_start3A_723 = arith.constant 0 : i32
    %dma_start3A_724 = tpu.memref_slice %arg5[%add3A_717, %dma_start3A_723] : memref<262144x128xf32, #tpu.memory_space<hbm>> -> memref<448x128xf32, #tpu.memory_space<hbm>>
    %dma_start3A_725 = arith.constant 0 : i32
    %dma_start3A_726 = tpu.memref_slice %arg5[%add3A_717, %dma_start3A_725] : memref<262144x128xf32, #tpu.memory_space<hbm>> -> memref<448x128xf32, #tpu.memory_space<hbm>>
    %dma_start3A_727 = arith.constant 0 : i32
    %dma_start3A_728 = arith.constant 0 : i32
    %dma_start3A_729 = tpu.memref_slice %arg6[%dma_start3A_718, %dma_start3A_727, %dma_start3A_728] : memref<2x448x128xf32, #tpu.memory_space<vmem>> -> memref<1x448x128xf32, #tpu.memory_space<vmem>>
    %dma_start3A_730 = tpu.memref_squeeze %dma_start3A_729 : memref<1x448x128xf32, #tpu.memory_space<vmem>> -> memref<448x128xf32, #tpu.memory_space<vmem>>
    tpu.enqueue_dma source(%dma_start3A_730 : memref<448x128xf32, #tpu.memory_space<vmem>>) target(%dma_start3A_726 : memref<448x128xf32, #tpu.memory_space<hbm>>) target_semaphore(%arg10 : memref<!tpu.dma_semaphore, #tpu.memory_space<semaphore_mem>>)
    %dma_wait3A_731 = arith.constant 0 : i32
    %dma_wait3A_732 = arith.constant 0 : i32
    %dma_wait3A_733 = arith.constant 0 : i32
    %dma_wait3A_734 = tpu.memref_slice %arg6[%dma_wait3A_731, %dma_wait3A_732, %dma_wait3A_733] : memref<2x448x128xf32, #tpu.memory_space<vmem>> -> memref<1x448x128xf32, #tpu.memory_space<vmem>>
    %dma_wait3A_735 = tpu.memref_squeeze %dma_wait3A_734 : memref<1x448x128xf32, #tpu.memory_space<vmem>> -> memref<448x128xf32, #tpu.memory_space<vmem>>
    %dma_wait3A_736 = arith.constant 0 : i32
    %dma_wait3A_737 = tpu.memref_slice %arg5[%add3A_717, %dma_wait3A_736] : memref<262144x128xf32, #tpu.memory_space<hbm>> -> memref<448x128xf32, #tpu.memory_space<hbm>>
    %dma_wait3A_738 = arith.constant 0 : i32
    %dma_wait3A_739 = tpu.memref_slice %arg5[%add3A_717, %dma_wait3A_738] : memref<262144x128xf32, #tpu.memory_space<hbm>> -> memref<448x128xf32, #tpu.memory_space<hbm>>
    %dma_wait3A_740 = arith.constant 0 : i32
    %dma_wait3A_741 = arith.constant 0 : i32
    %dma_wait3A_742 = tpu.memref_slice %arg6[%dma_wait3A_731, %dma_wait3A_740, %dma_wait3A_741] : memref<2x448x128xf32, #tpu.memory_space<vmem>> -> memref<1x448x128xf32, #tpu.memory_space<vmem>>
    %dma_wait3A_743 = tpu.memref_squeeze %dma_wait3A_742 : memref<1x448x128xf32, #tpu.memory_space<vmem>> -> memref<448x128xf32, #tpu.memory_space<vmem>>
    tpu.wait_dma2 semaphore(%arg10 : memref<!tpu.dma_semaphore, #tpu.memory_space<semaphore_mem>>) src(%dma_wait3A_743 : memref<448x128xf32, #tpu.memory_space<vmem>>) dst(%dma_wait3A_739 : memref<448x128xf32, #tpu.memory_space<hbm>>)
    %add3A_744 = arith.constant 6272 : i32
    %add3A_745 = arith.addi %mul3A_2, %add3A_744 : i32
    %dma_start3A_746 = arith.constant 0 : i32
    %dma_start3A_747 = arith.constant 0 : i32
    %dma_start3A_748 = arith.constant 0 : i32
    %dma_start3A_749 = tpu.memref_slice %arg6[%dma_start3A_746, %dma_start3A_747, %dma_start3A_748] : memref<2x448x128xf32, #tpu.memory_space<vmem>> -> memref<1x448x128xf32, #tpu.memory_space<vmem>>
    %dma_start3A_750 = tpu.memref_squeeze %dma_start3A_749 : memref<1x448x128xf32, #tpu.memory_space<vmem>> -> memref<448x128xf32, #tpu.memory_space<vmem>>
    %dma_start3A_751 = arith.constant 0 : i32
    %dma_start3A_752 = tpu.memref_slice %arg4[%add3A_745, %dma_start3A_751] : memref<262144x128xf32, #tpu.memory_space<hbm>> -> memref<448x128xf32, #tpu.memory_space<hbm>>
    %dma_start3A_753 = arith.constant 0 : i32
    %dma_start3A_754 = arith.constant 0 : i32
    %dma_start3A_755 = tpu.memref_slice %arg6[%dma_start3A_746, %dma_start3A_753, %dma_start3A_754] : memref<2x448x128xf32, #tpu.memory_space<vmem>> -> memref<1x448x128xf32, #tpu.memory_space<vmem>>
    %dma_start3A_756 = tpu.memref_squeeze %dma_start3A_755 : memref<1x448x128xf32, #tpu.memory_space<vmem>> -> memref<448x128xf32, #tpu.memory_space<vmem>>
    %dma_start3A_757 = arith.constant 0 : i32
    %dma_start3A_758 = tpu.memref_slice %arg4[%add3A_745, %dma_start3A_757] : memref<262144x128xf32, #tpu.memory_space<hbm>> -> memref<448x128xf32, #tpu.memory_space<hbm>>
    tpu.enqueue_dma source(%dma_start3A_758 : memref<448x128xf32, #tpu.memory_space<hbm>>) target(%dma_start3A_756 : memref<448x128xf32, #tpu.memory_space<vmem>>) target_semaphore(%arg9 : memref<!tpu.dma_semaphore, #tpu.memory_space<semaphore_mem>>)
    %dma_wait3A_759 = arith.constant 1 : i32
    %dma_wait3A_760 = arith.constant 0 : i32
    %dma_wait3A_761 = arith.constant 0 : i32
    %dma_wait3A_762 = tpu.memref_slice %arg6[%dma_wait3A_759, %dma_wait3A_760, %dma_wait3A_761] : memref<2x448x128xf32, #tpu.memory_space<vmem>> -> memref<1x448x128xf32, #tpu.memory_space<vmem>>
    %dma_wait3A_763 = tpu.memref_squeeze %dma_wait3A_762 : memref<1x448x128xf32, #tpu.memory_space<vmem>> -> memref<448x128xf32, #tpu.memory_space<vmem>>
    %dma_wait3A_764 = arith.constant 0 : i32
    %dma_wait3A_765 = tpu.memref_slice %arg4[%add3A_689, %dma_wait3A_764] : memref<262144x128xf32, #tpu.memory_space<hbm>> -> memref<448x128xf32, #tpu.memory_space<hbm>>
    %dma_wait3A_766 = arith.constant 0 : i32
    %dma_wait3A_767 = arith.constant 0 : i32
    %dma_wait3A_768 = tpu.memref_slice %arg6[%dma_wait3A_759, %dma_wait3A_766, %dma_wait3A_767] : memref<2x448x128xf32, #tpu.memory_space<vmem>> -> memref<1x448x128xf32, #tpu.memory_space<vmem>>
    %dma_wait3A_769 = tpu.memref_squeeze %dma_wait3A_768 : memref<1x448x128xf32, #tpu.memory_space<vmem>> -> memref<448x128xf32, #tpu.memory_space<vmem>>
    %dma_wait3A_770 = arith.constant 0 : i32
    %dma_wait3A_771 = tpu.memref_slice %arg4[%add3A_689, %dma_wait3A_770] : memref<262144x128xf32, #tpu.memory_space<hbm>> -> memref<448x128xf32, #tpu.memory_space<hbm>>
    tpu.wait_dma2 semaphore(%arg9 : memref<!tpu.dma_semaphore, #tpu.memory_space<semaphore_mem>>) src(%dma_wait3A_771 : memref<448x128xf32, #tpu.memory_space<hbm>>) dst(%dma_wait3A_769 : memref<448x128xf32, #tpu.memory_space<vmem>>)
    %add3A_772 = arith.constant 5824 : i32
    %add3A_773 = arith.addi %mul3A_2, %add3A_772 : i32
    %dma_start3A_774 = arith.constant 1 : i32
    %dma_start3A_775 = arith.constant 0 : i32
    %dma_start3A_776 = arith.constant 0 : i32
    %dma_start3A_777 = tpu.memref_slice %arg6[%dma_start3A_774, %dma_start3A_775, %dma_start3A_776] : memref<2x448x128xf32, #tpu.memory_space<vmem>> -> memref<1x448x128xf32, #tpu.memory_space<vmem>>
    %dma_start3A_778 = tpu.memref_squeeze %dma_start3A_777 : memref<1x448x128xf32, #tpu.memory_space<vmem>> -> memref<448x128xf32, #tpu.memory_space<vmem>>
    %dma_start3A_779 = arith.constant 0 : i32
    %dma_start3A_780 = tpu.memref_slice %arg5[%add3A_773, %dma_start3A_779] : memref<262144x128xf32, #tpu.memory_space<hbm>> -> memref<448x128xf32, #tpu.memory_space<hbm>>
    %dma_start3A_781 = arith.constant 0 : i32
    %dma_start3A_782 = tpu.memref_slice %arg5[%add3A_773, %dma_start3A_781] : memref<262144x128xf32, #tpu.memory_space<hbm>> -> memref<448x128xf32, #tpu.memory_space<hbm>>
    %dma_start3A_783 = arith.constant 0 : i32
    %dma_start3A_784 = arith.constant 0 : i32
    %dma_start3A_785 = tpu.memref_slice %arg6[%dma_start3A_774, %dma_start3A_783, %dma_start3A_784] : memref<2x448x128xf32, #tpu.memory_space<vmem>> -> memref<1x448x128xf32, #tpu.memory_space<vmem>>
    %dma_start3A_786 = tpu.memref_squeeze %dma_start3A_785 : memref<1x448x128xf32, #tpu.memory_space<vmem>> -> memref<448x128xf32, #tpu.memory_space<vmem>>
    tpu.enqueue_dma source(%dma_start3A_786 : memref<448x128xf32, #tpu.memory_space<vmem>>) target(%dma_start3A_782 : memref<448x128xf32, #tpu.memory_space<hbm>>) target_semaphore(%arg10 : memref<!tpu.dma_semaphore, #tpu.memory_space<semaphore_mem>>)
    %dma_wait3A_787 = arith.constant 1 : i32
    %dma_wait3A_788 = arith.constant 0 : i32
    %dma_wait3A_789 = arith.constant 0 : i32
    %dma_wait3A_790 = tpu.memref_slice %arg6[%dma_wait3A_787, %dma_wait3A_788, %dma_wait3A_789] : memref<2x448x128xf32, #tpu.memory_space<vmem>> -> memref<1x448x128xf32, #tpu.memory_space<vmem>>
    %dma_wait3A_791 = tpu.memref_squeeze %dma_wait3A_790 : memref<1x448x128xf32, #tpu.memory_space<vmem>> -> memref<448x128xf32, #tpu.memory_space<vmem>>
    %dma_wait3A_792 = arith.constant 0 : i32
    %dma_wait3A_793 = tpu.memref_slice %arg5[%add3A_773, %dma_wait3A_792] : memref<262144x128xf32, #tpu.memory_space<hbm>> -> memref<448x128xf32, #tpu.memory_space<hbm>>
    %dma_wait3A_794 = arith.constant 0 : i32
    %dma_wait3A_795 = tpu.memref_slice %arg5[%add3A_773, %dma_wait3A_794] : memref<262144x128xf32, #tpu.memory_space<hbm>> -> memref<448x128xf32, #tpu.memory_space<hbm>>
    %dma_wait3A_796 = arith.constant 0 : i32
    %dma_wait3A_797 = arith.constant 0 : i32
    %dma_wait3A_798 = tpu.memref_slice %arg6[%dma_wait3A_787, %dma_wait3A_796, %dma_wait3A_797] : memref<2x448x128xf32, #tpu.memory_space<vmem>> -> memref<1x448x128xf32, #tpu.memory_space<vmem>>
    %dma_wait3A_799 = tpu.memref_squeeze %dma_wait3A_798 : memref<1x448x128xf32, #tpu.memory_space<vmem>> -> memref<448x128xf32, #tpu.memory_space<vmem>>
    tpu.wait_dma2 semaphore(%arg10 : memref<!tpu.dma_semaphore, #tpu.memory_space<semaphore_mem>>) src(%dma_wait3A_799 : memref<448x128xf32, #tpu.memory_space<vmem>>) dst(%dma_wait3A_795 : memref<448x128xf32, #tpu.memory_space<hbm>>)
    %add3A_800 = arith.constant 6720 : i32
    %add3A_801 = arith.addi %mul3A_2, %add3A_800 : i32
    %dma_start3A_802 = arith.constant 1 : i32
    %dma_start3A_803 = arith.constant 0 : i32
    %dma_start3A_804 = arith.constant 0 : i32
    %dma_start3A_805 = tpu.memref_slice %arg6[%dma_start3A_802, %dma_start3A_803, %dma_start3A_804] : memref<2x448x128xf32, #tpu.memory_space<vmem>> -> memref<1x448x128xf32, #tpu.memory_space<vmem>>
    %dma_start3A_806 = tpu.memref_squeeze %dma_start3A_805 : memref<1x448x128xf32, #tpu.memory_space<vmem>> -> memref<448x128xf32, #tpu.memory_space<vmem>>
    %dma_start3A_807 = arith.constant 0 : i32
    %dma_start3A_808 = tpu.memref_slice %arg4[%add3A_801, %dma_start3A_807] : memref<262144x128xf32, #tpu.memory_space<hbm>> -> memref<448x128xf32, #tpu.memory_space<hbm>>
    %dma_start3A_809 = arith.constant 0 : i32
    %dma_start3A_810 = arith.constant 0 : i32
    %dma_start3A_811 = tpu.memref_slice %arg6[%dma_start3A_802, %dma_start3A_809, %dma_start3A_810] : memref<2x448x128xf32, #tpu.memory_space<vmem>> -> memref<1x448x128xf32, #tpu.memory_space<vmem>>
    %dma_start3A_812 = tpu.memref_squeeze %dma_start3A_811 : memref<1x448x128xf32, #tpu.memory_space<vmem>> -> memref<448x128xf32, #tpu.memory_space<vmem>>
    %dma_start3A_813 = arith.constant 0 : i32
    %dma_start3A_814 = tpu.memref_slice %arg4[%add3A_801, %dma_start3A_813] : memref<262144x128xf32, #tpu.memory_space<hbm>> -> memref<448x128xf32, #tpu.memory_space<hbm>>
    tpu.enqueue_dma source(%dma_start3A_814 : memref<448x128xf32, #tpu.memory_space<hbm>>) target(%dma_start3A_812 : memref<448x128xf32, #tpu.memory_space<vmem>>) target_semaphore(%arg9 : memref<!tpu.dma_semaphore, #tpu.memory_space<semaphore_mem>>)
    %dma_wait3A_815 = arith.constant 0 : i32
    %dma_wait3A_816 = arith.constant 0 : i32
    %dma_wait3A_817 = arith.constant 0 : i32
    %dma_wait3A_818 = tpu.memref_slice %arg6[%dma_wait3A_815, %dma_wait3A_816, %dma_wait3A_817] : memref<2x448x128xf32, #tpu.memory_space<vmem>> -> memref<1x448x128xf32, #tpu.memory_space<vmem>>
    %dma_wait3A_819 = tpu.memref_squeeze %dma_wait3A_818 : memref<1x448x128xf32, #tpu.memory_space<vmem>> -> memref<448x128xf32, #tpu.memory_space<vmem>>
    %dma_wait3A_820 = arith.constant 0 : i32
    %dma_wait3A_821 = tpu.memref_slice %arg4[%add3A_745, %dma_wait3A_820] : memref<262144x128xf32, #tpu.memory_space<hbm>> -> memref<448x128xf32, #tpu.memory_space<hbm>>
    %dma_wait3A_822 = arith.constant 0 : i32
    %dma_wait3A_823 = arith.constant 0 : i32
    %dma_wait3A_824 = tpu.memref_slice %arg6[%dma_wait3A_815, %dma_wait3A_822, %dma_wait3A_823] : memref<2x448x128xf32, #tpu.memory_space<vmem>> -> memref<1x448x128xf32, #tpu.memory_space<vmem>>
    %dma_wait3A_825 = tpu.memref_squeeze %dma_wait3A_824 : memref<1x448x128xf32, #tpu.memory_space<vmem>> -> memref<448x128xf32, #tpu.memory_space<vmem>>
    %dma_wait3A_826 = arith.constant 0 : i32
    %dma_wait3A_827 = tpu.memref_slice %arg4[%add3A_745, %dma_wait3A_826] : memref<262144x128xf32, #tpu.memory_space<hbm>> -> memref<448x128xf32, #tpu.memory_space<hbm>>
    tpu.wait_dma2 semaphore(%arg9 : memref<!tpu.dma_semaphore, #tpu.memory_space<semaphore_mem>>) src(%dma_wait3A_827 : memref<448x128xf32, #tpu.memory_space<hbm>>) dst(%dma_wait3A_825 : memref<448x128xf32, #tpu.memory_space<vmem>>)
    %add3A_828 = arith.constant 6272 : i32
    %add3A_829 = arith.addi %mul3A_2, %add3A_828 : i32
    %dma_start3A_830 = arith.constant 0 : i32
    %dma_start3A_831 = arith.constant 0 : i32
    %dma_start3A_832 = arith.constant 0 : i32
    %dma_start3A_833 = tpu.memref_slice %arg6[%dma_start3A_830, %dma_start3A_831, %dma_start3A_832] : memref<2x448x128xf32, #tpu.memory_space<vmem>> -> memref<1x448x128xf32, #tpu.memory_space<vmem>>
    %dma_start3A_834 = tpu.memref_squeeze %dma_start3A_833 : memref<1x448x128xf32, #tpu.memory_space<vmem>> -> memref<448x128xf32, #tpu.memory_space<vmem>>
    %dma_start3A_835 = arith.constant 0 : i32
    %dma_start3A_836 = tpu.memref_slice %arg5[%add3A_829, %dma_start3A_835] : memref<262144x128xf32, #tpu.memory_space<hbm>> -> memref<448x128xf32, #tpu.memory_space<hbm>>
    %dma_start3A_837 = arith.constant 0 : i32
    %dma_start3A_838 = tpu.memref_slice %arg5[%add3A_829, %dma_start3A_837] : memref<262144x128xf32, #tpu.memory_space<hbm>> -> memref<448x128xf32, #tpu.memory_space<hbm>>
    %dma_start3A_839 = arith.constant 0 : i32
    %dma_start3A_840 = arith.constant 0 : i32
    %dma_start3A_841 = tpu.memref_slice %arg6[%dma_start3A_830, %dma_start3A_839, %dma_start3A_840] : memref<2x448x128xf32, #tpu.memory_space<vmem>> -> memref<1x448x128xf32, #tpu.memory_space<vmem>>
    %dma_start3A_842 = tpu.memref_squeeze %dma_start3A_841 : memref<1x448x128xf32, #tpu.memory_space<vmem>> -> memref<448x128xf32, #tpu.memory_space<vmem>>
    tpu.enqueue_dma source(%dma_start3A_842 : memref<448x128xf32, #tpu.memory_space<vmem>>) target(%dma_start3A_838 : memref<448x128xf32, #tpu.memory_space<hbm>>) target_semaphore(%arg10 : memref<!tpu.dma_semaphore, #tpu.memory_space<semaphore_mem>>)
    %dma_wait3A_843 = arith.constant 0 : i32
    %dma_wait3A_844 = arith.constant 0 : i32
    %dma_wait3A_845 = arith.constant 0 : i32
    %dma_wait3A_846 = tpu.memref_slice %arg6[%dma_wait3A_843, %dma_wait3A_844, %dma_wait3A_845] : memref<2x448x128xf32, #tpu.memory_space<vmem>> -> memref<1x448x128xf32, #tpu.memory_space<vmem>>
    %dma_wait3A_847 = tpu.memref_squeeze %dma_wait3A_846 : memref<1x448x128xf32, #tpu.memory_space<vmem>> -> memref<448x128xf32, #tpu.memory_space<vmem>>
    %dma_wait3A_848 = arith.constant 0 : i32
    %dma_wait3A_849 = tpu.memref_slice %arg5[%add3A_829, %dma_wait3A_848] : memref<262144x128xf32, #tpu.memory_space<hbm>> -> memref<448x128xf32, #tpu.memory_space<hbm>>
    %dma_wait3A_850 = arith.constant 0 : i32
    %dma_wait3A_851 = tpu.memref_slice %arg5[%add3A_829, %dma_wait3A_850] : memref<262144x128xf32, #tpu.memory_space<hbm>> -> memref<448x128xf32, #tpu.memory_space<hbm>>
    %dma_wait3A_852 = arith.constant 0 : i32
    %dma_wait3A_853 = arith.constant 0 : i32
    %dma_wait3A_854 = tpu.memref_slice %arg6[%dma_wait3A_843, %dma_wait3A_852, %dma_wait3A_853] : memref<2x448x128xf32, #tpu.memory_space<vmem>> -> memref<1x448x128xf32, #tpu.memory_space<vmem>>
    %dma_wait3A_855 = tpu.memref_squeeze %dma_wait3A_854 : memref<1x448x128xf32, #tpu.memory_space<vmem>> -> memref<448x128xf32, #tpu.memory_space<vmem>>
    tpu.wait_dma2 semaphore(%arg10 : memref<!tpu.dma_semaphore, #tpu.memory_space<semaphore_mem>>) src(%dma_wait3A_855 : memref<448x128xf32, #tpu.memory_space<vmem>>) dst(%dma_wait3A_851 : memref<448x128xf32, #tpu.memory_space<hbm>>)
    %add3A_856 = arith.constant 7168 : i32
    %add3A_857 = arith.addi %mul3A_2, %add3A_856 : i32
    %dma_start3A_858 = arith.constant 0 : i32
    %dma_start3A_859 = arith.constant 0 : i32
    %dma_start3A_860 = arith.constant 0 : i32
    %dma_start3A_861 = tpu.memref_slice %arg6[%dma_start3A_858, %dma_start3A_859, %dma_start3A_860] : memref<2x448x128xf32, #tpu.memory_space<vmem>> -> memref<1x448x128xf32, #tpu.memory_space<vmem>>
    %dma_start3A_862 = tpu.memref_squeeze %dma_start3A_861 : memref<1x448x128xf32, #tpu.memory_space<vmem>> -> memref<448x128xf32, #tpu.memory_space<vmem>>
    %dma_start3A_863 = arith.constant 0 : i32
    %dma_start3A_864 = tpu.memref_slice %arg4[%add3A_857, %dma_start3A_863] : memref<262144x128xf32, #tpu.memory_space<hbm>> -> memref<448x128xf32, #tpu.memory_space<hbm>>
    %dma_start3A_865 = arith.constant 0 : i32
    %dma_start3A_866 = arith.constant 0 : i32
    %dma_start3A_867 = tpu.memref_slice %arg6[%dma_start3A_858, %dma_start3A_865, %dma_start3A_866] : memref<2x448x128xf32, #tpu.memory_space<vmem>> -> memref<1x448x128xf32, #tpu.memory_space<vmem>>
    %dma_start3A_868 = tpu.memref_squeeze %dma_start3A_867 : memref<1x448x128xf32, #tpu.memory_space<vmem>> -> memref<448x128xf32, #tpu.memory_space<vmem>>
    %dma_start3A_869 = arith.constant 0 : i32
    %dma_start3A_870 = tpu.memref_slice %arg4[%add3A_857, %dma_start3A_869] : memref<262144x128xf32, #tpu.memory_space<hbm>> -> memref<448x128xf32, #tpu.memory_space<hbm>>
    tpu.enqueue_dma source(%dma_start3A_870 : memref<448x128xf32, #tpu.memory_space<hbm>>) target(%dma_start3A_868 : memref<448x128xf32, #tpu.memory_space<vmem>>) target_semaphore(%arg9 : memref<!tpu.dma_semaphore, #tpu.memory_space<semaphore_mem>>)
    %dma_wait3A_871 = arith.constant 1 : i32
    %dma_wait3A_872 = arith.constant 0 : i32
    %dma_wait3A_873 = arith.constant 0 : i32
    %dma_wait3A_874 = tpu.memref_slice %arg6[%dma_wait3A_871, %dma_wait3A_872, %dma_wait3A_873] : memref<2x448x128xf32, #tpu.memory_space<vmem>> -> memref<1x448x128xf32, #tpu.memory_space<vmem>>
    %dma_wait3A_875 = tpu.memref_squeeze %dma_wait3A_874 : memref<1x448x128xf32, #tpu.memory_space<vmem>> -> memref<448x128xf32, #tpu.memory_space<vmem>>
    %dma_wait3A_876 = arith.constant 0 : i32
    %dma_wait3A_877 = tpu.memref_slice %arg4[%add3A_801, %dma_wait3A_876] : memref<262144x128xf32, #tpu.memory_space<hbm>> -> memref<448x128xf32, #tpu.memory_space<hbm>>
    %dma_wait3A_878 = arith.constant 0 : i32
    %dma_wait3A_879 = arith.constant 0 : i32
    %dma_wait3A_880 = tpu.memref_slice %arg6[%dma_wait3A_871, %dma_wait3A_878, %dma_wait3A_879] : memref<2x448x128xf32, #tpu.memory_space<vmem>> -> memref<1x448x128xf32, #tpu.memory_space<vmem>>
    %dma_wait3A_881 = tpu.memref_squeeze %dma_wait3A_880 : memref<1x448x128xf32, #tpu.memory_space<vmem>> -> memref<448x128xf32, #tpu.memory_space<vmem>>
    %dma_wait3A_882 = arith.constant 0 : i32
    %dma_wait3A_883 = tpu.memref_slice %arg4[%add3A_801, %dma_wait3A_882] : memref<262144x128xf32, #tpu.memory_space<hbm>> -> memref<448x128xf32, #tpu.memory_space<hbm>>
    tpu.wait_dma2 semaphore(%arg9 : memref<!tpu.dma_semaphore, #tpu.memory_space<semaphore_mem>>) src(%dma_wait3A_883 : memref<448x128xf32, #tpu.memory_space<hbm>>) dst(%dma_wait3A_881 : memref<448x128xf32, #tpu.memory_space<vmem>>)
    %add3A_884 = arith.constant 6720 : i32
    %add3A_885 = arith.addi %mul3A_2, %add3A_884 : i32
    %dma_start3A_886 = arith.constant 1 : i32
    %dma_start3A_887 = arith.constant 0 : i32
    %dma_start3A_888 = arith.constant 0 : i32
    %dma_start3A_889 = tpu.memref_slice %arg6[%dma_start3A_886, %dma_start3A_887, %dma_start3A_888] : memref<2x448x128xf32, #tpu.memory_space<vmem>> -> memref<1x448x128xf32, #tpu.memory_space<vmem>>
    %dma_start3A_890 = tpu.memref_squeeze %dma_start3A_889 : memref<1x448x128xf32, #tpu.memory_space<vmem>> -> memref<448x128xf32, #tpu.memory_space<vmem>>
    %dma_start3A_891 = arith.constant 0 : i32
    %dma_start3A_892 = tpu.memref_slice %arg5[%add3A_885, %dma_start3A_891] : memref<262144x128xf32, #tpu.memory_space<hbm>> -> memref<448x128xf32, #tpu.memory_space<hbm>>
    %dma_start3A_893 = arith.constant 0 : i32
    %dma_start3A_894 = tpu.memref_slice %arg5[%add3A_885, %dma_start3A_893] : memref<262144x128xf32, #tpu.memory_space<hbm>> -> memref<448x128xf32, #tpu.memory_space<hbm>>
    %dma_start3A_895 = arith.constant 0 : i32
    %dma_start3A_896 = arith.constant 0 : i32
    %dma_start3A_897 = tpu.memref_slice %arg6[%dma_start3A_886, %dma_start3A_895, %dma_start3A_896] : memref<2x448x128xf32, #tpu.memory_space<vmem>> -> memref<1x448x128xf32, #tpu.memory_space<vmem>>
    %dma_start3A_898 = tpu.memref_squeeze %dma_start3A_897 : memref<1x448x128xf32, #tpu.memory_space<vmem>> -> memref<448x128xf32, #tpu.memory_space<vmem>>
    tpu.enqueue_dma source(%dma_start3A_898 : memref<448x128xf32, #tpu.memory_space<vmem>>) target(%dma_start3A_894 : memref<448x128xf32, #tpu.memory_space<hbm>>) target_semaphore(%arg10 : memref<!tpu.dma_semaphore, #tpu.memory_space<semaphore_mem>>)
    %dma_wait3A_899 = arith.constant 1 : i32
    %dma_wait3A_900 = arith.constant 0 : i32
    %dma_wait3A_901 = arith.constant 0 : i32
    %dma_wait3A_902 = tpu.memref_slice %arg6[%dma_wait3A_899, %dma_wait3A_900, %dma_wait3A_901] : memref<2x448x128xf32, #tpu.memory_space<vmem>> -> memref<1x448x128xf32, #tpu.memory_space<vmem>>
    %dma_wait3A_903 = tpu.memref_squeeze %dma_wait3A_902 : memref<1x448x128xf32, #tpu.memory_space<vmem>> -> memref<448x128xf32, #tpu.memory_space<vmem>>
    %dma_wait3A_904 = arith.constant 0 : i32
    %dma_wait3A_905 = tpu.memref_slice %arg5[%add3A_885, %dma_wait3A_904] : memref<262144x128xf32, #tpu.memory_space<hbm>> -> memref<448x128xf32, #tpu.memory_space<hbm>>
    %dma_wait3A_906 = arith.constant 0 : i32
    %dma_wait3A_907 = tpu.memref_slice %arg5[%add3A_885, %dma_wait3A_906] : memref<262144x128xf32, #tpu.memory_space<hbm>> -> memref<448x128xf32, #tpu.memory_space<hbm>>
    %dma_wait3A_908 = arith.constant 0 : i32
    %dma_wait3A_909 = arith.constant 0 : i32
    %dma_wait3A_910 = tpu.memref_slice %arg6[%dma_wait3A_899, %dma_wait3A_908, %dma_wait3A_909] : memref<2x448x128xf32, #tpu.memory_space<vmem>> -> memref<1x448x128xf32, #tpu.memory_space<vmem>>
    %dma_wait3A_911 = tpu.memref_squeeze %dma_wait3A_910 : memref<1x448x128xf32, #tpu.memory_space<vmem>> -> memref<448x128xf32, #tpu.memory_space<vmem>>
    tpu.wait_dma2 semaphore(%arg10 : memref<!tpu.dma_semaphore, #tpu.memory_space<semaphore_mem>>) src(%dma_wait3A_911 : memref<448x128xf32, #tpu.memory_space<vmem>>) dst(%dma_wait3A_907 : memref<448x128xf32, #tpu.memory_space<hbm>>)
    %add3A_912 = arith.constant 7616 : i32
    %add3A_913 = arith.addi %mul3A_2, %add3A_912 : i32
    %dma_start3A_914 = arith.constant 1 : i32
    %dma_start3A_915 = arith.constant 0 : i32
    %dma_start3A_916 = arith.constant 0 : i32
    %dma_start3A_917 = tpu.memref_slice %arg6[%dma_start3A_914, %dma_start3A_915, %dma_start3A_916] : memref<2x448x128xf32, #tpu.memory_space<vmem>> -> memref<1x448x128xf32, #tpu.memory_space<vmem>>
    %dma_start3A_918 = tpu.memref_squeeze %dma_start3A_917 : memref<1x448x128xf32, #tpu.memory_space<vmem>> -> memref<448x128xf32, #tpu.memory_space<vmem>>
    %dma_start3A_919 = arith.constant 0 : i32
    %dma_start3A_920 = tpu.memref_slice %arg4[%add3A_913, %dma_start3A_919] : memref<262144x128xf32, #tpu.memory_space<hbm>> -> memref<448x128xf32, #tpu.memory_space<hbm>>
    %dma_start3A_921 = arith.constant 0 : i32
    %dma_start3A_922 = arith.constant 0 : i32
    %dma_start3A_923 = tpu.memref_slice %arg6[%dma_start3A_914, %dma_start3A_921, %dma_start3A_922] : memref<2x448x128xf32, #tpu.memory_space<vmem>> -> memref<1x448x128xf32, #tpu.memory_space<vmem>>
    %dma_start3A_924 = tpu.memref_squeeze %dma_start3A_923 : memref<1x448x128xf32, #tpu.memory_space<vmem>> -> memref<448x128xf32, #tpu.memory_space<vmem>>
    %dma_start3A_925 = arith.constant 0 : i32
    %dma_start3A_926 = tpu.memref_slice %arg4[%add3A_913, %dma_start3A_925] : memref<262144x128xf32, #tpu.memory_space<hbm>> -> memref<448x128xf32, #tpu.memory_space<hbm>>
    tpu.enqueue_dma source(%dma_start3A_926 : memref<448x128xf32, #tpu.memory_space<hbm>>) target(%dma_start3A_924 : memref<448x128xf32, #tpu.memory_space<vmem>>) target_semaphore(%arg9 : memref<!tpu.dma_semaphore, #tpu.memory_space<semaphore_mem>>)
    %dma_wait3A_927 = arith.constant 0 : i32
    %dma_wait3A_928 = arith.constant 0 : i32
    %dma_wait3A_929 = arith.constant 0 : i32
    %dma_wait3A_930 = tpu.memref_slice %arg6[%dma_wait3A_927, %dma_wait3A_928, %dma_wait3A_929] : memref<2x448x128xf32, #tpu.memory_space<vmem>> -> memref<1x448x128xf32, #tpu.memory_space<vmem>>
    %dma_wait3A_931 = tpu.memref_squeeze %dma_wait3A_930 : memref<1x448x128xf32, #tpu.memory_space<vmem>> -> memref<448x128xf32, #tpu.memory_space<vmem>>
    %dma_wait3A_932 = arith.constant 0 : i32
    %dma_wait3A_933 = tpu.memref_slice %arg4[%add3A_857, %dma_wait3A_932] : memref<262144x128xf32, #tpu.memory_space<hbm>> -> memref<448x128xf32, #tpu.memory_space<hbm>>
    %dma_wait3A_934 = arith.constant 0 : i32
    %dma_wait3A_935 = arith.constant 0 : i32
    %dma_wait3A_936 = tpu.memref_slice %arg6[%dma_wait3A_927, %dma_wait3A_934, %dma_wait3A_935] : memref<2x448x128xf32, #tpu.memory_space<vmem>> -> memref<1x448x128xf32, #tpu.memory_space<vmem>>
    %dma_wait3A_937 = tpu.memref_squeeze %dma_wait3A_936 : memref<1x448x128xf32, #tpu.memory_space<vmem>> -> memref<448x128xf32, #tpu.memory_space<vmem>>
    %dma_wait3A_938 = arith.constant 0 : i32
    %dma_wait3A_939 = tpu.memref_slice %arg4[%add3A_857, %dma_wait3A_938] : memref<262144x128xf32, #tpu.memory_space<hbm>> -> memref<448x128xf32, #tpu.memory_space<hbm>>
    tpu.wait_dma2 semaphore(%arg9 : memref<!tpu.dma_semaphore, #tpu.memory_space<semaphore_mem>>) src(%dma_wait3A_939 : memref<448x128xf32, #tpu.memory_space<hbm>>) dst(%dma_wait3A_937 : memref<448x128xf32, #tpu.memory_space<vmem>>)
    %add3A_940 = arith.constant 7168 : i32
    %add3A_941 = arith.addi %mul3A_2, %add3A_940 : i32
    %dma_start3A_942 = arith.constant 0 : i32
    %dma_start3A_943 = arith.constant 0 : i32
    %dma_start3A_944 = arith.constant 0 : i32
    %dma_start3A_945 = tpu.memref_slice %arg6[%dma_start3A_942, %dma_start3A_943, %dma_start3A_944] : memref<2x448x128xf32, #tpu.memory_space<vmem>> -> memref<1x448x128xf32, #tpu.memory_space<vmem>>
    %dma_start3A_946 = tpu.memref_squeeze %dma_start3A_945 : memref<1x448x128xf32, #tpu.memory_space<vmem>> -> memref<448x128xf32, #tpu.memory_space<vmem>>
    %dma_start3A_947 = arith.constant 0 : i32
    %dma_start3A_948 = tpu.memref_slice %arg5[%add3A_941, %dma_start3A_947] : memref<262144x128xf32, #tpu.memory_space<hbm>> -> memref<448x128xf32, #tpu.memory_space<hbm>>
    %dma_start3A_949 = arith.constant 0 : i32
    %dma_start3A_950 = tpu.memref_slice %arg5[%add3A_941, %dma_start3A_949] : memref<262144x128xf32, #tpu.memory_space<hbm>> -> memref<448x128xf32, #tpu.memory_space<hbm>>
    %dma_start3A_951 = arith.constant 0 : i32
    %dma_start3A_952 = arith.constant 0 : i32
    %dma_start3A_953 = tpu.memref_slice %arg6[%dma_start3A_942, %dma_start3A_951, %dma_start3A_952] : memref<2x448x128xf32, #tpu.memory_space<vmem>> -> memref<1x448x128xf32, #tpu.memory_space<vmem>>
    %dma_start3A_954 = tpu.memref_squeeze %dma_start3A_953 : memref<1x448x128xf32, #tpu.memory_space<vmem>> -> memref<448x128xf32, #tpu.memory_space<vmem>>
    tpu.enqueue_dma source(%dma_start3A_954 : memref<448x128xf32, #tpu.memory_space<vmem>>) target(%dma_start3A_950 : memref<448x128xf32, #tpu.memory_space<hbm>>) target_semaphore(%arg10 : memref<!tpu.dma_semaphore, #tpu.memory_space<semaphore_mem>>)
    %dma_wait3A_955 = arith.constant 0 : i32
    %dma_wait3A_956 = arith.constant 0 : i32
    %dma_wait3A_957 = arith.constant 0 : i32
    %dma_wait3A_958 = tpu.memref_slice %arg6[%dma_wait3A_955, %dma_wait3A_956, %dma_wait3A_957] : memref<2x448x128xf32, #tpu.memory_space<vmem>> -> memref<1x448x128xf32, #tpu.memory_space<vmem>>
    %dma_wait3A_959 = tpu.memref_squeeze %dma_wait3A_958 : memref<1x448x128xf32, #tpu.memory_space<vmem>> -> memref<448x128xf32, #tpu.memory_space<vmem>>
    %dma_wait3A_960 = arith.constant 0 : i32
    %dma_wait3A_961 = tpu.memref_slice %arg5[%add3A_941, %dma_wait3A_960] : memref<262144x128xf32, #tpu.memory_space<hbm>> -> memref<448x128xf32, #tpu.memory_space<hbm>>
    %dma_wait3A_962 = arith.constant 0 : i32
    %dma_wait3A_963 = tpu.memref_slice %arg5[%add3A_941, %dma_wait3A_962] : memref<262144x128xf32, #tpu.memory_space<hbm>> -> memref<448x128xf32, #tpu.memory_space<hbm>>
    %dma_wait3A_964 = arith.constant 0 : i32
    %dma_wait3A_965 = arith.constant 0 : i32
    %dma_wait3A_966 = tpu.memref_slice %arg6[%dma_wait3A_955, %dma_wait3A_964, %dma_wait3A_965] : memref<2x448x128xf32, #tpu.memory_space<vmem>> -> memref<1x448x128xf32, #tpu.memory_space<vmem>>
    %dma_wait3A_967 = tpu.memref_squeeze %dma_wait3A_966 : memref<1x448x128xf32, #tpu.memory_space<vmem>> -> memref<448x128xf32, #tpu.memory_space<vmem>>
    tpu.wait_dma2 semaphore(%arg10 : memref<!tpu.dma_semaphore, #tpu.memory_space<semaphore_mem>>) src(%dma_wait3A_967 : memref<448x128xf32, #tpu.memory_space<vmem>>) dst(%dma_wait3A_963 : memref<448x128xf32, #tpu.memory_space<hbm>>)
    %add3A_968 = arith.constant 8064 : i32
    %add3A_969 = arith.addi %mul3A_2, %add3A_968 : i32
    %dma_start3A_970 = arith.constant 0 : i32
    %dma_start3A_971 = arith.constant 0 : i32
    %dma_start3A_972 = arith.constant 0 : i32
    %dma_start3A_973 = tpu.memref_slice %arg6[%dma_start3A_970, %dma_start3A_971, %dma_start3A_972] : memref<2x448x128xf32, #tpu.memory_space<vmem>> -> memref<1x128x128xf32, #tpu.memory_space<vmem>>
    %dma_start3A_974 = tpu.memref_squeeze %dma_start3A_973 : memref<1x128x128xf32, #tpu.memory_space<vmem>> -> memref<128x128xf32, #tpu.memory_space<vmem>>
    %dma_start3A_975 = arith.constant 0 : i32
    %dma_start3A_976 = tpu.memref_slice %arg4[%add3A_969, %dma_start3A_975] : memref<262144x128xf32, #tpu.memory_space<hbm>> -> memref<128x128xf32, #tpu.memory_space<hbm>>
    %dma_start3A_977 = arith.constant 0 : i32
    %dma_start3A_978 = arith.constant 0 : i32
    %dma_start3A_979 = tpu.memref_slice %arg6[%dma_start3A_970, %dma_start3A_977, %dma_start3A_978] : memref<2x448x128xf32, #tpu.memory_space<vmem>> -> memref<1x128x128xf32, #tpu.memory_space<vmem>>
    %dma_start3A_980 = tpu.memref_squeeze %dma_start3A_979 : memref<1x128x128xf32, #tpu.memory_space<vmem>> -> memref<128x128xf32, #tpu.memory_space<vmem>>
    %dma_start3A_981 = arith.constant 0 : i32
    %dma_start3A_982 = tpu.memref_slice %arg4[%add3A_969, %dma_start3A_981] : memref<262144x128xf32, #tpu.memory_space<hbm>> -> memref<128x128xf32, #tpu.memory_space<hbm>>
    tpu.enqueue_dma source(%dma_start3A_982 : memref<128x128xf32, #tpu.memory_space<hbm>>) target(%dma_start3A_980 : memref<128x128xf32, #tpu.memory_space<vmem>>) target_semaphore(%arg9 : memref<!tpu.dma_semaphore, #tpu.memory_space<semaphore_mem>>)
    %dma_wait3A_983 = arith.constant 1 : i32
    %dma_wait3A_984 = arith.constant 0 : i32
    %dma_wait3A_985 = arith.constant 0 : i32
    %dma_wait3A_986 = tpu.memref_slice %arg6[%dma_wait3A_983, %dma_wait3A_984, %dma_wait3A_985] : memref<2x448x128xf32, #tpu.memory_space<vmem>> -> memref<1x448x128xf32, #tpu.memory_space<vmem>>
    %dma_wait3A_987 = tpu.memref_squeeze %dma_wait3A_986 : memref<1x448x128xf32, #tpu.memory_space<vmem>> -> memref<448x128xf32, #tpu.memory_space<vmem>>
    %dma_wait3A_988 = arith.constant 0 : i32
    %dma_wait3A_989 = tpu.memref_slice %arg4[%add3A_913, %dma_wait3A_988] : memref<262144x128xf32, #tpu.memory_space<hbm>> -> memref<448x128xf32, #tpu.memory_space<hbm>>
    %dma_wait3A_990 = arith.constant 0 : i32
    %dma_wait3A_991 = arith.constant 0 : i32
    %dma_wait3A_992 = tpu.memref_slice %arg6[%dma_wait3A_983, %dma_wait3A_990, %dma_wait3A_991] : memref<2x448x128xf32, #tpu.memory_space<vmem>> -> memref<1x448x128xf32, #tpu.memory_space<vmem>>
    %dma_wait3A_993 = tpu.memref_squeeze %dma_wait3A_992 : memref<1x448x128xf32, #tpu.memory_space<vmem>> -> memref<448x128xf32, #tpu.memory_space<vmem>>
    %dma_wait3A_994 = arith.constant 0 : i32
    %dma_wait3A_995 = tpu.memref_slice %arg4[%add3A_913, %dma_wait3A_994] : memref<262144x128xf32, #tpu.memory_space<hbm>> -> memref<448x128xf32, #tpu.memory_space<hbm>>
    tpu.wait_dma2 semaphore(%arg9 : memref<!tpu.dma_semaphore, #tpu.memory_space<semaphore_mem>>) src(%dma_wait3A_995 : memref<448x128xf32, #tpu.memory_space<hbm>>) dst(%dma_wait3A_993 : memref<448x128xf32, #tpu.memory_space<vmem>>)
    %add3A_996 = arith.constant 7616 : i32
    %add3A_997 = arith.addi %mul3A_2, %add3A_996 : i32
    %dma_start3A_998 = arith.constant 1 : i32
    %dma_start3A_999 = arith.constant 0 : i32
    %dma_start3A_1000 = arith.constant 0 : i32
    %dma_start3A_1001 = tpu.memref_slice %arg6[%dma_start3A_998, %dma_start3A_999, %dma_start3A_1000] : memref<2x448x128xf32, #tpu.memory_space<vmem>> -> memref<1x448x128xf32, #tpu.memory_space<vmem>>
    %dma_start3A_1002 = tpu.memref_squeeze %dma_start3A_1001 : memref<1x448x128xf32, #tpu.memory_space<vmem>> -> memref<448x128xf32, #tpu.memory_space<vmem>>
    %dma_start3A_1003 = arith.constant 0 : i32
    %dma_start3A_1004 = tpu.memref_slice %arg5[%add3A_997, %dma_start3A_1003] : memref<262144x128xf32, #tpu.memory_space<hbm>> -> memref<448x128xf32, #tpu.memory_space<hbm>>
    %dma_start3A_1005 = arith.constant 0 : i32
    %dma_start3A_1006 = tpu.memref_slice %arg5[%add3A_997, %dma_start3A_1005] : memref<262144x128xf32, #tpu.memory_space<hbm>> -> memref<448x128xf32, #tpu.memory_space<hbm>>
    %dma_start3A_1007 = arith.constant 0 : i32
    %dma_start3A_1008 = arith.constant 0 : i32
    %dma_start3A_1009 = tpu.memref_slice %arg6[%dma_start3A_998, %dma_start3A_1007, %dma_start3A_1008] : memref<2x448x128xf32, #tpu.memory_space<vmem>> -> memref<1x448x128xf32, #tpu.memory_space<vmem>>
    %dma_start3A_1010 = tpu.memref_squeeze %dma_start3A_1009 : memref<1x448x128xf32, #tpu.memory_space<vmem>> -> memref<448x128xf32, #tpu.memory_space<vmem>>
    tpu.enqueue_dma source(%dma_start3A_1010 : memref<448x128xf32, #tpu.memory_space<vmem>>) target(%dma_start3A_1006 : memref<448x128xf32, #tpu.memory_space<hbm>>) target_semaphore(%arg10 : memref<!tpu.dma_semaphore, #tpu.memory_space<semaphore_mem>>)
    %dma_wait3A_1011 = arith.constant 0 : i32
    %dma_wait3A_1012 = arith.constant 0 : i32
    %dma_wait3A_1013 = arith.constant 0 : i32
    %dma_wait3A_1014 = tpu.memref_slice %arg6[%dma_wait3A_1011, %dma_wait3A_1012, %dma_wait3A_1013] : memref<2x448x128xf32, #tpu.memory_space<vmem>> -> memref<1x128x128xf32, #tpu.memory_space<vmem>>
    %dma_wait3A_1015 = tpu.memref_squeeze %dma_wait3A_1014 : memref<1x128x128xf32, #tpu.memory_space<vmem>> -> memref<128x128xf32, #tpu.memory_space<vmem>>
    %dma_wait3A_1016 = arith.constant 0 : i32
    %dma_wait3A_1017 = tpu.memref_slice %arg4[%add3A_969, %dma_wait3A_1016] : memref<262144x128xf32, #tpu.memory_space<hbm>> -> memref<128x128xf32, #tpu.memory_space<hbm>>
    %dma_wait3A_1018 = arith.constant 0 : i32
    %dma_wait3A_1019 = arith.constant 0 : i32
    %dma_wait3A_1020 = tpu.memref_slice %arg6[%dma_wait3A_1011, %dma_wait3A_1018, %dma_wait3A_1019] : memref<2x448x128xf32, #tpu.memory_space<vmem>> -> memref<1x128x128xf32, #tpu.memory_space<vmem>>
    %dma_wait3A_1021 = tpu.memref_squeeze %dma_wait3A_1020 : memref<1x128x128xf32, #tpu.memory_space<vmem>> -> memref<128x128xf32, #tpu.memory_space<vmem>>
    %dma_wait3A_1022 = arith.constant 0 : i32
    %dma_wait3A_1023 = tpu.memref_slice %arg4[%add3A_969, %dma_wait3A_1022] : memref<262144x128xf32, #tpu.memory_space<hbm>> -> memref<128x128xf32, #tpu.memory_space<hbm>>
    tpu.wait_dma2 semaphore(%arg9 : memref<!tpu.dma_semaphore, #tpu.memory_space<semaphore_mem>>) src(%dma_wait3A_1023 : memref<128x128xf32, #tpu.memory_space<hbm>>) dst(%dma_wait3A_1021 : memref<128x128xf32, #tpu.memory_space<vmem>>)
    %add3A_1024 = arith.constant 8064 : i32
    %add3A_1025 = arith.addi %mul3A_2, %add3A_1024 : i32
    %dma_start3A_1026 = arith.constant 0 : i32
    %dma_start3A_1027 = arith.constant 0 : i32
    %dma_start3A_1028 = arith.constant 0 : i32
    %dma_start3A_1029 = tpu.memref_slice %arg6[%dma_start3A_1026, %dma_start3A_1027, %dma_start3A_1028] : memref<2x448x128xf32, #tpu.memory_space<vmem>> -> memref<1x128x128xf32, #tpu.memory_space<vmem>>
    %dma_start3A_1030 = tpu.memref_squeeze %dma_start3A_1029 : memref<1x128x128xf32, #tpu.memory_space<vmem>> -> memref<128x128xf32, #tpu.memory_space<vmem>>
    %dma_start3A_1031 = arith.constant 0 : i32
    %dma_start3A_1032 = tpu.memref_slice %arg5[%add3A_1025, %dma_start3A_1031] : memref<262144x128xf32, #tpu.memory_space<hbm>> -> memref<128x128xf32, #tpu.memory_space<hbm>>
    %dma_start3A_1033 = arith.constant 0 : i32
    %dma_start3A_1034 = tpu.memref_slice %arg5[%add3A_1025, %dma_start3A_1033] : memref<262144x128xf32, #tpu.memory_space<hbm>> -> memref<128x128xf32, #tpu.memory_space<hbm>>
    %dma_start3A_1035 = arith.constant 0 : i32
    %dma_start3A_1036 = arith.constant 0 : i32
    %dma_start3A_1037 = tpu.memref_slice %arg6[%dma_start3A_1026, %dma_start3A_1035, %dma_start3A_1036] : memref<2x448x128xf32, #tpu.memory_space<vmem>> -> memref<1x128x128xf32, #tpu.memory_space<vmem>>
    %dma_start3A_1038 = tpu.memref_squeeze %dma_start3A_1037 : memref<1x128x128xf32, #tpu.memory_space<vmem>> -> memref<128x128xf32, #tpu.memory_space<vmem>>
    tpu.enqueue_dma source(%dma_start3A_1038 : memref<128x128xf32, #tpu.memory_space<vmem>>) target(%dma_start3A_1034 : memref<128x128xf32, #tpu.memory_space<hbm>>) target_semaphore(%arg10 : memref<!tpu.dma_semaphore, #tpu.memory_space<semaphore_mem>>)
    %dma_wait3A_1039 = arith.constant 1 : i32
    %dma_wait3A_1040 = arith.constant 0 : i32
    %dma_wait3A_1041 = arith.constant 0 : i32
    %dma_wait3A_1042 = tpu.memref_slice %arg6[%dma_wait3A_1039, %dma_wait3A_1040, %dma_wait3A_1041] : memref<2x448x128xf32, #tpu.memory_space<vmem>> -> memref<1x448x128xf32, #tpu.memory_space<vmem>>
    %dma_wait3A_1043 = tpu.memref_squeeze %dma_wait3A_1042 : memref<1x448x128xf32, #tpu.memory_space<vmem>> -> memref<448x128xf32, #tpu.memory_space<vmem>>
    %dma_wait3A_1044 = arith.constant 0 : i32
    %dma_wait3A_1045 = tpu.memref_slice %arg5[%add3A_997, %dma_wait3A_1044] : memref<262144x128xf32, #tpu.memory_space<hbm>> -> memref<448x128xf32, #tpu.memory_space<hbm>>
    %dma_wait3A_1046 = arith.constant 0 : i32
    %dma_wait3A_1047 = tpu.memref_slice %arg5[%add3A_997, %dma_wait3A_1046] : memref<262144x128xf32, #tpu.memory_space<hbm>> -> memref<448x128xf32, #tpu.memory_space<hbm>>
    %dma_wait3A_1048 = arith.constant 0 : i32
    %dma_wait3A_1049 = arith.constant 0 : i32
    %dma_wait3A_1050 = tpu.memref_slice %arg6[%dma_wait3A_1039, %dma_wait3A_1048, %dma_wait3A_1049] : memref<2x448x128xf32, #tpu.memory_space<vmem>> -> memref<1x448x128xf32, #tpu.memory_space<vmem>>
    %dma_wait3A_1051 = tpu.memref_squeeze %dma_wait3A_1050 : memref<1x448x128xf32, #tpu.memory_space<vmem>> -> memref<448x128xf32, #tpu.memory_space<vmem>>
    tpu.wait_dma2 semaphore(%arg10 : memref<!tpu.dma_semaphore, #tpu.memory_space<semaphore_mem>>) src(%dma_wait3A_1051 : memref<448x128xf32, #tpu.memory_space<vmem>>) dst(%dma_wait3A_1047 : memref<448x128xf32, #tpu.memory_space<hbm>>)
    %dma_wait3A_1052 = arith.constant 0 : i32
    %dma_wait3A_1053 = arith.constant 0 : i32
    %dma_wait3A_1054 = arith.constant 0 : i32
    %dma_wait3A_1055 = tpu.memref_slice %arg6[%dma_wait3A_1052, %dma_wait3A_1053, %dma_wait3A_1054] : memref<2x448x128xf32, #tpu.memory_space<vmem>> -> memref<1x128x128xf32, #tpu.memory_space<vmem>>
    %dma_wait3A_1056 = tpu.memref_squeeze %dma_wait3A_1055 : memref<1x128x128xf32, #tpu.memory_space<vmem>> -> memref<128x128xf32, #tpu.memory_space<vmem>>
    %dma_wait3A_1057 = arith.constant 0 : i32
    %dma_wait3A_1058 = tpu.memref_slice %arg5[%add3A_1025, %dma_wait3A_1057] : memref<262144x128xf32, #tpu.memory_space<hbm>> -> memref<128x128xf32, #tpu.memory_space<hbm>>
    %dma_wait3A_1059 = arith.constant 0 : i32
    %dma_wait3A_1060 = tpu.memref_slice %arg5[%add3A_1025, %dma_wait3A_1059] : memref<262144x128xf32, #tpu.memory_space<hbm>> -> memref<128x128xf32, #tpu.memory_space<hbm>>
    %dma_wait3A_1061 = arith.constant 0 : i32
    %dma_wait3A_1062 = arith.constant 0 : i32
    %dma_wait3A_1063 = tpu.memref_slice %arg6[%dma_wait3A_1052, %dma_wait3A_1061, %dma_wait3A_1062] : memref<2x448x128xf32, #tpu.memory_space<vmem>> -> memref<1x128x128xf32, #tpu.memory_space<vmem>>
    %dma_wait3A_1064 = tpu.memref_squeeze %dma_wait3A_1063 : memref<1x128x128xf32, #tpu.memory_space<vmem>> -> memref<128x128xf32, #tpu.memory_space<vmem>>
    tpu.wait_dma2 semaphore(%arg10 : memref<!tpu.dma_semaphore, #tpu.memory_space<semaphore_mem>>) src(%dma_wait3A_1064 : memref<128x128xf32, #tpu.memory_space<vmem>>) dst(%dma_wait3A_1060 : memref<128x128xf32, #tpu.memory_space<hbm>>)
    "tpu.region"() ({
      %run_scoped3A = tpu.sem_alloc : memref<!tpu.dma_semaphore, #tpu.memory_space<semaphore_mem>>
      tpu.enqueue_dma source(%arg2 : memref<16xi32, #tpu.memory_space<hbm>>) target(%arg8 : memref<16xi32, #tpu.memory_space<vmem>>) target_semaphore(%run_scoped3A : memref<!tpu.dma_semaphore, #tpu.memory_space<semaphore_mem>>)
      tpu.wait_dma2 semaphore(%run_scoped3A : memref<!tpu.dma_semaphore, #tpu.memory_space<semaphore_mem>>) src(%arg2 : memref<16xi32, #tpu.memory_space<hbm>>) dst(%arg8 : memref<16xi32, #tpu.memory_space<vmem>>)
      tpu.yield
    }) : () -> ()
    %get3A = arith.constant 0 : index
    %get3A_1065 = tpu.vector_load %arg8[%get3A] {strides = array<i32>} : memref<16xi32, #tpu.memory_space<vmem>>, vector<16xi32>,
    %get3A_1066 = vector.shape_cast %get3A_1065 : vector<16xi32> to vector<16xi32>
    %add3A_1067 = vector.broadcast %mul3A_2 : i32 to vector<16xi32>
    %add3A_1068 = arith.addi %get3A_1066, %add3A_1067 : vector<16xi32>
    %swap3A = arith.constant 0 : index
    %swap3A_1069 = tpu.vector_load %arg8[%swap3A] {strides = array<i32>} : memref<16xi32, #tpu.memory_space<vmem>>, vector<16xi32>,
    %swap3A_1070 = vector.shape_cast %swap3A_1069 : vector<16xi32> to vector<16xi32>
    %swap3A_1071 = vector.shape_cast %add3A_1068 : vector<16xi32> to vector<16xi32>
    tpu.vector_store %arg8[%swap3A], %swap3A_1071 {strides = array<i32>} : memref<16xi32, #tpu.memory_space<vmem>>, vector<16xi32>,
    %mul3A_1072 = arith.constant 16 : i32
    %mul3A_1073 = arith.muli %add3A, %mul3A_1072 : i32
    "tpu.region"() ({
      %run_scoped3A = tpu.sem_alloc : memref<!tpu.dma_semaphore, #tpu.memory_space<semaphore_mem>>
      %dma_start3A_1080 = arith.constant 0 : i32
      %dma_start3A_1081 = tpu.memref_slice %arg3[%mul3A_1073, %dma_start3A_1080] : memref<512x128xf32, #tpu.memory_space<hbm>> -> memref<16x128xf32, #tpu.memory_space<hbm>>
      %dma_start3A_1082 = arith.constant 0 : i32
      %dma_start3A_1083 = tpu.memref_slice %arg3[%mul3A_1073, %dma_start3A_1082] : memref<512x128xf32, #tpu.memory_space<hbm>> -> memref<16x128xf32, #tpu.memory_space<hbm>>
      tpu.enqueue_dma source(%dma_start3A_1083 : memref<16x128xf32, #tpu.memory_space<hbm>>) target(%arg7 : memref<16x128xf32, #tpu.memory_space<vmem>>) target_semaphore(%run_scoped3A : memref<!tpu.dma_semaphore, #tpu.memory_space<semaphore_mem>>)
      %dma_wait3A_1084 = arith.constant 0 : i32
      %dma_wait3A_1085 = tpu.memref_slice %arg3[%mul3A_1073, %dma_wait3A_1084] : memref<512x128xf32, #tpu.memory_space<hbm>> -> memref<16x128xf32, #tpu.memory_space<hbm>>
      %dma_wait3A_1086 = arith.constant 0 : i32
      %dma_wait3A_1087 = tpu.memref_slice %arg3[%mul3A_1073, %dma_wait3A_1086] : memref<512x128xf32, #tpu.memory_space<hbm>> -> memref<16x128xf32, #tpu.memory_space<hbm>>
      tpu.wait_dma2 semaphore(%run_scoped3A : memref<!tpu.dma_semaphore, #tpu.memory_space<semaphore_mem>>) src(%dma_wait3A_1087 : memref<16x128xf32, #tpu.memory_space<hbm>>) dst(%arg7 : memref<16x128xf32, #tpu.memory_space<vmem>>)
      tpu.yield
    }) : () -> ()
    %dma_start3A_1074 = arith.constant 0 : i32
    %dma_start3A_1075 = arith.constant 0 : i32
    %dma_start3A_1076 = tpu.memref_slice %arg5[%dma_start3A_1074, %dma_start3A_1075] : memref<262144x128xf32, #tpu.memory_space<hbm>> -> memref<262144x128xf32, #tpu.memory_space<hbm>>
    tpu.enqueue_indirect_dma source(%arg7 : memref<16x128xf32, #tpu.memory_space<vmem>>) target(%dma_start3A_1076 : memref<262144x128xf32, #tpu.memory_space<hbm>>) offsets(%arg8 : memref<16xi32, #tpu.memory_space<vmem>>) semaphore(%arg9 : memref<!tpu.dma_semaphore, #tpu.memory_space<semaphore_mem>>)
    %dma_wait3A_1077 = arith.constant 0 : i32
    %dma_wait3A_1078 = arith.constant 0 : i32
    %dma_wait3A_1079 = tpu.memref_slice %arg5[%dma_wait3A_1077, %dma_wait3A_1078] : memref<262144x128xf32, #tpu.memory_space<hbm>> -> memref<262144x128xf32, #tpu.memory_space<hbm>>
    tpu.wait_indirect_dma semaphore(%arg9 : memref<!tpu.dma_semaphore, #tpu.memory_space<semaphore_mem>>) src(%arg7 : memref<16x128xf32, #tpu.memory_space<vmem>>) dst(%dma_wait3A_1079 : memref<262144x128xf32, #tpu.memory_space<hbm>>)
    return
  }
}

module attributes {stable_mosaic.version = 14 : i64} {
  func.func @_tc_body(%arg0: i32, %arg1: memref<16xi32, #tpu.memory_space<smem>>, %arg2: memref<1x1x16x128xf32, #tpu.memory_space<vmem>>, %arg3: memref<1x1x8192x128xf32, #tpu.memory_space<vmem>>, %arg4: memref<1x1x8192x128xf32, #tpu.memory_space<vmem>>) attributes {dimension_semantics = [#tpu.dimension_semantics<arbitrary>], iteration_bounds = array<i64: 32>, scalar_prefetch = 0 : i64, scratch_operands = 0 : i64, tpu.core_type = #tpu.core_type<tc>, window_params = [{transform_indices = @transform_0, window_bounds = array<i64: 16>}, {transform_indices = @transform_1, window_bounds = array<i64: 1, 1, 16, 128>}, {transform_indices = @transform_2, window_bounds = array<i64: 1, 1, 8192, 128>}, {transform_indices = @transform_3, window_bounds = array<i64: 1, 1, 8192, 128>}]} {
    %get3A = arith.constant 0 : index
    %get3A_0 = arith.constant 0 : index
    %get3A_1 = arith.constant 0 : index
    %get3A_2 = arith.constant 0 : index
    %get3A_3 = vector.load %arg3[%get3A, %get3A_0, %get3A_1, %get3A_2] : memref<1x1x8192x128xf32, #tpu.memory_space<vmem>>, vector<1x1x8192x128xf32>
    %swap3A = arith.constant 0 : index
    %swap3A_4 = arith.constant 0 : index
    %swap3A_5 = arith.constant 0 : index
    %swap3A_6 = arith.constant 0 : index
    %swap3A_7 = vector.load %arg4[%swap3A, %swap3A_4, %swap3A_5, %swap3A_6] : memref<1x1x8192x128xf32, #tpu.memory_space<vmem>>, vector<1x1x8192x128xf32>
    tpu.vector_store %arg4[%swap3A, %swap3A_4, %swap3A_5, %swap3A_6], %get3A_3 {strides = array<i32>} : memref<1x1x8192x128xf32, #tpu.memory_space<vmem>>, vector<1x1x8192x128xf32>,
    %get3A_8 = arith.constant 0 : index
    %get3A_9 = memref.load %arg1[%get3A_8] : memref<16xi32, #tpu.memory_space<smem>>
    %ge3A = arith.constant 0 : i32
    %ge3A_10 = arith.cmpi sge, %get3A_9, %ge3A : i32
    %lt3A = arith.constant 8192 : i32
    %lt3A_11 = arith.cmpi slt, %get3A_9, %lt3A : i32
    %and3A = arith.andi %ge3A_10, %lt3A_11 : i1
    %convert_element_type3A = arith.extui %and3A : i1 to i32
    %cond3A = arith.constant 0 : i32
    %cond3A_12 = arith.cmpi ne, %convert_element_type3A, %cond3A : i32
    scf.if %cond3A_12 {
      %get3A_163 = arith.constant 0 : index
      %get3A_164 = arith.constant 0 : index
      %get3A_165 = arith.constant 0 : index
      %get3A_166 = arith.constant 0 : index
      %get3A_167 = vector.load %arg2[%get3A_163, %get3A_164, %get3A_165, %get3A_166] : memref<1x1x16x128xf32, #tpu.memory_space<vmem>>, vector<1x1x1x128xf32>
      %get3A_168 = vector.shape_cast %get3A_167 : vector<1x1x1x128xf32> to vector<1x128xf32>
      %swap3A_169 = arith.constant 0 : index
      %swap3A_170 = arith.constant 0 : index
      %swap3A_171 = arith.index_cast %get3A_9 : i32 to index
      %swap3A_172 = arith.constant 0 : index
      %swap3A_173 = vector.load %arg4[%swap3A_169, %swap3A_170, %swap3A_171, %swap3A_172] : memref<1x1x8192x128xf32, #tpu.memory_space<vmem>>, vector<1x1x1x128xf32>
      %swap3A_174 = vector.shape_cast %swap3A_173 : vector<1x1x1x128xf32> to vector<1x128xf32>
      %swap3A_175 = vector.shape_cast %get3A_168 : vector<1x128xf32> to vector<1x1x1x128xf32>
      tpu.vector_store %arg4[%swap3A_169, %swap3A_170, %swap3A_171, %swap3A_172], %swap3A_175 {strides = array<i32>} : memref<1x1x8192x128xf32, #tpu.memory_space<vmem>>, vector<1x1x1x128xf32>,
    } else {
    }
    %get3A_13 = arith.constant 1 : index
    %get3A_14 = memref.load %arg1[%get3A_13] : memref<16xi32, #tpu.memory_space<smem>>
    %ge3A_15 = arith.constant 0 : i32
    %ge3A_16 = arith.cmpi sge, %get3A_14, %ge3A_15 : i32
    %lt3A_17 = arith.constant 8192 : i32
    %lt3A_18 = arith.cmpi slt, %get3A_14, %lt3A_17 : i32
    %and3A_19 = arith.andi %ge3A_16, %lt3A_18 : i1
    %convert_element_type3A_20 = arith.extui %and3A_19 : i1 to i32
    %cond3A_21 = arith.constant 0 : i32
    %cond3A_22 = arith.cmpi ne, %convert_element_type3A_20, %cond3A_21 : i32
    scf.if %cond3A_22 {
      %get3A_163 = arith.constant 0 : index
      %get3A_164 = arith.constant 0 : index
      %get3A_165 = arith.constant 1 : index
      %get3A_166 = arith.constant 0 : index
      %get3A_167 = vector.load %arg2[%get3A_163, %get3A_164, %get3A_165, %get3A_166] : memref<1x1x16x128xf32, #tpu.memory_space<vmem>>, vector<1x1x1x128xf32>
      %get3A_168 = vector.shape_cast %get3A_167 : vector<1x1x1x128xf32> to vector<1x128xf32>
      %swap3A_169 = arith.constant 0 : index
      %swap3A_170 = arith.constant 0 : index
      %swap3A_171 = arith.index_cast %get3A_14 : i32 to index
      %swap3A_172 = arith.constant 0 : index
      %swap3A_173 = vector.load %arg4[%swap3A_169, %swap3A_170, %swap3A_171, %swap3A_172] : memref<1x1x8192x128xf32, #tpu.memory_space<vmem>>, vector<1x1x1x128xf32>
      %swap3A_174 = vector.shape_cast %swap3A_173 : vector<1x1x1x128xf32> to vector<1x128xf32>
      %swap3A_175 = vector.shape_cast %get3A_168 : vector<1x128xf32> to vector<1x1x1x128xf32>
      tpu.vector_store %arg4[%swap3A_169, %swap3A_170, %swap3A_171, %swap3A_172], %swap3A_175 {strides = array<i32>} : memref<1x1x8192x128xf32, #tpu.memory_space<vmem>>, vector<1x1x1x128xf32>,
    } else {
    }
    %get3A_23 = arith.constant 2 : index
    %get3A_24 = memref.load %arg1[%get3A_23] : memref<16xi32, #tpu.memory_space<smem>>
    %ge3A_25 = arith.constant 0 : i32
    %ge3A_26 = arith.cmpi sge, %get3A_24, %ge3A_25 : i32
    %lt3A_27 = arith.constant 8192 : i32
    %lt3A_28 = arith.cmpi slt, %get3A_24, %lt3A_27 : i32
    %and3A_29 = arith.andi %ge3A_26, %lt3A_28 : i1
    %convert_element_type3A_30 = arith.extui %and3A_29 : i1 to i32
    %cond3A_31 = arith.constant 0 : i32
    %cond3A_32 = arith.cmpi ne, %convert_element_type3A_30, %cond3A_31 : i32
    scf.if %cond3A_32 {
      %get3A_163 = arith.constant 0 : index
      %get3A_164 = arith.constant 0 : index
      %get3A_165 = arith.constant 2 : index
      %get3A_166 = arith.constant 0 : index
      %get3A_167 = vector.load %arg2[%get3A_163, %get3A_164, %get3A_165, %get3A_166] : memref<1x1x16x128xf32, #tpu.memory_space<vmem>>, vector<1x1x1x128xf32>
      %get3A_168 = vector.shape_cast %get3A_167 : vector<1x1x1x128xf32> to vector<1x128xf32>
      %swap3A_169 = arith.constant 0 : index
      %swap3A_170 = arith.constant 0 : index
      %swap3A_171 = arith.index_cast %get3A_24 : i32 to index
      %swap3A_172 = arith.constant 0 : index
      %swap3A_173 = vector.load %arg4[%swap3A_169, %swap3A_170, %swap3A_171, %swap3A_172] : memref<1x1x8192x128xf32, #tpu.memory_space<vmem>>, vector<1x1x1x128xf32>
      %swap3A_174 = vector.shape_cast %swap3A_173 : vector<1x1x1x128xf32> to vector<1x128xf32>
      %swap3A_175 = vector.shape_cast %get3A_168 : vector<1x128xf32> to vector<1x1x1x128xf32>
      tpu.vector_store %arg4[%swap3A_169, %swap3A_170, %swap3A_171, %swap3A_172], %swap3A_175 {strides = array<i32>} : memref<1x1x8192x128xf32, #tpu.memory_space<vmem>>, vector<1x1x1x128xf32>,
    } else {
    }
    %get3A_33 = arith.constant 3 : index
    %get3A_34 = memref.load %arg1[%get3A_33] : memref<16xi32, #tpu.memory_space<smem>>
    %ge3A_35 = arith.constant 0 : i32
    %ge3A_36 = arith.cmpi sge, %get3A_34, %ge3A_35 : i32
    %lt3A_37 = arith.constant 8192 : i32
    %lt3A_38 = arith.cmpi slt, %get3A_34, %lt3A_37 : i32
    %and3A_39 = arith.andi %ge3A_36, %lt3A_38 : i1
    %convert_element_type3A_40 = arith.extui %and3A_39 : i1 to i32
    %cond3A_41 = arith.constant 0 : i32
    %cond3A_42 = arith.cmpi ne, %convert_element_type3A_40, %cond3A_41 : i32
    scf.if %cond3A_42 {
      %get3A_163 = arith.constant 0 : index
      %get3A_164 = arith.constant 0 : index
      %get3A_165 = arith.constant 3 : index
      %get3A_166 = arith.constant 0 : index
      %get3A_167 = vector.load %arg2[%get3A_163, %get3A_164, %get3A_165, %get3A_166] : memref<1x1x16x128xf32, #tpu.memory_space<vmem>>, vector<1x1x1x128xf32>
      %get3A_168 = vector.shape_cast %get3A_167 : vector<1x1x1x128xf32> to vector<1x128xf32>
      %swap3A_169 = arith.constant 0 : index
      %swap3A_170 = arith.constant 0 : index
      %swap3A_171 = arith.index_cast %get3A_34 : i32 to index
      %swap3A_172 = arith.constant 0 : index
      %swap3A_173 = vector.load %arg4[%swap3A_169, %swap3A_170, %swap3A_171, %swap3A_172] : memref<1x1x8192x128xf32, #tpu.memory_space<vmem>>, vector<1x1x1x128xf32>
      %swap3A_174 = vector.shape_cast %swap3A_173 : vector<1x1x1x128xf32> to vector<1x128xf32>
      %swap3A_175 = vector.shape_cast %get3A_168 : vector<1x128xf32> to vector<1x1x1x128xf32>
      tpu.vector_store %arg4[%swap3A_169, %swap3A_170, %swap3A_171, %swap3A_172], %swap3A_175 {strides = array<i32>} : memref<1x1x8192x128xf32, #tpu.memory_space<vmem>>, vector<1x1x1x128xf32>,
    } else {
    }
    %get3A_43 = arith.constant 4 : index
    %get3A_44 = memref.load %arg1[%get3A_43] : memref<16xi32, #tpu.memory_space<smem>>
    %ge3A_45 = arith.constant 0 : i32
    %ge3A_46 = arith.cmpi sge, %get3A_44, %ge3A_45 : i32
    %lt3A_47 = arith.constant 8192 : i32
    %lt3A_48 = arith.cmpi slt, %get3A_44, %lt3A_47 : i32
    %and3A_49 = arith.andi %ge3A_46, %lt3A_48 : i1
    %convert_element_type3A_50 = arith.extui %and3A_49 : i1 to i32
    %cond3A_51 = arith.constant 0 : i32
    %cond3A_52 = arith.cmpi ne, %convert_element_type3A_50, %cond3A_51 : i32
    scf.if %cond3A_52 {
      %get3A_163 = arith.constant 0 : index
      %get3A_164 = arith.constant 0 : index
      %get3A_165 = arith.constant 4 : index
      %get3A_166 = arith.constant 0 : index
      %get3A_167 = vector.load %arg2[%get3A_163, %get3A_164, %get3A_165, %get3A_166] : memref<1x1x16x128xf32, #tpu.memory_space<vmem>>, vector<1x1x1x128xf32>
      %get3A_168 = vector.shape_cast %get3A_167 : vector<1x1x1x128xf32> to vector<1x128xf32>
      %swap3A_169 = arith.constant 0 : index
      %swap3A_170 = arith.constant 0 : index
      %swap3A_171 = arith.index_cast %get3A_44 : i32 to index
      %swap3A_172 = arith.constant 0 : index
      %swap3A_173 = vector.load %arg4[%swap3A_169, %swap3A_170, %swap3A_171, %swap3A_172] : memref<1x1x8192x128xf32, #tpu.memory_space<vmem>>, vector<1x1x1x128xf32>
      %swap3A_174 = vector.shape_cast %swap3A_173 : vector<1x1x1x128xf32> to vector<1x128xf32>
      %swap3A_175 = vector.shape_cast %get3A_168 : vector<1x128xf32> to vector<1x1x1x128xf32>
      tpu.vector_store %arg4[%swap3A_169, %swap3A_170, %swap3A_171, %swap3A_172], %swap3A_175 {strides = array<i32>} : memref<1x1x8192x128xf32, #tpu.memory_space<vmem>>, vector<1x1x1x128xf32>,
    } else {
    }
    %get3A_53 = arith.constant 5 : index
    %get3A_54 = memref.load %arg1[%get3A_53] : memref<16xi32, #tpu.memory_space<smem>>
    %ge3A_55 = arith.constant 0 : i32
    %ge3A_56 = arith.cmpi sge, %get3A_54, %ge3A_55 : i32
    %lt3A_57 = arith.constant 8192 : i32
    %lt3A_58 = arith.cmpi slt, %get3A_54, %lt3A_57 : i32
    %and3A_59 = arith.andi %ge3A_56, %lt3A_58 : i1
    %convert_element_type3A_60 = arith.extui %and3A_59 : i1 to i32
    %cond3A_61 = arith.constant 0 : i32
    %cond3A_62 = arith.cmpi ne, %convert_element_type3A_60, %cond3A_61 : i32
    scf.if %cond3A_62 {
      %get3A_163 = arith.constant 0 : index
      %get3A_164 = arith.constant 0 : index
      %get3A_165 = arith.constant 5 : index
      %get3A_166 = arith.constant 0 : index
      %get3A_167 = vector.load %arg2[%get3A_163, %get3A_164, %get3A_165, %get3A_166] : memref<1x1x16x128xf32, #tpu.memory_space<vmem>>, vector<1x1x1x128xf32>
      %get3A_168 = vector.shape_cast %get3A_167 : vector<1x1x1x128xf32> to vector<1x128xf32>
      %swap3A_169 = arith.constant 0 : index
      %swap3A_170 = arith.constant 0 : index
      %swap3A_171 = arith.index_cast %get3A_54 : i32 to index
      %swap3A_172 = arith.constant 0 : index
      %swap3A_173 = vector.load %arg4[%swap3A_169, %swap3A_170, %swap3A_171, %swap3A_172] : memref<1x1x8192x128xf32, #tpu.memory_space<vmem>>, vector<1x1x1x128xf32>
      %swap3A_174 = vector.shape_cast %swap3A_173 : vector<1x1x1x128xf32> to vector<1x128xf32>
      %swap3A_175 = vector.shape_cast %get3A_168 : vector<1x128xf32> to vector<1x1x1x128xf32>
      tpu.vector_store %arg4[%swap3A_169, %swap3A_170, %swap3A_171, %swap3A_172], %swap3A_175 {strides = array<i32>} : memref<1x1x8192x128xf32, #tpu.memory_space<vmem>>, vector<1x1x1x128xf32>,
    } else {
    }
    %get3A_63 = arith.constant 6 : index
    %get3A_64 = memref.load %arg1[%get3A_63] : memref<16xi32, #tpu.memory_space<smem>>
    %ge3A_65 = arith.constant 0 : i32
    %ge3A_66 = arith.cmpi sge, %get3A_64, %ge3A_65 : i32
    %lt3A_67 = arith.constant 8192 : i32
    %lt3A_68 = arith.cmpi slt, %get3A_64, %lt3A_67 : i32
    %and3A_69 = arith.andi %ge3A_66, %lt3A_68 : i1
    %convert_element_type3A_70 = arith.extui %and3A_69 : i1 to i32
    %cond3A_71 = arith.constant 0 : i32
    %cond3A_72 = arith.cmpi ne, %convert_element_type3A_70, %cond3A_71 : i32
    scf.if %cond3A_72 {
      %get3A_163 = arith.constant 0 : index
      %get3A_164 = arith.constant 0 : index
      %get3A_165 = arith.constant 6 : index
      %get3A_166 = arith.constant 0 : index
      %get3A_167 = vector.load %arg2[%get3A_163, %get3A_164, %get3A_165, %get3A_166] : memref<1x1x16x128xf32, #tpu.memory_space<vmem>>, vector<1x1x1x128xf32>
      %get3A_168 = vector.shape_cast %get3A_167 : vector<1x1x1x128xf32> to vector<1x128xf32>
      %swap3A_169 = arith.constant 0 : index
      %swap3A_170 = arith.constant 0 : index
      %swap3A_171 = arith.index_cast %get3A_64 : i32 to index
      %swap3A_172 = arith.constant 0 : index
      %swap3A_173 = vector.load %arg4[%swap3A_169, %swap3A_170, %swap3A_171, %swap3A_172] : memref<1x1x8192x128xf32, #tpu.memory_space<vmem>>, vector<1x1x1x128xf32>
      %swap3A_174 = vector.shape_cast %swap3A_173 : vector<1x1x1x128xf32> to vector<1x128xf32>
      %swap3A_175 = vector.shape_cast %get3A_168 : vector<1x128xf32> to vector<1x1x1x128xf32>
      tpu.vector_store %arg4[%swap3A_169, %swap3A_170, %swap3A_171, %swap3A_172], %swap3A_175 {strides = array<i32>} : memref<1x1x8192x128xf32, #tpu.memory_space<vmem>>, vector<1x1x1x128xf32>,
    } else {
    }
    %get3A_73 = arith.constant 7 : index
    %get3A_74 = memref.load %arg1[%get3A_73] : memref<16xi32, #tpu.memory_space<smem>>
    %ge3A_75 = arith.constant 0 : i32
    %ge3A_76 = arith.cmpi sge, %get3A_74, %ge3A_75 : i32
    %lt3A_77 = arith.constant 8192 : i32
    %lt3A_78 = arith.cmpi slt, %get3A_74, %lt3A_77 : i32
    %and3A_79 = arith.andi %ge3A_76, %lt3A_78 : i1
    %convert_element_type3A_80 = arith.extui %and3A_79 : i1 to i32
    %cond3A_81 = arith.constant 0 : i32
    %cond3A_82 = arith.cmpi ne, %convert_element_type3A_80, %cond3A_81 : i32
    scf.if %cond3A_82 {
      %get3A_163 = arith.constant 0 : index
      %get3A_164 = arith.constant 0 : index
      %get3A_165 = arith.constant 7 : index
      %get3A_166 = arith.constant 0 : index
      %get3A_167 = vector.load %arg2[%get3A_163, %get3A_164, %get3A_165, %get3A_166] : memref<1x1x16x128xf32, #tpu.memory_space<vmem>>, vector<1x1x1x128xf32>
      %get3A_168 = vector.shape_cast %get3A_167 : vector<1x1x1x128xf32> to vector<1x128xf32>
      %swap3A_169 = arith.constant 0 : index
      %swap3A_170 = arith.constant 0 : index
      %swap3A_171 = arith.index_cast %get3A_74 : i32 to index
      %swap3A_172 = arith.constant 0 : index
      %swap3A_173 = vector.load %arg4[%swap3A_169, %swap3A_170, %swap3A_171, %swap3A_172] : memref<1x1x8192x128xf32, #tpu.memory_space<vmem>>, vector<1x1x1x128xf32>
      %swap3A_174 = vector.shape_cast %swap3A_173 : vector<1x1x1x128xf32> to vector<1x128xf32>
      %swap3A_175 = vector.shape_cast %get3A_168 : vector<1x128xf32> to vector<1x1x1x128xf32>
      tpu.vector_store %arg4[%swap3A_169, %swap3A_170, %swap3A_171, %swap3A_172], %swap3A_175 {strides = array<i32>} : memref<1x1x8192x128xf32, #tpu.memory_space<vmem>>, vector<1x1x1x128xf32>,
    } else {
    }
    %get3A_83 = arith.constant 8 : index
    %get3A_84 = memref.load %arg1[%get3A_83] : memref<16xi32, #tpu.memory_space<smem>>
    %ge3A_85 = arith.constant 0 : i32
    %ge3A_86 = arith.cmpi sge, %get3A_84, %ge3A_85 : i32
    %lt3A_87 = arith.constant 8192 : i32
    %lt3A_88 = arith.cmpi slt, %get3A_84, %lt3A_87 : i32
    %and3A_89 = arith.andi %ge3A_86, %lt3A_88 : i1
    %convert_element_type3A_90 = arith.extui %and3A_89 : i1 to i32
    %cond3A_91 = arith.constant 0 : i32
    %cond3A_92 = arith.cmpi ne, %convert_element_type3A_90, %cond3A_91 : i32
    scf.if %cond3A_92 {
      %get3A_163 = arith.constant 0 : index
      %get3A_164 = arith.constant 0 : index
      %get3A_165 = arith.constant 8 : index
      %get3A_166 = arith.constant 0 : index
      %get3A_167 = vector.load %arg2[%get3A_163, %get3A_164, %get3A_165, %get3A_166] : memref<1x1x16x128xf32, #tpu.memory_space<vmem>>, vector<1x1x1x128xf32>
      %get3A_168 = vector.shape_cast %get3A_167 : vector<1x1x1x128xf32> to vector<1x128xf32>
      %swap3A_169 = arith.constant 0 : index
      %swap3A_170 = arith.constant 0 : index
      %swap3A_171 = arith.index_cast %get3A_84 : i32 to index
      %swap3A_172 = arith.constant 0 : index
      %swap3A_173 = vector.load %arg4[%swap3A_169, %swap3A_170, %swap3A_171, %swap3A_172] : memref<1x1x8192x128xf32, #tpu.memory_space<vmem>>, vector<1x1x1x128xf32>
      %swap3A_174 = vector.shape_cast %swap3A_173 : vector<1x1x1x128xf32> to vector<1x128xf32>
      %swap3A_175 = vector.shape_cast %get3A_168 : vector<1x128xf32> to vector<1x1x1x128xf32>
      tpu.vector_store %arg4[%swap3A_169, %swap3A_170, %swap3A_171, %swap3A_172], %swap3A_175 {strides = array<i32>} : memref<1x1x8192x128xf32, #tpu.memory_space<vmem>>, vector<1x1x1x128xf32>,
    } else {
    }
    %get3A_93 = arith.constant 9 : index
    %get3A_94 = memref.load %arg1[%get3A_93] : memref<16xi32, #tpu.memory_space<smem>>
    %ge3A_95 = arith.constant 0 : i32
    %ge3A_96 = arith.cmpi sge, %get3A_94, %ge3A_95 : i32
    %lt3A_97 = arith.constant 8192 : i32
    %lt3A_98 = arith.cmpi slt, %get3A_94, %lt3A_97 : i32
    %and3A_99 = arith.andi %ge3A_96, %lt3A_98 : i1
    %convert_element_type3A_100 = arith.extui %and3A_99 : i1 to i32
    %cond3A_101 = arith.constant 0 : i32
    %cond3A_102 = arith.cmpi ne, %convert_element_type3A_100, %cond3A_101 : i32
    scf.if %cond3A_102 {
      %get3A_163 = arith.constant 0 : index
      %get3A_164 = arith.constant 0 : index
      %get3A_165 = arith.constant 9 : index
      %get3A_166 = arith.constant 0 : index
      %get3A_167 = vector.load %arg2[%get3A_163, %get3A_164, %get3A_165, %get3A_166] : memref<1x1x16x128xf32, #tpu.memory_space<vmem>>, vector<1x1x1x128xf32>
      %get3A_168 = vector.shape_cast %get3A_167 : vector<1x1x1x128xf32> to vector<1x128xf32>
      %swap3A_169 = arith.constant 0 : index
      %swap3A_170 = arith.constant 0 : index
      %swap3A_171 = arith.index_cast %get3A_94 : i32 to index
      %swap3A_172 = arith.constant 0 : index
      %swap3A_173 = vector.load %arg4[%swap3A_169, %swap3A_170, %swap3A_171, %swap3A_172] : memref<1x1x8192x128xf32, #tpu.memory_space<vmem>>, vector<1x1x1x128xf32>
      %swap3A_174 = vector.shape_cast %swap3A_173 : vector<1x1x1x128xf32> to vector<1x128xf32>
      %swap3A_175 = vector.shape_cast %get3A_168 : vector<1x128xf32> to vector<1x1x1x128xf32>
      tpu.vector_store %arg4[%swap3A_169, %swap3A_170, %swap3A_171, %swap3A_172], %swap3A_175 {strides = array<i32>} : memref<1x1x8192x128xf32, #tpu.memory_space<vmem>>, vector<1x1x1x128xf32>,
    } else {
    }
    %get3A_103 = arith.constant 10 : index
    %get3A_104 = memref.load %arg1[%get3A_103] : memref<16xi32, #tpu.memory_space<smem>>
    %ge3A_105 = arith.constant 0 : i32
    %ge3A_106 = arith.cmpi sge, %get3A_104, %ge3A_105 : i32
    %lt3A_107 = arith.constant 8192 : i32
    %lt3A_108 = arith.cmpi slt, %get3A_104, %lt3A_107 : i32
    %and3A_109 = arith.andi %ge3A_106, %lt3A_108 : i1
    %convert_element_type3A_110 = arith.extui %and3A_109 : i1 to i32
    %cond3A_111 = arith.constant 0 : i32
    %cond3A_112 = arith.cmpi ne, %convert_element_type3A_110, %cond3A_111 : i32
    scf.if %cond3A_112 {
      %get3A_163 = arith.constant 0 : index
      %get3A_164 = arith.constant 0 : index
      %get3A_165 = arith.constant 10 : index
      %get3A_166 = arith.constant 0 : index
      %get3A_167 = vector.load %arg2[%get3A_163, %get3A_164, %get3A_165, %get3A_166] : memref<1x1x16x128xf32, #tpu.memory_space<vmem>>, vector<1x1x1x128xf32>
      %get3A_168 = vector.shape_cast %get3A_167 : vector<1x1x1x128xf32> to vector<1x128xf32>
      %swap3A_169 = arith.constant 0 : index
      %swap3A_170 = arith.constant 0 : index
      %swap3A_171 = arith.index_cast %get3A_104 : i32 to index
      %swap3A_172 = arith.constant 0 : index
      %swap3A_173 = vector.load %arg4[%swap3A_169, %swap3A_170, %swap3A_171, %swap3A_172] : memref<1x1x8192x128xf32, #tpu.memory_space<vmem>>, vector<1x1x1x128xf32>
      %swap3A_174 = vector.shape_cast %swap3A_173 : vector<1x1x1x128xf32> to vector<1x128xf32>
      %swap3A_175 = vector.shape_cast %get3A_168 : vector<1x128xf32> to vector<1x1x1x128xf32>
      tpu.vector_store %arg4[%swap3A_169, %swap3A_170, %swap3A_171, %swap3A_172], %swap3A_175 {strides = array<i32>} : memref<1x1x8192x128xf32, #tpu.memory_space<vmem>>, vector<1x1x1x128xf32>,
    } else {
    }
    %get3A_113 = arith.constant 11 : index
    %get3A_114 = memref.load %arg1[%get3A_113] : memref<16xi32, #tpu.memory_space<smem>>
    %ge3A_115 = arith.constant 0 : i32
    %ge3A_116 = arith.cmpi sge, %get3A_114, %ge3A_115 : i32
    %lt3A_117 = arith.constant 8192 : i32
    %lt3A_118 = arith.cmpi slt, %get3A_114, %lt3A_117 : i32
    %and3A_119 = arith.andi %ge3A_116, %lt3A_118 : i1
    %convert_element_type3A_120 = arith.extui %and3A_119 : i1 to i32
    %cond3A_121 = arith.constant 0 : i32
    %cond3A_122 = arith.cmpi ne, %convert_element_type3A_120, %cond3A_121 : i32
    scf.if %cond3A_122 {
      %get3A_163 = arith.constant 0 : index
      %get3A_164 = arith.constant 0 : index
      %get3A_165 = arith.constant 11 : index
      %get3A_166 = arith.constant 0 : index
      %get3A_167 = vector.load %arg2[%get3A_163, %get3A_164, %get3A_165, %get3A_166] : memref<1x1x16x128xf32, #tpu.memory_space<vmem>>, vector<1x1x1x128xf32>
      %get3A_168 = vector.shape_cast %get3A_167 : vector<1x1x1x128xf32> to vector<1x128xf32>
      %swap3A_169 = arith.constant 0 : index
      %swap3A_170 = arith.constant 0 : index
      %swap3A_171 = arith.index_cast %get3A_114 : i32 to index
      %swap3A_172 = arith.constant 0 : index
      %swap3A_173 = vector.load %arg4[%swap3A_169, %swap3A_170, %swap3A_171, %swap3A_172] : memref<1x1x8192x128xf32, #tpu.memory_space<vmem>>, vector<1x1x1x128xf32>
      %swap3A_174 = vector.shape_cast %swap3A_173 : vector<1x1x1x128xf32> to vector<1x128xf32>
      %swap3A_175 = vector.shape_cast %get3A_168 : vector<1x128xf32> to vector<1x1x1x128xf32>
      tpu.vector_store %arg4[%swap3A_169, %swap3A_170, %swap3A_171, %swap3A_172], %swap3A_175 {strides = array<i32>} : memref<1x1x8192x128xf32, #tpu.memory_space<vmem>>, vector<1x1x1x128xf32>,
    } else {
    }
    %get3A_123 = arith.constant 12 : index
    %get3A_124 = memref.load %arg1[%get3A_123] : memref<16xi32, #tpu.memory_space<smem>>
    %ge3A_125 = arith.constant 0 : i32
    %ge3A_126 = arith.cmpi sge, %get3A_124, %ge3A_125 : i32
    %lt3A_127 = arith.constant 8192 : i32
    %lt3A_128 = arith.cmpi slt, %get3A_124, %lt3A_127 : i32
    %and3A_129 = arith.andi %ge3A_126, %lt3A_128 : i1
    %convert_element_type3A_130 = arith.extui %and3A_129 : i1 to i32
    %cond3A_131 = arith.constant 0 : i32
    %cond3A_132 = arith.cmpi ne, %convert_element_type3A_130, %cond3A_131 : i32
    scf.if %cond3A_132 {
      %get3A_163 = arith.constant 0 : index
      %get3A_164 = arith.constant 0 : index
      %get3A_165 = arith.constant 12 : index
      %get3A_166 = arith.constant 0 : index
      %get3A_167 = vector.load %arg2[%get3A_163, %get3A_164, %get3A_165, %get3A_166] : memref<1x1x16x128xf32, #tpu.memory_space<vmem>>, vector<1x1x1x128xf32>
      %get3A_168 = vector.shape_cast %get3A_167 : vector<1x1x1x128xf32> to vector<1x128xf32>
      %swap3A_169 = arith.constant 0 : index
      %swap3A_170 = arith.constant 0 : index
      %swap3A_171 = arith.index_cast %get3A_124 : i32 to index
      %swap3A_172 = arith.constant 0 : index
      %swap3A_173 = vector.load %arg4[%swap3A_169, %swap3A_170, %swap3A_171, %swap3A_172] : memref<1x1x8192x128xf32, #tpu.memory_space<vmem>>, vector<1x1x1x128xf32>
      %swap3A_174 = vector.shape_cast %swap3A_173 : vector<1x1x1x128xf32> to vector<1x128xf32>
      %swap3A_175 = vector.shape_cast %get3A_168 : vector<1x128xf32> to vector<1x1x1x128xf32>
      tpu.vector_store %arg4[%swap3A_169, %swap3A_170, %swap3A_171, %swap3A_172], %swap3A_175 {strides = array<i32>} : memref<1x1x8192x128xf32, #tpu.memory_space<vmem>>, vector<1x1x1x128xf32>,
    } else {
    }
    %get3A_133 = arith.constant 13 : index
    %get3A_134 = memref.load %arg1[%get3A_133] : memref<16xi32, #tpu.memory_space<smem>>
    %ge3A_135 = arith.constant 0 : i32
    %ge3A_136 = arith.cmpi sge, %get3A_134, %ge3A_135 : i32
    %lt3A_137 = arith.constant 8192 : i32
    %lt3A_138 = arith.cmpi slt, %get3A_134, %lt3A_137 : i32
    %and3A_139 = arith.andi %ge3A_136, %lt3A_138 : i1
    %convert_element_type3A_140 = arith.extui %and3A_139 : i1 to i32
    %cond3A_141 = arith.constant 0 : i32
    %cond3A_142 = arith.cmpi ne, %convert_element_type3A_140, %cond3A_141 : i32
    scf.if %cond3A_142 {
      %get3A_163 = arith.constant 0 : index
      %get3A_164 = arith.constant 0 : index
      %get3A_165 = arith.constant 13 : index
      %get3A_166 = arith.constant 0 : index
      %get3A_167 = vector.load %arg2[%get3A_163, %get3A_164, %get3A_165, %get3A_166] : memref<1x1x16x128xf32, #tpu.memory_space<vmem>>, vector<1x1x1x128xf32>
      %get3A_168 = vector.shape_cast %get3A_167 : vector<1x1x1x128xf32> to vector<1x128xf32>
      %swap3A_169 = arith.constant 0 : index
      %swap3A_170 = arith.constant 0 : index
      %swap3A_171 = arith.index_cast %get3A_134 : i32 to index
      %swap3A_172 = arith.constant 0 : index
      %swap3A_173 = vector.load %arg4[%swap3A_169, %swap3A_170, %swap3A_171, %swap3A_172] : memref<1x1x8192x128xf32, #tpu.memory_space<vmem>>, vector<1x1x1x128xf32>
      %swap3A_174 = vector.shape_cast %swap3A_173 : vector<1x1x1x128xf32> to vector<1x128xf32>
      %swap3A_175 = vector.shape_cast %get3A_168 : vector<1x128xf32> to vector<1x1x1x128xf32>
      tpu.vector_store %arg4[%swap3A_169, %swap3A_170, %swap3A_171, %swap3A_172], %swap3A_175 {strides = array<i32>} : memref<1x1x8192x128xf32, #tpu.memory_space<vmem>>, vector<1x1x1x128xf32>,
    } else {
    }
    %get3A_143 = arith.constant 14 : index
    %get3A_144 = memref.load %arg1[%get3A_143] : memref<16xi32, #tpu.memory_space<smem>>
    %ge3A_145 = arith.constant 0 : i32
    %ge3A_146 = arith.cmpi sge, %get3A_144, %ge3A_145 : i32
    %lt3A_147 = arith.constant 8192 : i32
    %lt3A_148 = arith.cmpi slt, %get3A_144, %lt3A_147 : i32
    %and3A_149 = arith.andi %ge3A_146, %lt3A_148 : i1
    %convert_element_type3A_150 = arith.extui %and3A_149 : i1 to i32
    %cond3A_151 = arith.constant 0 : i32
    %cond3A_152 = arith.cmpi ne, %convert_element_type3A_150, %cond3A_151 : i32
    scf.if %cond3A_152 {
      %get3A_163 = arith.constant 0 : index
      %get3A_164 = arith.constant 0 : index
      %get3A_165 = arith.constant 14 : index
      %get3A_166 = arith.constant 0 : index
      %get3A_167 = vector.load %arg2[%get3A_163, %get3A_164, %get3A_165, %get3A_166] : memref<1x1x16x128xf32, #tpu.memory_space<vmem>>, vector<1x1x1x128xf32>
      %get3A_168 = vector.shape_cast %get3A_167 : vector<1x1x1x128xf32> to vector<1x128xf32>
      %swap3A_169 = arith.constant 0 : index
      %swap3A_170 = arith.constant 0 : index
      %swap3A_171 = arith.index_cast %get3A_144 : i32 to index
      %swap3A_172 = arith.constant 0 : index
      %swap3A_173 = vector.load %arg4[%swap3A_169, %swap3A_170, %swap3A_171, %swap3A_172] : memref<1x1x8192x128xf32, #tpu.memory_space<vmem>>, vector<1x1x1x128xf32>
      %swap3A_174 = vector.shape_cast %swap3A_173 : vector<1x1x1x128xf32> to vector<1x128xf32>
      %swap3A_175 = vector.shape_cast %get3A_168 : vector<1x128xf32> to vector<1x1x1x128xf32>
      tpu.vector_store %arg4[%swap3A_169, %swap3A_170, %swap3A_171, %swap3A_172], %swap3A_175 {strides = array<i32>} : memref<1x1x8192x128xf32, #tpu.memory_space<vmem>>, vector<1x1x1x128xf32>,
    } else {
    }
    %get3A_153 = arith.constant 15 : index
    %get3A_154 = memref.load %arg1[%get3A_153] : memref<16xi32, #tpu.memory_space<smem>>
    %ge3A_155 = arith.constant 0 : i32
    %ge3A_156 = arith.cmpi sge, %get3A_154, %ge3A_155 : i32
    %lt3A_157 = arith.constant 8192 : i32
    %lt3A_158 = arith.cmpi slt, %get3A_154, %lt3A_157 : i32
    %and3A_159 = arith.andi %ge3A_156, %lt3A_158 : i1
    %convert_element_type3A_160 = arith.extui %and3A_159 : i1 to i32
    %cond3A_161 = arith.constant 0 : i32
    %cond3A_162 = arith.cmpi ne, %convert_element_type3A_160, %cond3A_161 : i32
    scf.if %cond3A_162 {
      %get3A_163 = arith.constant 0 : index
      %get3A_164 = arith.constant 0 : index
      %get3A_165 = arith.constant 15 : index
      %get3A_166 = arith.constant 0 : index
      %get3A_167 = vector.load %arg2[%get3A_163, %get3A_164, %get3A_165, %get3A_166] : memref<1x1x16x128xf32, #tpu.memory_space<vmem>>, vector<1x1x1x128xf32>
      %get3A_168 = vector.shape_cast %get3A_167 : vector<1x1x1x128xf32> to vector<1x128xf32>
      %swap3A_169 = arith.constant 0 : index
      %swap3A_170 = arith.constant 0 : index
      %swap3A_171 = arith.index_cast %get3A_154 : i32 to index
      %swap3A_172 = arith.constant 0 : index
      %swap3A_173 = vector.load %arg4[%swap3A_169, %swap3A_170, %swap3A_171, %swap3A_172] : memref<1x1x8192x128xf32, #tpu.memory_space<vmem>>, vector<1x1x1x128xf32>
      %swap3A_174 = vector.shape_cast %swap3A_173 : vector<1x1x1x128xf32> to vector<1x128xf32>
      %swap3A_175 = vector.shape_cast %get3A_168 : vector<1x128xf32> to vector<1x1x1x128xf32>
      tpu.vector_store %arg4[%swap3A_169, %swap3A_170, %swap3A_171, %swap3A_172], %swap3A_175 {strides = array<i32>} : memref<1x1x8192x128xf32, #tpu.memory_space<vmem>>, vector<1x1x1x128xf32>,
    } else {
    }
    return
  }
  func.func @transform_0(%arg0: i32) -> i32 {
    %c0_i32 = arith.constant 0 : i32
    %c0_i32_0 = arith.constant 0 : i32
    return %c0_i32 : i32
  }
  func.func @transform_1(%arg0: i32) -> (i32, i32, i32, i32) {
    %c0_i32 = arith.constant 0 : i32
    %c0_i32_0 = arith.constant 0 : i32
    %c0_i32_1 = arith.constant 0 : i32
    %c0_i32_2 = arith.constant 0 : i32
    return %c0_i32, %arg0, %c0_i32_0, %c0_i32_1 : i32, i32, i32, i32
  }
  func.func @transform_2(%arg0: i32) -> (i32, i32, i32, i32) {
    %c0_i32 = arith.constant 0 : i32
    %c0_i32_0 = arith.constant 0 : i32
    %c0_i32_1 = arith.constant 0 : i32
    %c0_i32_2 = arith.constant 0 : i32
    return %c0_i32, %arg0, %c0_i32_0, %c0_i32_1 : i32, i32, i32, i32
  }
  func.func @transform_3(%arg0: i32) -> (i32, i32, i32, i32) {
    %c0_i32 = arith.constant 0 : i32
    %c0_i32_0 = arith.constant 0 : i32
    %c0_i32_1 = arith.constant 0 : i32
    %c0_i32_2 = arith.constant 0 : i32
    return %c0_i32, %arg0, %c0_i32_0, %c0_i32_1 : i32, i32, i32, i32
  }
}

</mosaic_0001>

<sc_bundles>
// kernel: kernel.4.cloned.1.call-start
scs
__scs_entry_jumppad:
0x0: {  	(pc) =	sbr.rel $0x88, $3  }
0x1: {  	(tag) =	ssettag $0x0;
	lr =	simm.s32 $0x1  }
0x2: {  	[smem:$0x3F9C] =	sst lr;
	_ =	strace $0xD0000000  }
0x3: {  	_ = 	snop  }
0x4: {  	_ = 	snop  }
0x5: {  	_ = 	snop  }
0x6: {  	_ = 	snop  }
0x7: {  	_ = 	snop  }
__scs_overlays_trampoline_lowered:
0x8: {  	[smem:$0x3FAB] =	sst s0  }
0x9: {  	[smem:$0x3FAC] =	sst s1  }
0xa: {  	[smem:$0x3FAD] =	sst s2  }
0xb: {  	[smem:$0x3FAE] =	sst s3  }
0xc: {  	[smem:$0x3FAF] =	sst s4  }
0xd: {  	[smem:$0x3FB0] =	sst s5  }
0xe: {  	[smem:$0x3FB1] =	sst s6  }
0xf: {  	[smem:$0x3FB2] =	sst s7  }
0x10: {  	[smem:$0x3FB3] =	sst s8  }
0x11: {  	[smem:$0x3FB4] =	sst s9;
	s0 =	simm.s32 @!p0 $0x0  }
0x12: {  	s1 =	sld [smem:$0x3F9A];
	s0 =	simm.s32 @p0 $0x1  }
0x13: {  	[smem:$0x3FB5] =	sst s0;
	s0 =	simm.s32 @!p1 $0x0  }
0x14: {  	s2 =	sld [smem:$0x3F99];
	s0 =	simm.s32 @p1 $0x1  }
0x15: {  	[smem:$0x3FB6] =	sst s0;
	s0 =	simm.s32 @!p2 $0x0  }
0x16: {  	s3 =	sld [smem:$0x3FDB];
	s0 =	simm.s32 @p2 $0x1  }
0x17: {  	s4 =	simm.s32 $0x1BF5;
	[smem:$0x3FB8] =	sst s0  }
0x18: {  	s0 =	sld [smem:$0x3F9B];
	_ =	swait.ge [sflag:s4], $0x0  }
0x19: {  	s7 =	sld [smem:$0x3F9C]  }
0x1a: {  	s8 =	sadd.s32 $0xFFFFE003, lr  }
0x1b: {  	s9 =	sadd.s32 $0xFFFFFEF7, lr;
	s5 =	simm.s32 $0xFFFFFFFF;
	p2 =	slt.u32 s8, $0xFFFFF086  }
0x1c: {  	p1 =	slt.u32 s9, $0xF7A;
	s5 =	simm.s32 @!p2 $0x0  }
0x1d: {  	s5 =	simm.s32 @p1 $0x1;
	p0 =	seq.s32 s7, s2  }
0x1e: {  	s7 =	smul.u32 @!p0 $0xF7A, s2;
	p2 =	seq.s32 @!p0 s5, $0x0  }
0x1f: {  	s9 =	smul.u32 $0xF7A, s1;
	s8 =	simm.s32 @!p0 $0x1BF5;
	p2 =	por !p2, p0  }
0x20: {  	[sflag:s8] =	ssyncset.s32 @!p0 $0xFFFFF086;
	s6 =	sadd.s32 @!p0 s3, s7;
	s7 =	simm.s32 @!p0 $0x108  }
0x21: {  	s3 =	sadd.s32 s3, s9;
	s6 =	sadd.s32 @!p0 $0x88, s6;
	s7 =	simm.s32 @p2 $0x1082  }
0x22: {  	[simem:s7], [sflag:s8] =	dma.local @!p0 [hbm:s6], $0xF7A  }
0x23: {  	s9 =	sor.u32 $0xD0000000, s2;
	s6 =	simm.s32 $0x108;
	_ =	swait.ge @!p0 [sflag:s8], $0x0  }
0x24: {  	s3 =	sadd.s32 $0x88, s3;
	s6 =	simm.s32 @!p1 $0x1082;
	[sflag:s4] =	ssyncset.s32 $0xFFFFF086  }
0x25: {  	[simem:s6], [sflag:s4] =	dma.local [hbm:s3], $0xF7A  }
0x26: {  	[smem:$0x3F9C] =	sst s1;
	(tag) =	ssettag s2;
	_ =	strace s9  }
0x27: {  	s1 =	sld [smem:$0x3FAC]  }
0x28: {  	s2 =	sld [smem:$0x3FAD]  }
0x29: {  	s4 =	sld [smem:$0x3FAF]  }
0x2a: {  	p0 =	seq.s32 s5, $0x0;
	s5 =	sld [smem:$0x3FB0]  }
0x2b: {  	s6 =	sld [smem:$0x3FB1]  }
0x2c: {  	s7 =	sld [smem:$0x3FB2]  }
0x2d: {  	s3 =	simm.s32 $0x108;
	s8 =	sld [smem:$0x3FB3]  }
0x2e: {  	s3 =	simm.s32 @!p0 $0x1082;
	s9 =	sld [smem:$0x3FB4]  }
0x2f: {  	lr =	sadd.s32 s0, s3;
	s0 =	sld [smem:$0x3FAB]  }
0x30: {  	s3 =	sld [smem:$0x3FAE]  }
0x31: {  	[smem:$0x3FB7] =	sst s10  }
0x32: {  	s10 =	sld [smem:$0x3FB5];
	_ =	sdelay $0x3  }
0x33: {  	p0 =	seq.s32 s10, $0x1;
	s10 =	sld [smem:$0x3FB7];
	_ =	sdelay $0x3  }
0x34: {  	[smem:$0x3FB7] =	sst s10  }
0x35: {  	s10 =	sld [smem:$0x3FB6];
	_ =	sdelay $0x3  }
0x36: {  	p1 =	seq.s32 s10, $0x1;
	s10 =	sld [smem:$0x3FB7];
	_ =	sdelay $0x3  }
0x37: {  	[smem:$0x3FB7] =	sst s10  }
0x38: {  	s10 =	sld [smem:$0x3FB8]  }
0x39: {  	_ = 	snop;
	(pc) =	sbr.ind lr, $3  }
0x3a: {  	_ = 	snop  }
0x3b: {  	_ = 	snop  }
0x3c: {  	p2 =	seq.s32 s10, $0x1;
	s10 =	sld [smem:$0x3FB7]  }
0x3d: {  	_ =	shalt  }
0x3e: {  	_ =	shalt  }
0x3f: {  	_ =	shalt  }
0x40: {  	_ =	shalt  }
0x41: {  	_ =	shalt  }
0x42: {  	_ =	shalt  }
0x43: {  	_ =	shalt  }
0x44: {  	_ =	shalt  }
0x45: {  	_ =	shalt  }
0x46: {  	_ =	shalt  }
0x47: {  	_ =	shalt  }
0x48: {  	_ =	shalt  }
0x49: {  	_ =	shalt  }
0x4a: {  	_ =	shalt  }
0x4b: {  	_ =	shalt  }
0x4c: {  	_ =	shalt  }
0x4d: {  	_ =	shalt  }
0x4e: {  	_ =	shalt  }
0x4f: {  	_ =	shalt  }
0x50: {  	_ =	shalt  }
0x51: {  	_ =	shalt  }
0x52: {  	_ =	shalt  }
0x53: {  	_ =	shalt  }
0x54: {  	_ =	shalt  }
0x55: {  	_ =	shalt  }
0x56: {  	_ =	shalt  }
0x57: {  	_ =	shalt  }
0x58: {  	_ =	shalt  }
0x59: {  	_ =	shalt  }
0x5a: {  	_ =	shalt  }
0x5b: {  	_ =	shalt  }
0x5c: {  	_ =	shalt  }
0x5d: {  	_ =	shalt  }
0x5e: {  	_ =	shalt  }
0x5f: {  	_ =	shalt  }
0x60: {  	_ =	shalt  }
0x61: {  	_ =	shalt  }
0x62: {  	_ =	shalt  }
0x63: {  	_ =	shalt  }
0x64: {  	_ =	shalt  }
0x65: {  	_ =	shalt  }
0x66: {  	_ =	shalt  }
0x67: {  	_ =	shalt  }
0x68: {  	_ =	shalt  }
0x69: {  	_ =	shalt  }
0x6a: {  	_ =	shalt  }
0x6b: {  	_ =	shalt  }
0x6c: {  	_ =	shalt  }
0x6d: {  	_ =	shalt  }
0x6e: {  	_ =	shalt  }
0x6f: {  	_ =	shalt  }
0x70: {  	_ =	shalt  }
0x71: {  	_ =	shalt  }
0x72: {  	_ =	shalt  }
0x73: {  	_ =	shalt  }
0x74: {  	_ =	shalt  }
0x75: {  	_ =	shalt  }
0x76: {  	_ =	shalt  }
0x77: {  	_ =	shalt  }
0x78: {  	_ =	shalt  }
0x79: {  	_ =	shalt  }
0x7a: {  	_ =	shalt  }
0x7b: {  	_ =	shalt  }
0x7c: {  	_ =	shalt  }
0x7d: {  	_ =	shalt  }
0x7e: {  	_ =	shalt  }
0x7f: {  	_ =	shalt  }
0x80: {  	_ =	shalt  }
0x81: {  	_ =	shalt  }
0x82: {  	_ =	shalt  }
0x83: {  	_ =	shalt  }
0x84: {  	_ =	shalt  }
0x85: {  	_ =	shalt  }
0x86: {  	_ =	shalt  }
0x87: {  	_ =	shalt  }
.Lfunc_end0:
.L_simem_size_0:
called_computation_lowered:
.L_overlay_start_0:
0x88: {  	s2 =	sld [smem:$0x3FD9]  }
0x89: {  	s3 =	sld [smem:$0x3FFE];
	_ =	sdelay $0x1  }
0x8a: {  	s1 =	srdreg.scid  }
0x8b: {  	s0 =	sand.u32 $0x1, s1  }
0x8c: {  	s15 =	sshll.u32 s0, $0xA;
	s2 =	sadd.s32 s3, s2  }
0x8d: {  	s2 =	sadd.s32 s2, s15  }
0x8e: {  	[smem:$0x3FC3] =	sst s2  }
0x8f: {  	_ = 	snop  }
0x90: {  	s2 =	sld [smem:$0x3FD0]  }
0x91: {  	s16 =	sld [smem:$0x3FC8]  }
0x92: {  	s4 =	sld [smem:$0x3FC7]  }
0x93: {  	s6 =	simm.s32 $0xA;
	s7 =	simm.s32 $0x10;
	s5 =	sld [smem:$0x3FC5]  }
0x94: {  	[smem:s7], [sflag:s6] =	dma.local [hbm:s2], $0x1  }
0x95: {  	_ =	swait.eq [sflag:s6], $0x1  }
0x96: {  	[sflag:s6] =	ssyncset.done $0x0  }
0x97: {  	[sflag:s6] =	ssyncadd.s32 $0xFFFFFFFF  }
0x98: {  	s17 =	sld [smem:$0x11];
	(tm) =	ssettm $0x1  }
0x99: {  	s18 =	sld [smem:$0x3FFB];
	_ =	sdelay $0x3  }
0x9a: {  	_ =	strace s18  }
0x9b: {  	s6 =	sld [smem:$0x3FFC];
	_ =	sdelay $0x3  }
0x9c: {  	_ =	strace s6  }
0x9d: {  	s6 =	sld [smem:$0x3FFD];
	_ =	sdelay $0x3  }
0x9e: {  	_ =	strace s6  }
0x9f: {  	_ =	strace $0x8FFFFFFF  }
0xa0: {  	s19 =	sld [smem:$0x3FDB];
	_ =	sdelay $0x1  }
0xa1: {  	s20 =	simm.s32 $_scs_section_size  }
0xa2: {  	s8 =	simm.s32 $_size__tile_overlayer_lowered;
	s9 =	simm.s32 $_tile_overlayer_lowered  }
0xa3: {  	s23 =	simm.s32 $0x1BFF;
	s22 =	sshll.u32 s9, $0x1;
	s6 =	sadd.s32 s20, s19  }
0xa4: {  	s10 =	simm.s32 $0x0;
	s21 =	sshll.u32 s8, $0x1;
	s8 =	sadd.s32 s22, s6  }
0xa5: {  	[timem:s10], [sflag:s23] =	dma.local [hbm:s8], s21  }
0xa6: {  	_ =	swait.ge [sflag:s23], s21  }
0xa7: {  	s7 =	ssub.s32 $0x0, s21;
	[sflag:s23] =	ssyncset.done $0x0  }
0xa8: {  	[sflag:s23] =	ssyncadd.s32 s7;
	_ =	sdelay $0x1  }
0xa9: {  	s24 =	simm.s32 $0x1B8B  }
0xaa: {  	_ =	swait.ge [sflag:s24], $0x1  }
0xab: {  	[sflag:s24] =	ssyncset.done $0x0  }
0xac: {  	s25 =	simm.s32 $0x1B8E;
	[sflag:s24] =	ssyncadd.s32 $0xFFFFFFFF  }
0xad: {  	s26 =	simm.s32 $execute0_lowered;
	[smem:$0x3FD2] =	sst s25  }
0xae: {  	s7 =	sshll.u32 s26, $0x1;
	_ =	strace $0x80000046;
	[dreg:$0x1] =	wrdreg $0xFFFFFFFF  }
0xaf: {  	s28 =	simm.s32 $_size_execute0_lowered;
	s6 =	sadd.s32 s6, s7;
	[dreg:$0x0] =	wrdreg $0x0  }
0xb0: {  	s7 =	sshll.u32 s28, $0x1;
	[dreg:$0x2] =	wrdreg s6  }
0xb1: {  	[dreg:$0x3] =	wrdreg s7  }
0xb2: {  	[dreg:$0x4] =	wrdreg $0xC0  }
0xb3: {  	_ =	task [dreg:s10], $0x5FFFF  }
0xb4: {  	[dreg:$0x1] =	wrdreg $0xFFFFFFFF  }
0xb5: {  	[dreg:$0x0] =	wrdreg $0x60  }
0xb6: {  	[dreg:$0x2] =	wrdreg s4  }
0xb7: {  	[dreg:$0x3] =	wrdreg s16  }
0xb8: {  	[dreg:$0x4] =	wrdreg s5  }
0xb9: {  	[dreg:$0x5] =	wrdreg s17  }
0xba: {  	[dreg:$0x6] =	wrdreg $0x9  }
0xbb: {  	_ =	task.clear_ibuf [dreg:s10], $0x7FFFF;
	_ =	strace $0x90000046  }
0xbc: {  	s29 =	simm.s32 $0x9;
	_ =	strace $0x80000048  }
0xbd: {  	_ =	swait.ge [sflag:s29], $0x1  }
0xbe: {  	[sflag:s29] =	ssyncadd.s32 $0xFFFFFFFF  }
0xbf: {  	_ =	strace $0x90000048  }
0xc0: {  	_ =	sfence  }
0xc1: {  	s30 =	sld [smem:$0x0];
	_ =	sdelay $0x2  }
0xc2: {  	s31 =	sshll.u32 s1, $0xD;
	s1 =	sshrl.u32 s1, $0x2  }
0xc3: {  	s3 =	sand.u32 $0x4000, s31;
	s1 =	sadd.s32 s1, s30  }
0xc4: {  	s0 =	sor.u32 s3, s0;
	s1 =	sshll.u32 s1, $0x11  }
0xc5: {  	s0 =	sor.u32 s1, s0  }
0xc6: {  	s0 =	sadd.s32 $0x8F2B, s0  }
0xc7: {  	[sflag:s0] =	ssyncadd.remote.s32 $0x1  }
0xc8: {  	_ =	sfence.sel $0xFFFF  }
0xc9: {  	[dreg:$0x0] =	wrdreg $0xFFFFFFFF;
	(pc) =	sbr.abs _section_cstart, $3  }
0xca: {  	[dreg:$0x1] =	wrdreg $0xFFFFFFFF  }
0xcb: {  	_ =	task.clear_ibuf [dreg:s10], $0x2FFFF;
	_ =	strace $0x9FFFFFFF  }
0xcc: {  	(tm) =	ssettm $0x7FFFFFFF  }
0xcd: {  	_ =	shalt  }
tec
execute0_lowered:
.L_overlay_start_1:
0x0: {  	(tag) =	ssettag $0x1  }
0x1: {  	s0 =	rddreg [dreg:$0x0]  }
0x2: {  	s4 =	rddreg [dreg:$0x1]  }
0x3: {  	s1 =	rddreg [dreg:$0x2]  }
0x4: {  	s13 =	srdreg.scid;
	s2 =	stileid.u32  }
0x5: {  	[dreg:$0x5] =	wrdreg s0;
	s0 =	sand.u32 $0x1, s13;
	s5 =	sshll.u32 s2, $0x1  }
0x6: {  	s9 =	rddreg [dreg:$0x3];
	s3 =	simm.s32 $0x0;
	s6 =	sor.u32 s0, s5  }
0x7: {  	p0 =	por $0x0, $0x0;
	[smem:$0x7FF] =	sst s3;
	s5 =	sshll.u32 s6, $0x11  }
0x8: {  	_ =	strace $0x80000047;
	s0 =	ssub.s32 $0x2, s0;
	s7 =	sadd.s32 s1, s5  }
0x9: {  	s8 =	sor.u32 $0x1C00, s5;
	s15 =	sadd.s32 s9, s5;
	[dreg:$0x6] =	wrdreg s7  }
0xa: {  	s10 =	sor.u32 $0x3800, s5;
	s14 =	sadd.s32 s1, s8;
	[dreg:$0x8] =	wrdreg s15  }
0xb: {  	s18 =	sor.u32 $0x5400, s5;
	s16 =	sadd.s32 s1, s10;
	[dreg:$0x7] =	wrdreg s14  }
0xc: {  	s21 =	sor.u32 $0x7000, s5;
	s17 =	sadd.s32 s9, s8;
	[dreg:$0x9] =	wrdreg s16  }
0xd: {  	s24 =	sor.u32 $0x8C00, s5;
	s19 =	sadd.s32 s1, s18;
	[dreg:$0xa] =	wrdreg s17  }
0xe: {  	s11 =	sor.u32 $0xA800, s5;
	s20 =	sadd.s32 s9, s10;
	[dreg:$0xb] =	wrdreg s19  }
0xf: {  	s13 =	sor.u32 $0xC400, s5;
	s22 =	sadd.s32 s1, s21;
	[dreg:$0xc] =	wrdreg s20  }
0x10: {  	s23 =	sadd.s32 s9, s18;
	s25 =	sadd.s32 s1, s24;
	[dreg:$0xd] =	wrdreg s22  }
0x11: {  	s26 =	sadd.s32 s9, s21;
	s10 =	sadd.s32 s1, s11;
	[dreg:$0xe] =	wrdreg s23  }
0x12: {  	s12 =	sadd.s32 s9, s24;
	s15 =	sadd.s32 s1, s13;
	[dreg:$0xf] =	wrdreg s25  }
0x13: {  	s21 =	sshll.u32 s6, $0xD;
	s24 =	sor.u32 $0x11800, s5;
	[dreg:$0x10] =	wrdreg s26  }
0x14: {  	s6 =	sshll.u32 s6, $0x8;
	s8 =	sor.u32 $0x1DC00, s5;
	[dreg:$0x11] =	wrdreg s10  }
0x15: {  	s7 =	simm.s32 $0x3;
	s14 =	sshrl.u32 s0, $0x1;
	[dreg:$0x12] =	wrdreg s12  }
0x16: {  	[dreg:$0x13] =	wrdreg s15;
	s16 =	sadd.s32 s9, s11;
	s17 =	sor.u32 $0xE000, s5  }
0x17: {  	s19 =	sadd.s32 s9, s13;
	s20 =	sor.u32 $0xFC00, s5;
	[dreg:$0x19] =	wrdreg s21  }
0x18: {  	s31 =	sadd.s32 s1, s24;
	s25 =	sor.u32 $0x13400, s5;
	s11 =	sor.u32 $0x15000, s5  }
0x19: {  	s28 =	sadd.s32 s9, s24;
	s12 =	sor.u32 $0x16C00, s5;
	s13 =	sor.u32 $0x18800, s5  }
0x1a: {  	s15 =	sor.u32 $0x1C000, s5;
	s4 =	sadd.s32 s4, s6;
	s10 =	simm.s32 $0x2  }
0x1b: {  	s6 =	simm.s32 $0x1C800;
	s0 =	ssub.s32 s0, s14;
	[dreg:$0x14] =	wrdreg s16  }
0x1c: {  	s18 =	sadd.s32 s1, s17;
	[dreg:$0x16] =	wrdreg s19;
	s22 =	sadd.s32 s1, s20  }
0x1d: {  	s23 =	sadd.s32 s9, s17;
	s30 =	sadd.s32 s9, s20;
	s29 =	sadd.s32 s1, s25  }
0x1e: {  	s26 =	sadd.s32 s1, s11;
	s25 =	sadd.s32 s9, s25;
	s24 =	sadd.s32 s1, s12  }
0x1f: {  	s14 =	sor.u32 $0x1A400, s5;
	s21 =	sadd.s32 s9, s12;
	s19 =	sadd.s32 s9, s13  }
0x20: {  	s16 =	sadd.s32 s1, s8;
	s5 =	sor.u32 $0x1F800, s5;
	[dreg:$0x15] =	wrdreg s18  }
0x21: {  	s12 =	sadd.s32 s9, s8;
	[dreg:$0x17] =	wrdreg s22;
	s0 =	smax.u32 s0, $0x1  }
0x22: {  	s8 =	simm.s32 $0x1C000;
	[dreg:$0x18] =	wrdreg s23;
	p1 =	sne.s32 s0, $0x1  }
.Ltmp0:
0x23: {  	s23 =	sadd.s32 s9, s11;
	s22 =	sadd.s32 s1, s13;
	(pc) =	sbr.rel @!p1 .LBB2_1-.Ltmp0, $4  }
0x24: {  	s20 =	sadd.s32 s1, s14;
	s18 =	sadd.s32 s1, s15;
	s17 =	sadd.s32 s9, s14  }
0x25: {  	s14 =	sadd.s32 s9, s15;
	s13 =	sadd.s32 s1, s5;
	s11 =	sadd.s32 s9, s5  }
0x26: {  	s15 =	simm.s32 $0xE000;
	s5 =	simm.s32 $0x1;
	s9 =	rddreg [dreg:$0x19]  }
0x27: {  	s1 =	sadd.s32 $0xFFFFFFFF, s0;
	v0 =	vmov s9;
	s9 =	simm.s32 $0x10;
	s0 =	rddreg [dreg:$0x6]  }
0x28: {  	[tilespmem:s3], [sflag:$0x1] =	stream.linear.gather [hbm4b:s0+s3], $0xE000, $0x38;
	[tilespmem:$0x1C880] =	vst v63  }
0x29: {  	s2 =	smov.u32 s1;
	s1 =	rddreg [dreg:$0x7]  }
0x2a: {  	[tilespmem:s15], [sflag:$0x1] =	stream.linear.gather [hbm4b:s1+s3], $0xE000, $0x38;
	[tilespmem:$0x1C880] =	vst v63  }
0x2b: {  	_ =	swait.ge [sflag:s5], $0xE000  }
0x2c: {  	[sflag:s5] =	ssyncset.done $0x0  }
0x2d: {  	s1 =	rddreg [dreg:$0x8];
	[sflag:s5] =	ssyncadd.s32 $0xFFFF2000  }
0x2e: {  	[hbm4b:s1+s3] =	stream.linear.scatter [tilespmem:s3], [sflag:$0x2], $0xE000, $0x38;
	[tilespmem:$0x1C880] =	vst v63  }
0x2f: {  	_ =	swait.ge [sflag:s10], $0xE000  }
0x30: {  	[sflag:s10] =	ssyncset.done $0x0  }
0x31: {  	s1 =	rddreg [dreg:$0x9];
	[sflag:s10] =	ssyncadd.s32 $0xFFFF2000  }
0x32: {  	[tilespmem:s3], [sflag:$0x1] =	stream.linear.gather [hbm4b:s1+s3], $0xE000, $0x38;
	[tilespmem:$0x1C880] =	vst v63  }
0x33: {  	_ =	swait.ge [sflag:s5], $0xE000  }
0x34: {  	[sflag:s5] =	ssyncset.done $0x0  }
0x35: {  	s1 =	rddreg [dreg:$0xa];
	[sflag:s5] =	ssyncadd.s32 $0xFFFF2000  }
0x36: {  	[hbm4b:s1+s3] =	stream.linear.scatter [tilespmem:s15], [sflag:$0x2], $0xE000, $0x38;
	[tilespmem:$0x1C880] =	vst v63  }
0x37: {  	_ =	swait.ge [sflag:s10], $0xE000  }
0x38: {  	[sflag:s10] =	ssyncset.done $0x0  }
0x39: {  	s1 =	rddreg [dreg:$0xb];
	[sflag:s10] =	ssyncadd.s32 $0xFFFF2000  }
0x3a: {  	[tilespmem:s15], [sflag:$0x1] =	stream.linear.gather [hbm4b:s1+s3], $0xE000, $0x38;
	[tilespmem:$0x1C880] =	vst v63  }
0x3b: {  	_ =	swait.ge [sflag:s5], $0xE000  }
0x3c: {  	[sflag:s5] =	ssyncset.done $0x0  }
0x3d: {  	s1 =	rddreg [dreg:$0xc];
	[sflag:s5] =	ssyncadd.s32 $0xFFFF2000  }
0x3e: {  	[hbm4b:s1+s3] =	stream.linear.scatter [tilespmem:s3], [sflag:$0x2], $0xE000, $0x38;
	[tilespmem:$0x1C880] =	vst v63  }
0x3f: {  	_ =	swait.ge [sflag:s10], $0xE000  }
0x40: {  	[sflag:s10] =	ssyncset.done $0x0  }
0x41: {  	s1 =	rddreg [dreg:$0xd];
	[sflag:s10] =	ssyncadd.s32 $0xFFFF2000  }
0x42: {  	[tilespmem:s3], [sflag:$0x1] =	stream.linear.gather [hbm4b:s1+s3], $0xE000, $0x38;
	[tilespmem:$0x1C880] =	vst v63  }
0x43: {  	_ =	swait.ge [sflag:s5], $0xE000  }
0x44: {  	[sflag:s5] =	ssyncset.done $0x0  }
0x45: {  	s1 =	rddreg [dreg:$0xe];
	[sflag:s5] =	ssyncadd.s32 $0xFFFF2000  }
0x46: {  	[hbm4b:s1+s3] =	stream.linear.scatter [tilespmem:s15], [sflag:$0x2], $0xE000, $0x38;
	[tilespmem:$0x1C880] =	vst v63  }
0x47: {  	_ =	swait.ge [sflag:s10], $0xE000  }
0x48: {  	[sflag:s10] =	ssyncset.done $0x0  }
0x49: {  	s1 =	rddreg [dreg:$0xf];
	[sflag:s10] =	ssyncadd.s32 $0xFFFF2000  }
0x4a: {  	[tilespmem:s15], [sflag:$0x1] =	stream.linear.gather [hbm4b:s1+s3], $0xE000, $0x38;
	[tilespmem:$0x1C880] =	vst v63  }
0x4b: {  	_ =	swait.ge [sflag:s5], $0xE000  }
0x4c: {  	[sflag:s5] =	ssyncset.done $0x0  }
0x4d: {  	s1 =	rddreg [dreg:$0x10];
	[sflag:s5] =	ssyncadd.s32 $0xFFFF2000  }
0x4e: {  	[hbm4b:s1+s3] =	stream.linear.scatter [tilespmem:s3], [sflag:$0x2], $0xE000, $0x38;
	[tilespmem:$0x1C880] =	vst v63  }
0x4f: {  	_ =	swait.ge [sflag:s10], $0xE000  }
0x50: {  	[sflag:s10] =	ssyncset.done $0x0  }
0x51: {  	s1 =	rddreg [dreg:$0x11];
	[sflag:s10] =	ssyncadd.s32 $0xFFFF2000  }
0x52: {  	[tilespmem:s3], [sflag:$0x1] =	stream.linear.gather [hbm4b:s1+s3], $0xE000, $0x38;
	[tilespmem:$0x1C880] =	vst v63  }
0x53: {  	_ =	swait.ge [sflag:s5], $0xE000  }
0x54: {  	[sflag:s5] =	ssyncset.done $0x0  }
0x55: {  	s1 =	rddreg [dreg:$0x12];
	[sflag:s5] =	ssyncadd.s32 $0xFFFF2000  }
0x56: {  	[hbm4b:s1+s3] =	stream.linear.scatter [tilespmem:s15], [sflag:$0x2], $0xE000, $0x38;
	[tilespmem:$0x1C880] =	vst v63  }
0x57: {  	_ =	swait.ge [sflag:s10], $0xE000  }
0x58: {  	[sflag:s10] =	ssyncset.done $0x0  }
0x59: {  	s1 =	rddreg [dreg:$0x13];
	[sflag:s10] =	ssyncadd.s32 $0xFFFF2000  }
0x5a: {  	[tilespmem:s15], [sflag:$0x1] =	stream.linear.gather [hbm4b:s1+s3], $0xE000, $0x38;
	[tilespmem:$0x1C880] =	vst v63  }
0x5b: {  	_ =	swait.ge [sflag:s5], $0xE000  }
0x5c: {  	[sflag:s5] =	ssyncset.done $0x0  }
0x5d: {  	s1 =	rddreg [dreg:$0x14];
	[sflag:s5] =	ssyncadd.s32 $0xFFFF2000  }
0x5e: {  	[hbm4b:s1+s3] =	stream.linear.scatter [tilespmem:s3], [sflag:$0x2], $0xE000, $0x38;
	[tilespmem:$0x1C880] =	vst v63  }
0x5f: {  	_ =	swait.ge [sflag:s10], $0xE000  }
0x60: {  	[sflag:s10] =	ssyncset.done $0x0  }
0x61: {  	s1 =	rddreg [dreg:$0x15];
	[sflag:s10] =	ssyncadd.s32 $0xFFFF2000  }
0x62: {  	[tilespmem:s3], [sflag:$0x1] =	stream.linear.gather [hbm4b:s1+s3], $0xE000, $0x38;
	[tilespmem:$0x1C880] =	vst v63  }
0x63: {  	_ =	swait.ge [sflag:s5], $0xE000  }
0x64: {  	[sflag:s5] =	ssyncset.done $0x0  }
0x65: {  	s1 =	rddreg [dreg:$0x16];
	[sflag:s5] =	ssyncadd.s32 $0xFFFF2000  }
0x66: {  	[hbm4b:s1+s3] =	stream.linear.scatter [tilespmem:s15], [sflag:$0x2], $0xE000, $0x38;
	[tilespmem:$0x1C880] =	vst v63  }
0x67: {  	_ =	swait.ge [sflag:s10], $0xE000  }
0x68: {  	[sflag:s10] =	ssyncset.done $0x0  }
0x69: {  	s1 =	rddreg [dreg:$0x17];
	[sflag:s10] =	ssyncadd.s32 $0xFFFF2000  }
0x6a: {  	[tilespmem:s15], [sflag:$0x1] =	stream.linear.gather [hbm4b:s1+s3], $0xE000, $0x38;
	[tilespmem:$0x1C880] =	vst v63  }
0x6b: {  	_ =	swait.ge [sflag:s5], $0xE000  }
0x6c: {  	[sflag:s5] =	ssyncset.done $0x0  }
0x6d: {  	s1 =	rddreg [dreg:$0x18];
	[sflag:s5] =	ssyncadd.s32 $0xFFFF2000  }
0x6e: {  	[hbm4b:s1+s3] =	stream.linear.scatter [tilespmem:s3], [sflag:$0x2], $0xE000, $0x38;
	[tilespmem:$0x1C880] =	vst v63  }
0x6f: {  	_ =	swait.ge [sflag:s10], $0xE000  }
0x70: {  	[sflag:s10] =	ssyncset.done $0x0  }
0x71: {  	[sflag:s10] =	ssyncadd.s32 $0xFFFF2000  }
0x72: {  	[tilespmem:s3], [sflag:$0x1] =	stream.linear.gather [hbm4b:s31+s3], $0xE000, $0x38;
	[tilespmem:$0x1C880] =	vst v63  }
0x73: {  	_ =	swait.ge [sflag:s5], $0xE000  }
0x74: {  	[sflag:s5] =	ssyncset.done $0x0  }
0x75: {  	[sflag:s5] =	ssyncadd.s32 $0xFFFF2000  }
0x76: {  	[hbm4b:s30+s3] =	stream.linear.scatter [tilespmem:s15], [sflag:$0x2], $0xE000, $0x38;
	[tilespmem:$0x1C880] =	vst v63  }
0x77: {  	_ =	swait.ge [sflag:s10], $0xE000  }
0x78: {  	[sflag:s10] =	ssyncset.done $0x0  }
0x79: {  	[sflag:s10] =	ssyncadd.s32 $0xFFFF2000  }
0x7a: {  	[tilespmem:s15], [sflag:$0x1] =	stream.linear.gather [hbm4b:s29+s3], $0xE000, $0x38;
	[tilespmem:$0x1C880] =	vst v63  }
0x7b: {  	_ =	swait.ge [sflag:s5], $0xE000  }
0x7c: {  	[sflag:s5] =	ssyncset.done $0x0  }
0x7d: {  	[sflag:s5] =	ssyncadd.s32 $0xFFFF2000  }
0x7e: {  	[hbm4b:s28+s3] =	stream.linear.scatter [tilespmem:s3], [sflag:$0x2], $0xE000, $0x38;
	[tilespmem:$0x1C880] =	vst v63  }
0x7f: {  	_ =	swait.ge [sflag:s10], $0xE000  }
0x80: {  	[sflag:s10] =	ssyncset.done $0x0  }
0x81: {  	[sflag:s10] =	ssyncadd.s32 $0xFFFF2000  }
0x82: {  	[tilespmem:s3], [sflag:$0x1] =	stream.linear.gather [hbm4b:s26+s3], $0xE000, $0x38;
	[tilespmem:$0x1C880] =	vst v63  }
0x83: {  	_ =	swait.ge [sflag:s5], $0xE000  }
0x84: {  	[sflag:s5] =	ssyncset.done $0x0  }
0x85: {  	[sflag:s5] =	ssyncadd.s32 $0xFFFF2000  }
0x86: {  	[hbm4b:s25+s3] =	stream.linear.scatter [tilespmem:s15], [sflag:$0x2], $0xE000, $0x38;
	[tilespmem:$0x1C880] =	vst v63  }
0x87: {  	_ =	swait.ge [sflag:s10], $0xE000  }
0x88: {  	[sflag:s10] =	ssyncset.done $0x0  }
0x89: {  	[sflag:s10] =	ssyncadd.s32 $0xFFFF2000  }
0x8a: {  	[tilespmem:s15], [sflag:$0x1] =	stream.linear.gather [hbm4b:s24+s3], $0xE000, $0x38;
	[tilespmem:$0x1C880] =	vst v63  }
0x8b: {  	_ =	swait.ge [sflag:s5], $0xE000  }
0x8c: {  	[sflag:s5] =	ssyncset.done $0x0  }
0x8d: {  	[sflag:s5] =	ssyncadd.s32 $0xFFFF2000  }
0x8e: {  	[hbm4b:s23+s3] =	stream.linear.scatter [tilespmem:s3], [sflag:$0x2], $0xE000, $0x38;
	[tilespmem:$0x1C880] =	vst v63  }
0x8f: {  	_ =	swait.ge [sflag:s10], $0xE000  }
0x90: {  	[sflag:s10] =	ssyncset.done $0x0  }
0x91: {  	[sflag:s10] =	ssyncadd.s32 $0xFFFF2000  }
0x92: {  	[tilespmem:s3], [sflag:$0x1] =	stream.linear.gather [hbm4b:s22+s3], $0xE000, $0x38;
	[tilespmem:$0x1C880] =	vst v63  }
0x93: {  	_ =	swait.ge [sflag:s5], $0xE000  }
0x94: {  	[sflag:s5] =	ssyncset.done $0x0  }
0x95: {  	[sflag:s5] =	ssyncadd.s32 $0xFFFF2000  }
0x96: {  	[hbm4b:s21+s3] =	stream.linear.scatter [tilespmem:s15], [sflag:$0x2], $0xE000, $0x38;
	[tilespmem:$0x1C880] =	vst v63  }
0x97: {  	_ =	swait.ge [sflag:s10], $0xE000  }
0x98: {  	[sflag:s10] =	ssyncset.done $0x0  }
0x99: {  	[sflag:s10] =	ssyncadd.s32 $0xFFFF2000  }
0x9a: {  	[tilespmem:s15], [sflag:$0x1] =	stream.linear.gather [hbm4b:s20+s3], $0xE000, $0x38;
	[tilespmem:$0x1C880] =	vst v63  }
0x9b: {  	_ =	swait.ge [sflag:s5], $0xE000  }
0x9c: {  	[sflag:s5] =	ssyncset.done $0x0  }
0x9d: {  	[sflag:s5] =	ssyncadd.s32 $0xFFFF2000  }
0x9e: {  	[hbm4b:s19+s3] =	stream.linear.scatter [tilespmem:s3], [sflag:$0x2], $0xE000, $0x38;
	[tilespmem:$0x1C880] =	vst v63  }
0x9f: {  	_ =	swait.ge [sflag:s10], $0xE000  }
0xa0: {  	[sflag:s10] =	ssyncset.done $0x0  }
0xa1: {  	[sflag:s10] =	ssyncadd.s32 $0xFFFF2000  }
0xa2: {  	[tilespmem:s3], [sflag:$0x1] =	stream.linear.gather [hbm4b:s18+s3], $0xE000, $0x38;
	[tilespmem:$0x1C880] =	vst v63  }
0xa3: {  	_ =	swait.ge [sflag:s5], $0xE000  }
0xa4: {  	[sflag:s5] =	ssyncset.done $0x0  }
0xa5: {  	[sflag:s5] =	ssyncadd.s32 $0xFFFF2000  }
0xa6: {  	[hbm4b:s17+s3] =	stream.linear.scatter [tilespmem:s15], [sflag:$0x2], $0xE000, $0x38;
	[tilespmem:$0x1C880] =	vst v63  }
0xa7: {  	_ =	swait.ge [sflag:s10], $0xE000  }
0xa8: {  	[sflag:s10] =	ssyncset.done $0x0  }
0xa9: {  	[sflag:s10] =	ssyncadd.s32 $0xFFFF2000  }
0xaa: {  	[tilespmem:s15], [sflag:$0x1] =	stream.linear.gather [hbm4b:s16+s3], $0xE000, $0x38;
	[tilespmem:$0x1C880] =	vst v63  }
0xab: {  	_ =	swait.ge [sflag:s5], $0xE000  }
0xac: {  	[sflag:s5] =	ssyncset.done $0x0  }
0xad: {  	[sflag:s5] =	ssyncadd.s32 $0xFFFF2000  }
0xae: {  	[hbm4b:s14+s3] =	stream.linear.scatter [tilespmem:s3], [sflag:$0x2], $0xE000, $0x38;
	[tilespmem:$0x1C880] =	vst v63  }
0xaf: {  	_ =	swait.ge [sflag:s10], $0xE000  }
0xb0: {  	[sflag:s10] =	ssyncset.done $0x0  }
0xb1: {  	[sflag:s10] =	ssyncadd.s32 $0xFFFF2000  }
0xb2: {  	[tilespmem:s3], [sflag:$0x1] =	stream.linear.gather [hbm4b:s13+s3], $0x4000, $0x38;
	[tilespmem:$0x1C880] =	vst v63  }
0xb3: {  	_ =	swait.ge [sflag:s5], $0xE000  }
0xb4: {  	[sflag:s5] =	ssyncset.done $0x0  }
0xb5: {  	[sflag:s5] =	ssyncadd.s32 $0xFFFF2000  }
0xb6: {  	[hbm4b:s12+s3] =	stream.linear.scatter [tilespmem:s15], [sflag:$0x2], $0xE000, $0x38;
	[tilespmem:$0x1C880] =	vst v63  }
0xb7: {  	_ =	swait.ge [sflag:s5], $0x4000  }
0xb8: {  	[sflag:s5] =	ssyncset.done $0x0  }
0xb9: {  	[sflag:s5] =	ssyncadd.s32 $0xFFFFC000  }
0xba: {  	[hbm4b:s11+s3] =	stream.linear.scatter [tilespmem:s3], [sflag:$0x2], $0x4000, $0x38;
	[tilespmem:$0x1C880] =	vst v63  }
0xbb: {  	_ =	swait.ge [sflag:s10], $0xE000  }
0xbc: {  	[sflag:s10] =	ssyncset.done $0x0  }
0xbd: {  	[sflag:s10] =	ssyncadd.s32 $0xFFFF2000  }
0xbe: {  	_ =	swait.ge [sflag:s10], $0x4000  }
0xbf: {  	[sflag:s10] =	ssyncset.done $0x0  }
0xc0: {  	s1 =	rddreg [dreg:$0x5];
	[sflag:s10] =	ssyncadd.s32 $0xFFFFC000  }
0xc1: {  	[tilespmem:s6], [sflag:$0x3] =	stream.linear.gather [hbm4b:s1+s3], $0x80, $0x38;
	[tilespmem:$0x1C880] =	vst v63  }
0xc2: {  	_ =	swait.ge [sflag:s7], $0x80  }
0xc3: {  	[sflag:s7] =	ssyncset.done $0x0  }
0xc4: {  	[sflag:s7] =	ssyncadd.s32 $0xFFFFFF80  }
0xc5: {  	v1 =	vld [tilespmem:$0x1C800];
	_ =	sdelay $0x4  }
0xc6: {  	v1 =	vadd.s32 v0, v1  }
0xc7: {  	[tilespmem:$0x1C800] =	vst v1  }
0xc8: {  	[tilespmem:s8], [sflag:$0x3] =	stream.linear.gather [hbm4b:s4+s3], $0x800, $0x38;
	[tilespmem:$0x1C880] =	vst v63  }
0xc9: {  	_ =	swait.ge [sflag:s7], $0x800  }
0xca: {  	p1 =	sne.s32 s2, $0x1;
	[sflag:s7] =	ssyncset.done $0x0  }
.Ltmp1:
0xcb: {  	[sflag:s7] =	ssyncadd.s32 $0xFFFFF800;
	(pc) =	sbr.rel @!p1 .LBB2_3-.Ltmp1, $4  }
0xcc: {  	s1 =	rddreg [dreg:$0x3]  }
0xcd: {  	[hbm4b:s1+s9] =	stream.indirect.scatter [tilespmem:s8], [sflag:$0x1], $0x80, s6, s9, $0xb8;
	[tilespmem:$0x1C880] =	vst v63  }
0xce: {  	p0 =	por $0x1, $0x1;
	_ =	swait.ge [sflag:s5], $0x800  }
0xcf: {  	s1 =	sadd.s32 $0xFFFFFFFF, s2;
	s0 =	rddreg [dreg:$0x6];
	[sflag:s5] =	ssyncset.done $0x0  }
.LBB2_4:
0xd0: {  	[sflag:s5] =	ssyncadd.s32 $0xFFFFF800  }
0xd1: {  	[tilespmem:s3], [sflag:$0x1] =	stream.linear.gather [hbm4b:s0+s3], $0xE000, $0x38;
	[tilespmem:$0x1C880] =	vst v63  }
0xd2: {  	s2 =	rddreg [dreg:$0x7]  }
0xd3: {  	[tilespmem:s15], [sflag:$0x1] =	stream.linear.gather [hbm4b:s2+s3], $0xE000, $0x38;
	[tilespmem:$0x1C880] =	vst v63  }
0xd4: {  	_ =	swait.ge [sflag:s5], $0xE000  }
0xd5: {  	[sflag:s5] =	ssyncset.done $0x0  }
0xd6: {  	s2 =	rddreg [dreg:$0x8];
	[sflag:s5] =	ssyncadd.s32 $0xFFFF2000  }
0xd7: {  	[hbm4b:s2+s3] =	stream.linear.scatter [tilespmem:s3], [sflag:$0x2], $0xE000, $0x38;
	[tilespmem:$0x1C880] =	vst v63  }
0xd8: {  	_ =	swait.ge [sflag:s10], $0xE000  }
0xd9: {  	[sflag:s10] =	ssyncset.done $0x0  }
0xda: {  	s2 =	rddreg [dreg:$0x9];
	[sflag:s10] =	ssyncadd.s32 $0xFFFF2000  }
0xdb: {  	[tilespmem:s3], [sflag:$0x1] =	stream.linear.gather [hbm4b:s2+s3], $0xE000, $0x38;
	[tilespmem:$0x1C880] =	vst v63  }
0xdc: {  	_ =	swait.ge [sflag:s5], $0xE000  }
0xdd: {  	[sflag:s5] =	ssyncset.done $0x0  }
0xde: {  	s2 =	rddreg [dreg:$0xa];
	[sflag:s5] =	ssyncadd.s32 $0xFFFF2000  }
0xdf: {  	[hbm4b:s2+s3] =	stream.linear.scatter [tilespmem:s15], [sflag:$0x2], $0xE000, $0x38;
	[tilespmem:$0x1C880] =	vst v63  }
0xe0: {  	_ =	swait.ge [sflag:s10], $0xE000  }
0xe1: {  	[sflag:s10] =	ssyncset.done $0x0  }
0xe2: {  	s2 =	rddreg [dreg:$0xb];
	[sflag:s10] =	ssyncadd.s32 $0xFFFF2000  }
0xe3: {  	[tilespmem:s15], [sflag:$0x1] =	stream.linear.gather [hbm4b:s2+s3], $0xE000, $0x38;
	[tilespmem:$0x1C880] =	vst v63  }
0xe4: {  	_ =	swait.ge [sflag:s5], $0xE000  }
0xe5: {  	[sflag:s5] =	ssyncset.done $0x0  }
0xe6: {  	s2 =	rddreg [dreg:$0xc];
	[sflag:s5] =	ssyncadd.s32 $0xFFFF2000  }
0xe7: {  	[hbm4b:s2+s3] =	stream.linear.scatter [tilespmem:s3], [sflag:$0x2], $0xE000, $0x38;
	[tilespmem:$0x1C880] =	vst v63  }
0xe8: {  	_ =	swait.ge [sflag:s10], $0xE000  }
0xe9: {  	[sflag:s10] =	ssyncset.done $0x0  }
0xea: {  	s2 =	rddreg [dreg:$0xd];
	[sflag:s10] =	ssyncadd.s32 $0xFFFF2000  }
0xeb: {  	[tilespmem:s3], [sflag:$0x1] =	stream.linear.gather [hbm4b:s2+s3], $0xE000, $0x38;
	[tilespmem:$0x1C880] =	vst v63  }
0xec: {  	_ =	swait.ge [sflag:s5], $0xE000  }
0xed: {  	[sflag:s5] =	ssyncset.done $0x0  }
0xee: {  	s2 =	rddreg [dreg:$0xe];
	[sflag:s5] =	ssyncadd.s32 $0xFFFF2000  }
0xef: {  	[hbm4b:s2+s3] =	stream.linear.scatter [tilespmem:s15], [sflag:$0x2], $0xE000, $0x38;
	[tilespmem:$0x1C880] =	vst v63  }
0xf0: {  	_ =	swait.ge [sflag:s10], $0xE000  }
0xf1: {  	[sflag:s10] =	ssyncset.done $0x0  }
0xf2: {  	s2 =	rddreg [dreg:$0xf];
	[sflag:s10] =	ssyncadd.s32 $0xFFFF2000  }
0xf3: {  	[tilespmem:s15], [sflag:$0x1] =	stream.linear.gather [hbm4b:s2+s3], $0xE000, $0x38;
	[tilespmem:$0x1C880] =	vst v63  }
0xf4: {  	_ =	swait.ge [sflag:s5], $0xE000  }
0xf5: {  	[sflag:s5] =	ssyncset.done $0x0  }
0xf6: {  	s2 =	rddreg [dreg:$0x10];
	[sflag:s5] =	ssyncadd.s32 $0xFFFF2000  }
0xf7: {  	[hbm4b:s2+s3] =	stream.linear.scatter [tilespmem:s3], [sflag:$0x2], $0xE000, $0x38;
	[tilespmem:$0x1C880] =	vst v63  }
0xf8: {  	_ =	swait.ge [sflag:s10], $0xE000  }
0xf9: {  	[sflag:s10] =	ssyncset.done $0x0  }
0xfa: {  	s2 =	rddreg [dreg:$0x11];
	[sflag:s10] =	ssyncadd.s32 $0xFFFF2000  }
0xfb: {  	[tilespmem:s3], [sflag:$0x1] =	stream.linear.gather [hbm4b:s2+s3], $0xE000, $0x38;
	[tilespmem:$0x1C880] =	vst v63  }
0xfc: {  	_ =	swait.ge [sflag:s5], $0xE000  }
0xfd: {  	[sflag:s5] =	ssyncset.done $0x0  }
0xfe: {  	s2 =	rddreg [dreg:$0x12];
	[sflag:s5] =	ssyncadd.s32 $0xFFFF2000  }
0xff: {  	[hbm4b:s2+s3] =	stream.linear.scatter [tilespmem:s15], [sflag:$0x2], $0xE000, $0x38;
	[tilespmem:$0x1C880] =	vst v63  }
0x100: {  	_ =	swait.ge [sflag:s10], $0xE000  }
0x101: {  	[sflag:s10] =	ssyncset.done $0x0  }
0x102: {  	s2 =	rddreg [dreg:$0x13];
	[sflag:s10] =	ssyncadd.s32 $0xFFFF2000  }
0x103: {  	[tilespmem:s15], [sflag:$0x1] =	stream.linear.gather [hbm4b:s2+s3], $0xE000, $0x38;
	[tilespmem:$0x1C880] =	vst v63  }
0x104: {  	_ =	swait.ge [sflag:s5], $0xE000  }
0x105: {  	[sflag:s5] =	ssyncset.done $0x0  }
0x106: {  	s2 =	rddreg [dreg:$0x14];
	[sflag:s5] =	ssyncadd.s32 $0xFFFF2000  }
0x107: {  	[hbm4b:s2+s3] =	stream.linear.scatter [tilespmem:s3], [sflag:$0x2], $0xE000, $0x38;
	[tilespmem:$0x1C880] =	vst v63  }
0x108: {  	_ =	swait.ge [sflag:s10], $0xE000  }
0x109: {  	[sflag:s10] =	ssyncset.done $0x0  }
0x10a: {  	s2 =	rddreg [dreg:$0x15];
	[sflag:s10] =	ssyncadd.s32 $0xFFFF2000  }
0x10b: {  	[tilespmem:s3], [sflag:$0x1] =	stream.linear.gather [hbm4b:s2+s3], $0xE000, $0x38;
	[tilespmem:$0x1C880] =	vst v63  }
0x10c: {  	_ =	swait.ge [sflag:s5], $0xE000  }
0x10d: {  	[sflag:s5] =	ssyncset.done $0x0  }
0x10e: {  	s2 =	rddreg [dreg:$0x16];
	[sflag:s5] =	ssyncadd.s32 $0xFFFF2000  }
0x10f: {  	[hbm4b:s2+s3] =	stream.linear.scatter [tilespmem:s15], [sflag:$0x2], $0xE000, $0x38;
	[tilespmem:$0x1C880] =	vst v63  }
0x110: {  	_ =	swait.ge [sflag:s10], $0xE000  }
0x111: {  	[sflag:s10] =	ssyncset.done $0x0  }
0x112: {  	s2 =	rddreg [dreg:$0x17];
	[sflag:s10] =	ssyncadd.s32 $0xFFFF2000  }
0x113: {  	[tilespmem:s15], [sflag:$0x1] =	stream.linear.gather [hbm4b:s2+s3], $0xE000, $0x38;
	[tilespmem:$0x1C880] =	vst v63  }
0x114: {  	_ =	swait.ge [sflag:s5], $0xE000  }
0x115: {  	[sflag:s5] =	ssyncset.done $0x0  }
0x116: {  	s2 =	rddreg [dreg:$0x18];
	[sflag:s5] =	ssyncadd.s32 $0xFFFF2000  }
0x117: {  	[hbm4b:s2+s3] =	stream.linear.scatter [tilespmem:s3], [sflag:$0x2], $0xE000, $0x38;
	[tilespmem:$0x1C880] =	vst v63  }
0x118: {  	_ =	swait.ge [sflag:s10], $0xE000  }
0x119: {  	[sflag:s10] =	ssyncset.done $0x0  }
0x11a: {  	[sflag:s10] =	ssyncadd.s32 $0xFFFF2000  }
0x11b: {  	[tilespmem:s3], [sflag:$0x1] =	stream.linear.gather [hbm4b:s31+s3], $0xE000, $0x38;
	[tilespmem:$0x1C880] =	vst v63  }
0x11c: {  	_ =	swait.ge [sflag:s5], $0xE000  }
0x11d: {  	[sflag:s5] =	ssyncset.done $0x0  }
0x11e: {  	[sflag:s5] =	ssyncadd.s32 $0xFFFF2000  }
0x11f: {  	[hbm4b:s30+s3] =	stream.linear.scatter [tilespmem:s15], [sflag:$0x2], $0xE000, $0x38;
	[tilespmem:$0x1C880] =	vst v63  }
0x120: {  	_ =	swait.ge [sflag:s10], $0xE000  }
0x121: {  	[sflag:s10] =	ssyncset.done $0x0  }
0x122: {  	[sflag:s10] =	ssyncadd.s32 $0xFFFF2000  }
0x123: {  	[tilespmem:s15], [sflag:$0x1] =	stream.linear.gather [hbm4b:s29+s3], $0xE000, $0x38;
	[tilespmem:$0x1C880] =	vst v63  }
0x124: {  	_ =	swait.ge [sflag:s5], $0xE000  }
0x125: {  	[sflag:s5] =	ssyncset.done $0x0  }
0x126: {  	[sflag:s5] =	ssyncadd.s32 $0xFFFF2000  }
0x127: {  	[hbm4b:s28+s3] =	stream.linear.scatter [tilespmem:s3], [sflag:$0x2], $0xE000, $0x38;
	[tilespmem:$0x1C880] =	vst v63  }
0x128: {  	_ =	swait.ge [sflag:s10], $0xE000  }
0x129: {  	[sflag:s10] =	ssyncset.done $0x0  }
0x12a: {  	[sflag:s10] =	ssyncadd.s32 $0xFFFF2000  }
0x12b: {  	[tilespmem:s3], [sflag:$0x1] =	stream.linear.gather [hbm4b:s26+s3], $0xE000, $0x38;
	[tilespmem:$0x1C880] =	vst v63  }
0x12c: {  	_ =	swait.ge [sflag:s5], $0xE000  }
0x12d: {  	[sflag:s5] =	ssyncset.done $0x0  }
0x12e: {  	[sflag:s5] =	ssyncadd.s32 $0xFFFF2000  }
0x12f: {  	[hbm4b:s25+s3] =	stream.linear.scatter [tilespmem:s15], [sflag:$0x2], $0xE000, $0x38;
	[tilespmem:$0x1C880] =	vst v63  }
0x130: {  	_ =	swait.ge [sflag:s10], $0xE000  }
0x131: {  	[sflag:s10] =	ssyncset.done $0x0  }
0x132: {  	[sflag:s10] =	ssyncadd.s32 $0xFFFF2000  }
0x133: {  	[tilespmem:s15], [sflag:$0x1] =	stream.linear.gather [hbm4b:s24+s3], $0xE000, $0x38;
	[tilespmem:$0x1C880] =	vst v63  }
0x134: {  	_ =	swait.ge [sflag:s5], $0xE000  }
0x135: {  	[sflag:s5] =	ssyncset.done $0x0  }
0x136: {  	[sflag:s5] =	ssyncadd.s32 $0xFFFF2000  }
0x137: {  	[hbm4b:s23+s3] =	stream.linear.scatter [tilespmem:s3], [sflag:$0x2], $0xE000, $0x38;
	[tilespmem:$0x1C880] =	vst v63  }
0x138: {  	_ =	swait.ge [sflag:s10], $0xE000  }
0x139: {  	[sflag:s10] =	ssyncset.done $0x0  }
0x13a: {  	[sflag:s10] =	ssyncadd.s32 $0xFFFF2000  }
0x13b: {  	[tilespmem:s3], [sflag:$0x1] =	stream.linear.gather [hbm4b:s22+s3], $0xE000, $0x38;
	[tilespmem:$0x1C880] =	vst v63  }
0x13c: {  	_ =	swait.ge [sflag:s5], $0xE000  }
0x13d: {  	[sflag:s5] =	ssyncset.done $0x0  }
0x13e: {  	[sflag:s5] =	ssyncadd.s32 $0xFFFF2000  }
0x13f: {  	[hbm4b:s21+s3] =	stream.linear.scatter [tilespmem:s15], [sflag:$0x2], $0xE000, $0x38;
	[tilespmem:$0x1C880] =	vst v63  }
0x140: {  	_ =	swait.ge [sflag:s10], $0xE000  }
0x141: {  	[sflag:s10] =	ssyncset.done $0x0  }
0x142: {  	[sflag:s10] =	ssyncadd.s32 $0xFFFF2000  }
0x143: {  	[tilespmem:s15], [sflag:$0x1] =	stream.linear.gather [hbm4b:s20+s3], $0xE000, $0x38;
	[tilespmem:$0x1C880] =	vst v63  }
0x144: {  	_ =	swait.ge [sflag:s5], $0xE000  }
0x145: {  	[sflag:s5] =	ssyncset.done $0x0  }
0x146: {  	[sflag:s5] =	ssyncadd.s32 $0xFFFF2000  }
0x147: {  	[hbm4b:s19+s3] =	stream.linear.scatter [tilespmem:s3], [sflag:$0x2], $0xE000, $0x38;
	[tilespmem:$0x1C880] =	vst v63  }
0x148: {  	_ =	swait.ge [sflag:s10], $0xE000  }
0x149: {  	[sflag:s10] =	ssyncset.done $0x0  }
0x14a: {  	[sflag:s10] =	ssyncadd.s32 $0xFFFF2000  }
0x14b: {  	[tilespmem:s3], [sflag:$0x1] =	stream.linear.gather [hbm4b:s18+s3], $0xE000, $0x38;
	[tilespmem:$0x1C880] =	vst v63  }
0x14c: {  	_ =	swait.ge [sflag:s5], $0xE000  }
0x14d: {  	[sflag:s5] =	ssyncset.done $0x0  }
0x14e: {  	[sflag:s5] =	ssyncadd.s32 $0xFFFF2000  }
0x14f: {  	[hbm4b:s17+s3] =	stream.linear.scatter [tilespmem:s15], [sflag:$0x2], $0xE000, $0x38;
	[tilespmem:$0x1C880] =	vst v63  }
0x150: {  	_ =	swait.ge [sflag:s10], $0xE000  }
0x151: {  	[sflag:s10] =	ssyncset.done $0x0  }
0x152: {  	[sflag:s10] =	ssyncadd.s32 $0xFFFF2000  }
0x153: {  	[tilespmem:s15], [sflag:$0x1] =	stream.linear.gather [hbm4b:s16+s3], $0xE000, $0x38;
	[tilespmem:$0x1C880] =	vst v63  }
0x154: {  	_ =	swait.ge [sflag:s5], $0xE000  }
0x155: {  	[sflag:s5] =	ssyncset.done $0x0  }
0x156: {  	[sflag:s5] =	ssyncadd.s32 $0xFFFF2000  }
0x157: {  	[hbm4b:s14+s3] =	stream.linear.scatter [tilespmem:s3], [sflag:$0x2], $0xE000, $0x38;
	[tilespmem:$0x1C880] =	vst v63  }
0x158: {  	_ =	swait.ge [sflag:s10], $0xE000  }
0x159: {  	[sflag:s10] =	ssyncset.done $0x0  }
0x15a: {  	[sflag:s10] =	ssyncadd.s32 $0xFFFF2000  }
0x15b: {  	[tilespmem:s3], [sflag:$0x1] =	stream.linear.gather [hbm4b:s13+s3], $0x4000, $0x38;
	[tilespmem:$0x1C880] =	vst v63  }
0x15c: {  	_ =	swait.ge [sflag:s5], $0xE000  }
0x15d: {  	[sflag:s5] =	ssyncset.done $0x0  }
0x15e: {  	[sflag:s5] =	ssyncadd.s32 $0xFFFF2000  }
0x15f: {  	[hbm4b:s12+s3] =	stream.linear.scatter [tilespmem:s15], [sflag:$0x2], $0xE000, $0x38;
	[tilespmem:$0x1C880] =	vst v63  }
0x160: {  	_ =	swait.ge [sflag:s5], $0x4000  }
0x161: {  	[sflag:s5] =	ssyncset.done $0x0  }
0x162: {  	[sflag:s5] =	ssyncadd.s32 $0xFFFFC000  }
0x163: {  	[hbm4b:s11+s3] =	stream.linear.scatter [tilespmem:s3], [sflag:$0x2], $0x4000, $0x38;
	[tilespmem:$0x1C880] =	vst v63  }
0x164: {  	_ =	swait.ge [sflag:s10], $0xE000  }
0x165: {  	[sflag:s10] =	ssyncset.done $0x0  }
0x166: {  	[sflag:s10] =	ssyncadd.s32 $0xFFFF2000  }
0x167: {  	_ =	swait.ge [sflag:s10], $0x4000  }
0x168: {  	[sflag:s10] =	ssyncset.done $0x0  }
0x169: {  	s2 =	rddreg [dreg:$0x5];
	[sflag:s10] =	ssyncadd.s32 $0xFFFFC000  }
0x16a: {  	[tilespmem:s6], [sflag:$0x3] =	stream.linear.gather [hbm4b:s2+s3], $0x80, $0x38;
	[tilespmem:$0x1C880] =	vst v63  }
0x16b: {  	_ =	swait.ge [sflag:s7], $0x80  }
0x16c: {  	[sflag:s7] =	ssyncset.done $0x0  }
0x16d: {  	[sflag:s7] =	ssyncadd.s32 $0xFFFFFF80  }
0x16e: {  	v1 =	vld [tilespmem:$0x1C800];
	_ =	sdelay $0x4  }
0x16f: {  	v1 =	vadd.s32 v0, v1  }
0x170: {  	[tilespmem:$0x1C800] =	vst v1  }
0x171: {  	[tilespmem:s8], [sflag:$0x3] =	stream.linear.gather [hbm4b:s4+s3], $0x800, $0x38;
	[tilespmem:$0x1C880] =	vst v63  }
0x172: {  	_ =	swait.ge [sflag:s7], $0x800  }
0x173: {  	p1 =	sne.s32 s1, $0x1;
	[sflag:s7] =	ssyncset.done $0x0  }
.Ltmp2:
0x174: {  	[sflag:s7] =	ssyncadd.s32 $0xFFFFF800;
	(pc) =	sbr.rel @p1 .LBB2_4-.Ltmp2, $4  }
0x175: {  	s2 =	rddreg [dreg:$0x3]  }
0x176: {  	[hbm4b:s2+s9] =	stream.indirect.scatter [tilespmem:s8], [sflag:$0x1], $0x80, s6, s9, $0xb8;
	[tilespmem:$0x1C880] =	vst v63  }
0x177: {  	_ =	swait.ge [sflag:s5], $0x800  }
0x178: {  	s1 =	sadd.s32 $0xFFFFFFFF, s1;
	s0 =	rddreg [dreg:$0x6];
	[sflag:s5] =	ssyncset.done $0x0  }
0x179: {  	s9 =	rddreg [dreg:$0x3];
	s2 =	stileid.u32  }
.LBB2_6:
0x17a: {  	[sflag:s5] =	ssyncadd.s32 @p0 $0xFFFFF800  }
0x17b: {  	[tilespmem:s3], [sflag:$0x1] =	stream.linear.gather [hbm4b:s0+s3], $0xE000, $0x38;
	[tilespmem:$0x1C880] =	vst v63  }
0x17c: {  	s1 =	rddreg [dreg:$0x7]  }
0x17d: {  	[tilespmem:s15], [sflag:$0x1] =	stream.linear.gather [hbm4b:s1+s3], $0xE000, $0x38;
	[tilespmem:$0x1C880] =	vst v63  }
0x17e: {  	_ =	swait.ge [sflag:s5], $0xE000  }
0x17f: {  	[sflag:s5] =	ssyncset.done $0x0  }
0x180: {  	s1 =	rddreg [dreg:$0x8];
	[sflag:s5] =	ssyncadd.s32 $0xFFFF2000  }
0x181: {  	[hbm4b:s1+s3] =	stream.linear.scatter [tilespmem:s3], [sflag:$0x2], $0xE000, $0x38;
	[tilespmem:$0x1C880] =	vst v63  }
0x182: {  	_ =	swait.ge [sflag:s10], $0xE000  }
0x183: {  	[sflag:s10] =	ssyncset.done $0x0  }
0x184: {  	s1 =	rddreg [dreg:$0x9];
	[sflag:s10] =	ssyncadd.s32 $0xFFFF2000  }
0x185: {  	[tilespmem:s3], [sflag:$0x1] =	stream.linear.gather [hbm4b:s1+s3], $0xE000, $0x38;
	[tilespmem:$0x1C880] =	vst v63  }
0x186: {  	_ =	swait.ge [sflag:s5], $0xE000  }
0x187: {  	[sflag:s5] =	ssyncset.done $0x0  }
0x188: {  	s1 =	rddreg [dreg:$0xa];
	[sflag:s5] =	ssyncadd.s32 $0xFFFF2000  }
0x189: {  	[hbm4b:s1+s3] =	stream.linear.scatter [tilespmem:s15], [sflag:$0x2], $0xE000, $0x38;
	[tilespmem:$0x1C880] =	vst v63  }
0x18a: {  	_ =	swait.ge [sflag:s10], $0xE000  }
0x18b: {  	[sflag:s10] =	ssyncset.done $0x0  }
0x18c: {  	s1 =	rddreg [dreg:$0xb];
	[sflag:s10] =	ssyncadd.s32 $0xFFFF2000  }
0x18d: {  	[tilespmem:s15], [sflag:$0x1] =	stream.linear.gather [hbm4b:s1+s3], $0xE000, $0x38;
	[tilespmem:$0x1C880] =	vst v63  }
0x18e: {  	_ =	swait.ge [sflag:s5], $0xE000  }
0x18f: {  	[sflag:s5] =	ssyncset.done $0x0  }
0x190: {  	s1 =	rddreg [dreg:$0xc];
	[sflag:s5] =	ssyncadd.s32 $0xFFFF2000  }
0x191: {  	[hbm4b:s1+s3] =	stream.linear.scatter [tilespmem:s3], [sflag:$0x2], $0xE000, $0x38;
	[tilespmem:$0x1C880] =	vst v63  }
0x192: {  	_ =	swait.ge [sflag:s10], $0xE000  }
0x193: {  	[sflag:s10] =	ssyncset.done $0x0  }
0x194: {  	s1 =	rddreg [dreg:$0xd];
	[sflag:s10] =	ssyncadd.s32 $0xFFFF2000  }
0x195: {  	[tilespmem:s3], [sflag:$0x1] =	stream.linear.gather [hbm4b:s1+s3], $0xE000, $0x38;
	[tilespmem:$0x1C880] =	vst v63  }
0x196: {  	_ =	swait.ge [sflag:s5], $0xE000  }
0x197: {  	[sflag:s5] =	ssyncset.done $0x0  }
0x198: {  	s1 =	rddreg [dreg:$0xe];
	[sflag:s5] =	ssyncadd.s32 $0xFFFF2000  }
0x199: {  	[hbm4b:s1+s3] =	stream.linear.scatter [tilespmem:s15], [sflag:$0x2], $0xE000, $0x38;
	[tilespmem:$0x1C880] =	vst v63  }
0x19a: {  	_ =	swait.ge [sflag:s10], $0xE000  }
0x19b: {  	[sflag:s10] =	ssyncset.done $0x0  }
0x19c: {  	s1 =	rddreg [dreg:$0xf];
	[sflag:s10] =	ssyncadd.s32 $0xFFFF2000  }
0x19d: {  	[tilespmem:s15], [sflag:$0x1] =	stream.linear.gather [hbm4b:s1+s3], $0xE000, $0x38;
	[tilespmem:$0x1C880] =	vst v63  }
0x19e: {  	_ =	swait.ge [sflag:s5], $0xE000  }
0x19f: {  	[sflag:s5] =	ssyncset.done $0x0  }
0x1a0: {  	s1 =	rddreg [dreg:$0x10];
	[sflag:s5] =	ssyncadd.s32 $0xFFFF2000  }
0x1a1: {  	[hbm4b:s1+s3] =	stream.linear.scatter [tilespmem:s3], [sflag:$0x2], $0xE000, $0x38;
	[tilespmem:$0x1C880] =	vst v63  }
0x1a2: {  	_ =	swait.ge [sflag:s10], $0xE000  }
0x1a3: {  	[sflag:s10] =	ssyncset.done $0x0  }
0x1a4: {  	s1 =	rddreg [dreg:$0x11];
	[sflag:s10] =	ssyncadd.s32 $0xFFFF2000  }
0x1a5: {  	[tilespmem:s3], [sflag:$0x1] =	stream.linear.gather [hbm4b:s1+s3], $0xE000, $0x38;
	[tilespmem:$0x1C880] =	vst v63  }
0x1a6: {  	_ =	swait.ge [sflag:s5], $0xE000  }
0x1a7: {  	[sflag:s5] =	ssyncset.done $0x0  }
0x1a8: {  	s1 =	rddreg [dreg:$0x12];
	[sflag:s5] =	ssyncadd.s32 $0xFFFF2000  }
0x1a9: {  	[hbm4b:s1+s3] =	stream.linear.scatter [tilespmem:s15], [sflag:$0x2], $0xE000, $0x38;
	[tilespmem:$0x1C880] =	vst v63  }
0x1aa: {  	_ =	swait.ge [sflag:s10], $0xE000  }
0x1ab: {  	[sflag:s10] =	ssyncset.done $0x0  }
0x1ac: {  	s1 =	rddreg [dreg:$0x13];
	[sflag:s10] =	ssyncadd.s32 $0xFFFF2000  }
0x1ad: {  	[tilespmem:s15], [sflag:$0x1] =	stream.linear.gather [hbm4b:s1+s3], $0xE000, $0x38;
	[tilespmem:$0x1C880] =	vst v63  }
0x1ae: {  	_ =	swait.ge [sflag:s5], $0xE000  }
0x1af: {  	[sflag:s5] =	ssyncset.done $0x0  }
0x1b0: {  	s1 =	rddreg [dreg:$0x14];
	[sflag:s5] =	ssyncadd.s32 $0xFFFF2000  }
0x1b1: {  	[hbm4b:s1+s3] =	stream.linear.scatter [tilespmem:s3], [sflag:$0x2], $0xE000, $0x38;
	[tilespmem:$0x1C880] =	vst v63  }
0x1b2: {  	_ =	swait.ge [sflag:s10], $0xE000  }
0x1b3: {  	[sflag:s10] =	ssyncset.done $0x0  }
0x1b4: {  	s1 =	rddreg [dreg:$0x15];
	[sflag:s10] =	ssyncadd.s32 $0xFFFF2000  }
0x1b5: {  	[tilespmem:s3], [sflag:$0x1] =	stream.linear.gather [hbm4b:s1+s3], $0xE000, $0x38;
	[tilespmem:$0x1C880] =	vst v63  }
0x1b6: {  	_ =	swait.ge [sflag:s5], $0xE000  }
0x1b7: {  	[sflag:s5] =	ssyncset.done $0x0  }
0x1b8: {  	s1 =	rddreg [dreg:$0x16];
	[sflag:s5] =	ssyncadd.s32 $0xFFFF2000  }
0x1b9: {  	[hbm4b:s1+s3] =	stream.linear.scatter [tilespmem:s15], [sflag:$0x2], $0xE000, $0x38;
	[tilespmem:$0x1C880] =	vst v63  }
0x1ba: {  	_ =	swait.ge [sflag:s10], $0xE000  }
0x1bb: {  	[sflag:s10] =	ssyncset.done $0x0  }
0x1bc: {  	s1 =	rddreg [dreg:$0x17];
	[sflag:s10] =	ssyncadd.s32 $0xFFFF2000  }
0x1bd: {  	[tilespmem:s15], [sflag:$0x1] =	stream.linear.gather [hbm4b:s1+s3], $0xE000, $0x38;
	[tilespmem:$0x1C880] =	vst v63  }
0x1be: {  	_ =	swait.ge [sflag:s5], $0xE000  }
0x1bf: {  	[sflag:s5] =	ssyncset.done $0x0  }
0x1c0: {  	s1 =	rddreg [dreg:$0x18];
	[sflag:s5] =	ssyncadd.s32 $0xFFFF2000  }
0x1c1: {  	[hbm4b:s1+s3] =	stream.linear.scatter [tilespmem:s3], [sflag:$0x2], $0xE000, $0x38;
	[tilespmem:$0x1C880] =	vst v63  }
0x1c2: {  	_ =	swait.ge [sflag:s10], $0xE000  }
0x1c3: {  	[sflag:s10] =	ssyncset.done $0x0  }
0x1c4: {  	[sflag:s10] =	ssyncadd.s32 $0xFFFF2000  }
0x1c5: {  	[tilespmem:s3], [sflag:$0x1] =	stream.linear.gather [hbm4b:s31+s3], $0xE000, $0x38;
	[tilespmem:$0x1C880] =	vst v63  }
0x1c6: {  	_ =	swait.ge [sflag:s5], $0xE000  }
0x1c7: {  	[sflag:s5] =	ssyncset.done $0x0  }
0x1c8: {  	[sflag:s5] =	ssyncadd.s32 $0xFFFF2000  }
0x1c9: {  	[hbm4b:s30+s3] =	stream.linear.scatter [tilespmem:s15], [sflag:$0x2], $0xE000, $0x38;
	[tilespmem:$0x1C880] =	vst v63  }
0x1ca: {  	_ =	swait.ge [sflag:s10], $0xE000  }
0x1cb: {  	[sflag:s10] =	ssyncset.done $0x0  }
0x1cc: {  	[sflag:s10] =	ssyncadd.s32 $0xFFFF2000  }
0x1cd: {  	[tilespmem:s15], [sflag:$0x1] =	stream.linear.gather [hbm4b:s29+s3], $0xE000, $0x38;
	[tilespmem:$0x1C880] =	vst v63  }
0x1ce: {  	_ =	swait.ge [sflag:s5], $0xE000  }
0x1cf: {  	[sflag:s5] =	ssyncset.done $0x0  }
0x1d0: {  	[sflag:s5] =	ssyncadd.s32 $0xFFFF2000  }
0x1d1: {  	[hbm4b:s28+s3] =	stream.linear.scatter [tilespmem:s3], [sflag:$0x2], $0xE000, $0x38;
	[tilespmem:$0x1C880] =	vst v63  }
0x1d2: {  	_ =	swait.ge [sflag:s10], $0xE000  }
0x1d3: {  	[sflag:s10] =	ssyncset.done $0x0  }
0x1d4: {  	[sflag:s10] =	ssyncadd.s32 $0xFFFF2000  }
0x1d5: {  	[tilespmem:s3], [sflag:$0x1] =	stream.linear.gather [hbm4b:s26+s3], $0xE000, $0x38;
	[tilespmem:$0x1C880] =	vst v63  }
0x1d6: {  	_ =	swait.ge [sflag:s5], $0xE000  }
0x1d7: {  	[sflag:s5] =	ssyncset.done $0x0  }
0x1d8: {  	[sflag:s5] =	ssyncadd.s32 $0xFFFF2000  }
0x1d9: {  	[hbm4b:s25+s3] =	stream.linear.scatter [tilespmem:s15], [sflag:$0x2], $0xE000, $0x38;
	[tilespmem:$0x1C880] =	vst v63  }
0x1da: {  	_ =	swait.ge [sflag:s10], $0xE000  }
0x1db: {  	[sflag:s10] =	ssyncset.done $0x0  }
0x1dc: {  	[sflag:s10] =	ssyncadd.s32 $0xFFFF2000  }
0x1dd: {  	[tilespmem:s15], [sflag:$0x1] =	stream.linear.gather [hbm4b:s24+s3], $0xE000, $0x38;
	[tilespmem:$0x1C880] =	vst v63  }
0x1de: {  	_ =	swait.ge [sflag:s5], $0xE000  }
0x1df: {  	[sflag:s5] =	ssyncset.done $0x0  }
0x1e0: {  	[sflag:s5] =	ssyncadd.s32 $0xFFFF2000  }
0x1e1: {  	[hbm4b:s23+s3] =	stream.linear.scatter [tilespmem:s3], [sflag:$0x2], $0xE000, $0x38;
	[tilespmem:$0x1C880] =	vst v63  }
0x1e2: {  	_ =	swait.ge [sflag:s10], $0xE000  }
0x1e3: {  	[sflag:s10] =	ssyncset.done $0x0  }
0x1e4: {  	[sflag:s10] =	ssyncadd.s32 $0xFFFF2000  }
0x1e5: {  	[tilespmem:s3], [sflag:$0x1] =	stream.linear.gather [hbm4b:s22+s3], $0xE000, $0x38;
	[tilespmem:$0x1C880] =	vst v63  }
0x1e6: {  	_ =	swait.ge [sflag:s5], $0xE000  }
0x1e7: {  	[sflag:s5] =	ssyncset.done $0x0  }
0x1e8: {  	[sflag:s5] =	ssyncadd.s32 $0xFFFF2000  }
0x1e9: {  	[hbm4b:s21+s3] =	stream.linear.scatter [tilespmem:s15], [sflag:$0x2], $0xE000, $0x38;
	[tilespmem:$0x1C880] =	vst v63  }
0x1ea: {  	_ =	swait.ge [sflag:s10], $0xE000  }
0x1eb: {  	[sflag:s10] =	ssyncset.done $0x0  }
0x1ec: {  	[sflag:s10] =	ssyncadd.s32 $0xFFFF2000  }
0x1ed: {  	[tilespmem:s15], [sflag:$0x1] =	stream.linear.gather [hbm4b:s20+s3], $0xE000, $0x38;
	[tilespmem:$0x1C880] =	vst v63  }
0x1ee: {  	_ =	swait.ge [sflag:s5], $0xE000  }
0x1ef: {  	[sflag:s5] =	ssyncset.done $0x0  }
0x1f0: {  	[sflag:s5] =	ssyncadd.s32 $0xFFFF2000  }
0x1f1: {  	[hbm4b:s19+s3] =	stream.linear.scatter [tilespmem:s3], [sflag:$0x2], $0xE000, $0x38;
	[tilespmem:$0x1C880] =	vst v63  }
0x1f2: {  	_ =	swait.ge [sflag:s10], $0xE000  }
0x1f3: {  	[sflag:s10] =	ssyncset.done $0x0  }
0x1f4: {  	[sflag:s10] =	ssyncadd.s32 $0xFFFF2000  }
0x1f5: {  	[tilespmem:s3], [sflag:$0x1] =	stream.linear.gather [hbm4b:s18+s3], $0xE000, $0x38;
	[tilespmem:$0x1C880] =	vst v63  }
0x1f6: {  	_ =	swait.ge [sflag:s5], $0xE000  }
0x1f7: {  	[sflag:s5] =	ssyncset.done $0x0  }
0x1f8: {  	[sflag:s5] =	ssyncadd.s32 $0xFFFF2000  }
0x1f9: {  	[hbm4b:s17+s3] =	stream.linear.scatter [tilespmem:s15], [sflag:$0x2], $0xE000, $0x38;
	[tilespmem:$0x1C880] =	vst v63  }
0x1fa: {  	_ =	swait.ge [sflag:s10], $0xE000  }
0x1fb: {  	[sflag:s10] =	ssyncset.done $0x0  }
0x1fc: {  	[sflag:s10] =	ssyncadd.s32 $0xFFFF2000  }
0x1fd: {  	[tilespmem:s15], [sflag:$0x1] =	stream.linear.gather [hbm4b:s16+s3], $0xE000, $0x38;
	[tilespmem:$0x1C880] =	vst v63  }
0x1fe: {  	_ =	swait.ge [sflag:s5], $0xE000  }
0x1ff: {  	[sflag:s5] =	ssyncset.done $0x0  }
0x200: {  	[sflag:s5] =	ssyncadd.s32 $0xFFFF2000  }
0x201: {  	[hbm4b:s14+s3] =	stream.linear.scatter [tilespmem:s3], [sflag:$0x2], $0xE000, $0x38;
	[tilespmem:$0x1C880] =	vst v63  }
0x202: {  	_ =	swait.ge [sflag:s10], $0xE000  }
0x203: {  	[sflag:s10] =	ssyncset.done $0x0  }
0x204: {  	[sflag:s10] =	ssyncadd.s32 $0xFFFF2000  }
0x205: {  	[tilespmem:s3], [sflag:$0x1] =	stream.linear.gather [hbm4b:s13+s3], $0x4000, $0x38;
	[tilespmem:$0x1C880] =	vst v63  }
0x206: {  	_ =	swait.ge [sflag:s5], $0xE000  }
0x207: {  	[sflag:s5] =	ssyncset.done $0x0  }
0x208: {  	[sflag:s5] =	ssyncadd.s32 $0xFFFF2000  }
0x209: {  	[hbm4b:s12+s3] =	stream.linear.scatter [tilespmem:s15], [sflag:$0x2], $0xE000, $0x38;
	[tilespmem:$0x1C880] =	vst v63  }
0x20a: {  	_ =	swait.ge [sflag:s5], $0x4000  }
0x20b: {  	[sflag:s5] =	ssyncset.done $0x0  }
0x20c: {  	[sflag:s5] =	ssyncadd.s32 $0xFFFFC000  }
0x20d: {  	[hbm4b:s11+s3] =	stream.linear.scatter [tilespmem:s3], [sflag:$0x2], $0x4000, $0x38;
	[tilespmem:$0x1C880] =	vst v63  }
0x20e: {  	_ =	swait.ge [sflag:s10], $0xE000  }
0x20f: {  	[sflag:s10] =	ssyncset.done $0x0  }
0x210: {  	[sflag:s10] =	ssyncadd.s32 $0xFFFF2000  }
0x211: {  	_ =	swait.ge [sflag:s10], $0x4000  }
0x212: {  	[sflag:s10] =	ssyncset.done $0x0  }
0x213: {  	s30 =	rddreg [dreg:$0x5];
	[sflag:s10] =	ssyncadd.s32 $0xFFFFC000  }
0x214: {  	[tilespmem:s6], [sflag:$0x3] =	stream.linear.gather [hbm4b:s30+s3], $0x80, $0x38;
	[tilespmem:$0x1C880] =	vst v63  }
0x215: {  	_ =	swait.ge [sflag:s7], $0x80  }
0x216: {  	[sflag:s7] =	ssyncset.done $0x0  }
0x217: {  	[sflag:s7] =	ssyncadd.s32 $0xFFFFFF80  }
0x218: {  	v1 =	vld [tilespmem:$0x1C800];
	_ =	sdelay $0x4  }
0x219: {  	v0 =	vadd.s32 v0, v1  }
0x21a: {  	[tilespmem:$0x1C800] =	vst v0  }
0x21b: {  	[tilespmem:s8], [sflag:$0x3] =	stream.linear.gather [hbm4b:s4+s3], $0x800, $0x38;
	[tilespmem:$0x1C880] =	vst v63  }
0x21c: {  	_ =	swait.ge [sflag:s7], $0x800  }
0x21d: {  	[sflag:s7] =	ssyncset.done $0x0  }
0x21e: {  	s31 =	simm.s32 $0x10;
	[sflag:s7] =	ssyncadd.s32 $0xFFFFF800  }
0x21f: {  	[hbm4b:s9+s31] =	stream.indirect.scatter [tilespmem:s8], [sflag:$0x1], $0x80, s6, s31, $0xb8;
	[tilespmem:$0x1C880] =	vst v63  }
0x220: {  	_ =	swait.ge [sflag:s5], $0x800  }
0x221: {  	[sflag:s5] =	ssyncset.done $0x0  }
0x222: {  	[sflag:s5] =	ssyncadd.s32 $0xFFFFF800  }
0x223: {  	_ =	sfence.sel $0x180000  }
0x224: {  	[bflag:$0x0] =	sbarrier.arrive $0xFFFF  }
0x225: {  	_ =	strace $0x90000047  }
0x226: {  	[bflag:$0x2] =	sbarrier.arrive $0xFFFF  }
0x227: {  	p0 =	sne.s32 s2, $0x0;
	s0 =	rddreg [dreg:$0x4]  }
0x228: {  	s0 =	sadd.s32 @!p0 $0x100000, s0  }
0x229: {  	[sflag:s0] =	ssyncadd.tile.s32 @!p0 $0x1;
	_ =	shalt  }
.LBB2_1:
.Ltmp3:
0x22a: {  	(pc) =	sbr.rel .LBB2_6-.Ltmp3, $2  }
0x22b: {  	_ =	sdelay $0x2  }
0x22c: {  	s9 =	rddreg [dreg:$0x3]  }
.LBB2_3:
.Ltmp4:
0x22d: {  	(pc) =	sbr.rel .LBB2_6-.Ltmp4, $2  }
0x22e: {  	_ =	sdelay $0x2  }
0x22f: {  	s9 =	rddreg [dreg:$0x3];
	s2 =	stileid.u32  }
.Lfunc_end2:
_tile_overlayer_lowered:
.L_overlay_start_2:
0x230: {  	(tag) =	ssettag $0x2  }
0x231: {  	s0 =	rddreg [dreg:$0x0];
	s2 =	stileid.u32  }
0x232: {  	s1 =	rddreg [dreg:$0x1];
	p0 =	sne.s32 s2, $0x0  }
0x233: {  	s3 =	rddreg [dreg:$0x2];
	[bflag:$0x3] =	sbarrier.arrive $0xFFFF;
	s2 =	simm.s32 @!p0 $0x1C03  }
0x234: {  	[timem:s3], [sflag:s2] =	dma.local @!p0 [hbm:s0], s1  }
0x235: {  	s0 =	simm.s32 @!p0 $0x3  }
0x236: {  	_ =	swait.ge @!p0 [sflag:s0], s1  }
0x237: {  	s1 =	ssub.s32 @!p0 $0x0, s1;
	[sflag:s0] =	ssyncset.done @!p0 $0x0  }
0x238: {  	[sflag:s0] =	ssyncadd.s32 @!p0 s1  }
0x239: {  	[bflag:$0x3] =	sbarrier.arrive $0xFFFF  }
0x23a: {  	_ =	shalt  }

</sc_bundles>
